<compile_context>
chip_gen: v7x
topology: tpu7x:2x2x1
jax: 0.10.2.dev20260603
libtpu: 0.0.44.dev20260713+nightly
codegen_flags: <defaults>
</compile_context>

<pallas_src>
import functools

import jax
import jax.numpy as jnp
from jax import lax
from jax.experimental import pallas as pl
from jax.experimental.pallas import tpu as pltpu
from jax.experimental.pallas import tpu_sc as plsc

_NUM_CORES = 2
_NUM_SUBCORES = 16
_NUM_WORKERS = _NUM_CORES * _NUM_SUBCORES
_LANES = 16


@functools.lru_cache(maxsize=None)
def _build_relayout(vocab: int, dim: int):
    n_full = vocab // 128
    per_w = -(-n_full // _NUM_WORKERS)

    mesh = plsc.VectorSubcoreMesh(core_axis_name="c", subcore_axis_name="s")

    @functools.partial(
        pl.kernel,
        mesh=mesh,
        out_type=jax.ShapeDtypeStruct((vocab // 2, 2 * dim), jnp.float32),
        scratch_types=(
            [pltpu.VMEM((dim, 128), jnp.float32) for _ in range(2)]
            + [pltpu.VMEM((64, 2 * dim), jnp.float32) for _ in range(2)]
            + [pltpu.SemaphoreType.DMA for _ in range(4)]
        ),
        compiler_params=pltpu.CompilerParams(needs_layout_passes=False),
    )
    def relayout_kernel(wt_hbm, tail_hbm, w2_hbm, *scr):
        slab_v = scr[0:2]
        outb_v = scr[2:4]
        sem_s = scr[4:6]
        sem_o = scr[6:8]

        wid = lax.axis_index("s") * _NUM_CORES + lax.axis_index("c")
        blk0 = wid * per_w
        blk_end = jnp.minimum(blk0 + per_w, n_full)
        comp_iota = lax.iota(jnp.int32, _LANES)

        def slab_start(blk, b):
            pltpu.async_copy(wt_hbm.at[:, pl.ds(blk * 128, 128)], slab_v[b], sem_s[b])

        def slab_wait(blk, b):
            pltpu.make_async_copy(
                wt_hbm.at[:, pl.ds(blk * 128, 128)], slab_v[b], sem_s[b]
            ).wait()

        def transpose(b):
            vvecs = [2 * p0 + comp_iota for p0 in range(0, 64, 8)]
            pvecs = [
                p0 + lax.shift_right_logical(comp_iota, 1) for p0 in range(0, 64, 8)
            ]
            halfbase = lax.shift_left(lax.bitwise_and(comp_iota, 1), 6)

            def col_body(c, carry):
                for dc in (0, 32):
                    comp_vec = lax.bitwise_and(comp_iota + (c + dc), 63)
                    col_vec = halfbase + comp_vec
                    gathered = [
                        plsc.load_gather(slab_v[b], [comp_vec, vvecs[g]])
                        for g in range(8)
                    ]
                    for g in range(8):
                        plsc.store_scatter(outb_v[b], [pvecs[g], col_vec], gathered[g])
                return carry

            lax.fori_loop(0, 32, col_body, 0)

        def store_start(blk, b):
            pltpu.async_copy(outb_v[b], w2_hbm.at[pl.ds(blk * 64, 64), :], sem_o[b])

        def store_wait(blk, b):
            pltpu.make_async_copy(
                outb_v[b], w2_hbm.at[pl.ds(blk * 64, 64), :], sem_o[b]
            ).wait()

        @pl.when(blk0 < n_full)
        def _():
            slab_start(blk0, 0)

        def do_pair(t, carry):
            for b in range(2):
                blk = blk0 + 2 * t + b

                @pl.when(blk < blk_end)
                def _():
                    @pl.when(blk + 1 < blk_end)
                    def _():
                        slab_start(blk + 1, 1 - b)

                    slab_wait(blk, b)

                    @pl.when(blk - 2 >= blk0)
                    def _():
                        store_wait(blk - 2, b)

                    transpose(b)
                    store_start(blk, b)

            return carry

        lax.fori_loop(0, -(-per_w // 2), do_pair, 0)

        last_off = blk_end - 1 - blk0
        for b in range(2):
            blk_b = blk_end - 1 - lax.rem(last_off + 2 - b, 2)

            @pl.when(blk_b >= blk0)
            def _():
                store_wait(blk_b, b)

        @pl.when(wid == _NUM_WORKERS - 1)
        def _():
            n_tail_pairs = (vocab - n_full * 128) // 2
            pltpu.sync_copy(tail_hbm, outb_v[0].at[pl.ds(0, n_tail_pairs), :])
            pltpu.sync_copy(
                outb_v[0].at[pl.ds(0, n_tail_pairs), :],
                w2_hbm.at[pl.ds(n_full * 64, n_tail_pairs), :],
            )

    return relayout_kernel


@functools.lru_cache(maxsize=None)
def _build_lookup(batch: int, hist: int, dim: int, vocab: int):
    bw = batch // _NUM_WORKERS
    assert batch % (_NUM_WORKERS * _LANES) == 0
    n_groups = bw // _LANES

    mesh = plsc.VectorSubcoreMesh(core_axis_name="c", subcore_axis_name="s")

    @functools.partial(
        pl.kernel,
        mesh=mesh,
        out_type=jax.ShapeDtypeStruct((hist, dim, batch), jnp.float32),
        scratch_types=(
            [pltpu.VMEM((bw,), jnp.int32) for _ in range(2)]
            + [pltpu.VMEM((bw,), jnp.int32) for _ in range(2)]
            + [pltpu.VMEM((bw,), jnp.int32) for _ in range(2)]
            + [pltpu.VMEM((bw, 2 * dim), jnp.float32) for _ in range(2)]
            + [pltpu.VMEM((dim, bw), jnp.float32) for _ in range(2)]
            + [pltpu.SemaphoreType.DMA for _ in range(6)]
        ),
        compiler_params=pltpu.CompilerParams(needs_layout_passes=False),
    )
    def lookup_kernel(tok_hbm, w2_hbm, out_hbm, *scr):
        idx_v = scr[0:2]
        pp_v = scr[2:4]
        col_v = scr[4:6]
        pair_v = scr[6:8]
        outb_v = scr[8:10]
        sem_i = scr[10:12]
        sem_g = scr[12:14]
        sem_o = scr[14:16]

        wid = lax.axis_index("s") * _NUM_CORES + lax.axis_index("c")
        b0 = wid * bw
        lane_iota = lax.iota(jnp.int32, _LANES)

        def idx_start(h, b):
            pltpu.async_copy(tok_hbm.at[pl.ds(h * batch + b0, bw)], idx_v[b], sem_i[b])

        def idx_wait(h, b):
            pltpu.make_async_copy(
                tok_hbm.at[pl.ds(h * batch + b0, bw)], idx_v[b], sem_i[b]
            ).wait()

        def prep(b):
            for q in range(n_groups):
                sl = pl.ds(_LANES * q, _LANES)
                t = idx_v[b][sl]
                pp_v[b][sl] = lax.shift_right_logical(t, 1)
                col_v[b][sl] = lax.shift_left(lax.bitwise_and(t, 1), 6)

        def gather_start(b):
            pltpu.async_copy(w2_hbm.at[pp_v[b]], pair_v[b], sem_g[b])

        def gather_wait(b):
            pltpu.make_async_copy(w2_hbm.at[pp_v[b]], pair_v[b], sem_g[b]).wait()

        def transpose(b):
            j_vecs = [lane_iota + _LANES * q for q in range(n_groups)]
            col0s = [col_v[b][pl.ds(_LANES * q, _LANES)] for q in range(n_groups)]

            def col_body(c, carry):
                for dc in range(0, dim, dim // 2):
                    comp_vec = lax.bitwise_and(lane_iota + (c + dc), dim - 1)
                    gathered = [
                        plsc.load_gather(pair_v[b], [j_vecs[q], col0s[q] + comp_vec])
                        for q in range(n_groups)
                    ]
                    for q in range(n_groups):
                        plsc.store_scatter(
                            outb_v[b], [comp_vec, j_vecs[q]], gathered[q]
                        )
                return carry

            lax.fori_loop(0, dim // 2, col_body, 0)

        def store_start(h, b):
            pltpu.async_copy(outb_v[b], out_hbm.at[h, :, pl.ds(b0, bw)], sem_o[b])

        def store_wait(h, b):
            pltpu.make_async_copy(
                outb_v[b], out_hbm.at[h, :, pl.ds(b0, bw)], sem_o[b]
            ).wait()

        idx_start(0, 0)

        def do_group(t, carry):
            for b in range(2):
                h = 2 * t + b
                pb = 1 - b
                idx_wait(h, b)
                prep(b)
                gather_start(b)

                @pl.when(h + 1 < hist)
                def _():
                    idx_start(h + 1, pb)

                @pl.when(h >= 1)
                def _():
                    @pl.when(h >= 3)
                    def _():
                        store_wait(h - 3, pb)

                    gather_wait(pb)
                    transpose(pb)
                    store_start(h - 1, pb)

            return carry

        lax.fori_loop(0, hist // 2, do_group, 0)

        last = hist - 1
        lb = last % 2
        store_wait(last - 2, lb)
        gather_wait(lb)
        transpose(lb)
        store_start(last, lb)
        store_wait(last - 1, 1 - lb)
        store_wait(last, lb)

    return lookup_kernel


def kernel(token_ids, weight):
    batch, hist = token_ids.shape
    vocab, dim = weight.shape
    n_tail = vocab - (vocab // 128) * 128
    tail = weight[vocab - n_tail :, :].reshape(n_tail // 2, 2 * dim)
    w2 = _build_relayout(vocab, dim)(weight.T, tail)
    tok_flat = token_ids.T.reshape(-1).astype(jnp.int32)
    out_t = _build_lookup(batch, hist, dim, vocab)(tok_flat, w2)
    return out_t.transpose(2, 0, 1)

# --- scband reference (transcript-rebuilt; emitter-appended) ---
"""Pipeline reference for scband-embedding-55413668053169 (READ-ONLY COPY).

The authoritative reference and input builder live on the scoring server;
editing this copy changes nothing except your own understanding.
"""

import jax, jax.numpy as jnp
import numpy as np

VOCAB = 1000000
EMBED_DIM = 64
BATCH = 4096
HIST = 200

def setup_inputs(seed: int = 0) -> dict:
    key = jax.random.key(seed)
    k1, k2 = jax.random.split(key)
    token_ids = jax.random.randint(k1, (BATCH, HIST), 0, VOCAB, dtype=jnp.int64 if jax.config.jax_enable_x64 else jnp.int32)
    # weight initialized with trunc_normal(std=1, a=-3, b=3), matching torch init
    weight = jax.random.truncated_normal(k2, -3.0, 3.0, (VOCAB, EMBED_DIM), dtype=jnp.float32)
    return {"token_ids": token_ids, "weight": weight}

def reference(token_ids, weight):
    # Embedding lookup: weight[token_ids] -> (BATCH, HIST, EMBED_DIM)
    return jnp.take(weight, token_ids, axis=0)

if __name__ == "__main__":
    import jax
    _d = setup_inputs()
    print(jax.jit(kernel)(*tuple(_d.values())))

</pallas_src>

<mosaic_0001>
#map = affine_map<(d0, d1) -> (0, 0)>
module attributes {stable_mosaic.version = 14 : i64} {
  func.func @relayout_kernel(%arg0: i32, %arg1: i32, %arg2: memref<64x1000000xf32, #tpu.memory_space<hbm>>, %arg3: memref<32x128xf32, #tpu.memory_space<hbm>>, %arg4: memref<500000x128xf32, #tpu.memory_space<hbm>>, %arg5: memref<64x128xf32, #tpu.memory_space<vmem>>, %arg6: memref<64x128xf32, #tpu.memory_space<vmem>>, %arg7: memref<64x128xf32, #tpu.memory_space<vmem>>, %arg8: memref<64x128xf32, #tpu.memory_space<vmem>>, %arg9: memref<!tpu.dma_semaphore, #tpu.memory_space<semaphore_mem>>, %arg10: memref<!tpu.dma_semaphore, #tpu.memory_space<semaphore_mem>>, %arg11: memref<!tpu.dma_semaphore, #tpu.memory_space<semaphore_mem>>, %arg12: memref<!tpu.dma_semaphore, #tpu.memory_space<semaphore_mem>>) attributes {dimension_semantics = [#tpu.dimension_semantics<core_parallel>, #tpu.dimension_semantics<subcore_parallel>], iteration_bounds = array<i64: 2, 16>, scalar_prefetch = 0 : i64, scratch_operands = 8 : i64, tpu.core_type = #tpu.core_type<sc_vector_subcore>, window_params = [{transform_indices = #map}, {transform_indices = #map}, {transform_indices = #map}]} {
    %mul3A = arith.constant 2 : i32
    %mul3A_0 = arith.muli %arg1, %mul3A : i32
    %add3A = arith.addi %mul3A_0, %arg0 : i32
    %mul3A_1 = arith.constant 245 : i32
    %mul3A_2 = arith.muli %add3A, %mul3A_1 : i32
    %add3A_3 = arith.constant 245 : i32
    %add3A_4 = arith.addi %mul3A_2, %add3A_3 : i32
    %min3A = arith.constant 7812 : i32
    %min3A_5 = arith.minsi %add3A_4, %min3A : i32
    %iota3A = tpu.iota {dimensions = array<i32: 0>} : vector<16xi32>
    %lt3A = arith.constant 7812 : i32
    %lt3A_6 = arith.cmpi slt, %mul3A_2, %lt3A : i32
    %convert_element_type3A = arith.extui %lt3A_6 : i1 to i32
    %cond3A = arith.constant 0 : i32
    %cond3A_7 = arith.cmpi ne, %convert_element_type3A, %cond3A : i32
    scf.if %cond3A_7 {
      %mul3A_43 = arith.constant 128 : i32
      %mul3A_44 = arith.muli %mul3A_2, %mul3A_43 : i32
      %dma_start3A = arith.constant 0 : i32
      %dma_start3A_45 = tpu.memref_slice %arg2[%dma_start3A, %mul3A_44] : memref<64x1000000xf32, #tpu.memory_space<hbm>> -> memref<64x128xf32, #tpu.memory_space<hbm>>
      %dma_start3A_46 = arith.constant 0 : i32
      %dma_start3A_47 = tpu.memref_slice %arg2[%dma_start3A_46, %mul3A_44] : memref<64x1000000xf32, #tpu.memory_space<hbm>> -> memref<64x128xf32, #tpu.memory_space<hbm>>
      tpu.enqueue_dma source(%dma_start3A_47 : memref<64x128xf32, #tpu.memory_space<hbm>>) target(%arg5 : memref<64x128xf32, #tpu.memory_space<vmem>>) target_semaphore(%arg9 : memref<!tpu.dma_semaphore, #tpu.memory_space<semaphore_mem>>)
    } else {
    }
    %scan3A = arith.constant 0 : i32
    %scan3A_8 = arith.constant 0 : i32
    %scan3A_9 = arith.constant 123 : i32
    %scan3A_10 = arith.addi %scan3A_8, %scan3A_9 : i32
    %scan3A_11 = arith.constant 1 : i32
    scf.for %scan3A_43 = %scan3A_8 to %scan3A_10 step %scan3A_11  : i32 {
      %mul3A_44 = arith.constant 2 : i32
      %mul3A_45 = arith.muli %mul3A_44, %scan3A_43 : i32
      %add3A_46 = arith.addi %mul3A_2, %mul3A_45 : i32
      %add3A_47 = arith.constant 0 : i32
      %add3A_48 = arith.addi %add3A_46, %add3A_47 : i32
      %lt3A_49 = arith.cmpi slt, %add3A_48, %min3A_5 : i32
      %convert_element_type3A_50 = arith.extui %lt3A_49 : i1 to i32
      %cond3A_51 = arith.constant 0 : i32
      %cond3A_52 = arith.cmpi ne, %convert_element_type3A_50, %cond3A_51 : i32
      scf.if %cond3A_52 {
        %add3A_62 = arith.constant 1 : i32
        %add3A_63 = arith.addi %add3A_48, %add3A_62 : i32
        %lt3A_64 = arith.cmpi slt, %add3A_63, %min3A_5 : i32
        %convert_element_type3A_65 = arith.extui %lt3A_64 : i1 to i32
        %cond3A_66 = arith.constant 0 : i32
        %cond3A_67 = arith.cmpi ne, %convert_element_type3A_65, %cond3A_66 : i32
        scf.if %cond3A_67 {
          %add3A_165 = arith.constant 1 : i32
          %add3A_166 = arith.addi %add3A_48, %add3A_165 : i32
          %mul3A_167 = arith.constant 128 : i32
          %mul3A_168 = arith.muli %add3A_166, %mul3A_167 : i32
          %dma_start3A_169 = arith.constant 0 : i32
          %dma_start3A_170 = tpu.memref_slice %arg2[%dma_start3A_169, %mul3A_168] : memref<64x1000000xf32, #tpu.memory_space<hbm>> -> memref<64x128xf32, #tpu.memory_space<hbm>>
          %dma_start3A_171 = arith.constant 0 : i32
          %dma_start3A_172 = tpu.memref_slice %arg2[%dma_start3A_171, %mul3A_168] : memref<64x1000000xf32, #tpu.memory_space<hbm>> -> memref<64x128xf32, #tpu.memory_space<hbm>>
          tpu.enqueue_dma source(%dma_start3A_172 : memref<64x128xf32, #tpu.memory_space<hbm>>) target(%arg6 : memref<64x128xf32, #tpu.memory_space<vmem>>) target_semaphore(%arg10 : memref<!tpu.dma_semaphore, #tpu.memory_space<semaphore_mem>>)
        } else {
        }
        %mul3A_68 = arith.constant 128 : i32
        %mul3A_69 = arith.muli %add3A_48, %mul3A_68 : i32
        %dma_wait3A = arith.constant 0 : i32
        %dma_wait3A_70 = tpu.memref_slice %arg2[%dma_wait3A, %mul3A_69] : memref<64x1000000xf32, #tpu.memory_space<hbm>> -> memref<64x128xf32, #tpu.memory_space<hbm>>
        %dma_wait3A_71 = arith.constant 0 : i32
        %dma_wait3A_72 = tpu.memref_slice %arg2[%dma_wait3A_71, %mul3A_69] : memref<64x1000000xf32, #tpu.memory_space<hbm>> -> memref<64x128xf32, #tpu.memory_space<hbm>>
        tpu.wait_dma2 semaphore(%arg9 : memref<!tpu.dma_semaphore, #tpu.memory_space<semaphore_mem>>) src(%dma_wait3A_72 : memref<64x128xf32, #tpu.memory_space<hbm>>) dst(%arg5 : memref<64x128xf32, #tpu.memory_space<vmem>>)
        %sub3A_73 = arith.constant 2 : i32
        %sub3A_74 = arith.subi %add3A_48, %sub3A_73 : i32
        %ge3A_75 = arith.cmpi sge, %sub3A_74, %mul3A_2 : i32
        %convert_element_type3A_76 = arith.extui %ge3A_75 : i1 to i32
        %cond3A_77 = arith.constant 0 : i32
        %cond3A_78 = arith.cmpi ne, %convert_element_type3A_76, %cond3A_77 : i32
        scf.if %cond3A_78 {
          %sub3A_165 = arith.constant 2 : i32
          %sub3A_166 = arith.subi %add3A_48, %sub3A_165 : i32
          %mul3A_167 = arith.constant 64 : i32
          %mul3A_168 = arith.muli %sub3A_166, %mul3A_167 : i32
          %dma_wait3A_169 = arith.constant 0 : i32
          %dma_wait3A_170 = tpu.memref_slice %arg4[%mul3A_168, %dma_wait3A_169] : memref<500000x128xf32, #tpu.memory_space<hbm>> -> memref<64x128xf32, #tpu.memory_space<hbm>>
          %dma_wait3A_171 = arith.constant 0 : i32
          %dma_wait3A_172 = tpu.memref_slice %arg4[%mul3A_168, %dma_wait3A_171] : memref<500000x128xf32, #tpu.memory_space<hbm>> -> memref<64x128xf32, #tpu.memory_space<hbm>>
          tpu.wait_dma2 semaphore(%arg11 : memref<!tpu.dma_semaphore, #tpu.memory_space<semaphore_mem>>) src(%arg7 : memref<64x128xf32, #tpu.memory_space<vmem>>) dst(%dma_wait3A_172 : memref<64x128xf32, #tpu.memory_space<hbm>>)
        } else {
        }
        %add3A_79 = arith.constant 0 : i32
        %add3A_80 = vector.broadcast %add3A_79 : i32 to vector<16xi32>
        %add3A_81 = arith.addi %add3A_80, %iota3A : vector<16xi32>
        %add3A_82 = arith.constant 16 : i32
        %add3A_83 = vector.broadcast %add3A_82 : i32 to vector<16xi32>
        %add3A_84 = arith.addi %add3A_83, %iota3A : vector<16xi32>
        %add3A_85 = arith.constant 32 : i32
        %add3A_86 = vector.broadcast %add3A_85 : i32 to vector<16xi32>
        %add3A_87 = arith.addi %add3A_86, %iota3A : vector<16xi32>
        %add3A_88 = arith.constant 48 : i32
        %add3A_89 = vector.broadcast %add3A_88 : i32 to vector<16xi32>
        %add3A_90 = arith.addi %add3A_89, %iota3A : vector<16xi32>
        %add3A_91 = arith.constant 64 : i32
        %add3A_92 = vector.broadcast %add3A_91 : i32 to vector<16xi32>
        %add3A_93 = arith.addi %add3A_92, %iota3A : vector<16xi32>
        %add3A_94 = arith.constant 80 : i32
        %add3A_95 = vector.broadcast %add3A_94 : i32 to vector<16xi32>
        %add3A_96 = arith.addi %add3A_95, %iota3A : vector<16xi32>
        %add3A_97 = arith.constant 96 : i32
        %add3A_98 = vector.broadcast %add3A_97 : i32 to vector<16xi32>
        %add3A_99 = arith.addi %add3A_98, %iota3A : vector<16xi32>
        %add3A_100 = arith.constant 112 : i32
        %add3A_101 = vector.broadcast %add3A_100 : i32 to vector<16xi32>
        %add3A_102 = arith.addi %add3A_101, %iota3A : vector<16xi32>
        %shift_right_logical3A = arith.constant 1 : i32
        %shift_right_logical3A_103 = vector.broadcast %shift_right_logical3A : i32 to vector<16xi32>
        %shift_right_logical3A_104 = arith.shrui %iota3A, %shift_right_logical3A_103 : vector<16xi32>
        %add3A_105 = arith.constant 0 : i32
        %add3A_106 = vector.broadcast %add3A_105 : i32 to vector<16xi32>
        %add3A_107 = arith.addi %add3A_106, %shift_right_logical3A_104 : vector<16xi32>
        %shift_right_logical3A_108 = arith.constant 1 : i32
        %shift_right_logical3A_109 = vector.broadcast %shift_right_logical3A_108 : i32 to vector<16xi32>
        %shift_right_logical3A_110 = arith.shrui %iota3A, %shift_right_logical3A_109 : vector<16xi32>
        %add3A_111 = arith.constant 8 : i32
        %add3A_112 = vector.broadcast %add3A_111 : i32 to vector<16xi32>
        %add3A_113 = arith.addi %add3A_112, %shift_right_logical3A_110 : vector<16xi32>
        %shift_right_logical3A_114 = arith.constant 1 : i32
        %shift_right_logical3A_115 = vector.broadcast %shift_right_logical3A_114 : i32 to vector<16xi32>
        %shift_right_logical3A_116 = arith.shrui %iota3A, %shift_right_logical3A_115 : vector<16xi32>
        %add3A_117 = arith.constant 16 : i32
        %add3A_118 = vector.broadcast %add3A_117 : i32 to vector<16xi32>
        %add3A_119 = arith.addi %add3A_118, %shift_right_logical3A_116 : vector<16xi32>
        %shift_right_logical3A_120 = arith.constant 1 : i32
        %shift_right_logical3A_121 = vector.broadcast %shift_right_logical3A_120 : i32 to vector<16xi32>
        %shift_right_logical3A_122 = arith.shrui %iota3A, %shift_right_logical3A_121 : vector<16xi32>
        %add3A_123 = arith.constant 24 : i32
        %add3A_124 = vector.broadcast %add3A_123 : i32 to vector<16xi32>
        %add3A_125 = arith.addi %add3A_124, %shift_right_logical3A_122 : vector<16xi32>
        %shift_right_logical3A_126 = arith.constant 1 : i32
        %shift_right_logical3A_127 = vector.broadcast %shift_right_logical3A_126 : i32 to vector<16xi32>
        %shift_right_logical3A_128 = arith.shrui %iota3A, %shift_right_logical3A_127 : vector<16xi32>
        %add3A_129 = arith.constant 32 : i32
        %add3A_130 = vector.broadcast %add3A_129 : i32 to vector<16xi32>
        %add3A_131 = arith.addi %add3A_130, %shift_right_logical3A_128 : vector<16xi32>
        %shift_right_logical3A_132 = arith.constant 1 : i32
        %shift_right_logical3A_133 = vector.broadcast %shift_right_logical3A_132 : i32 to vector<16xi32>
        %shift_right_logical3A_134 = arith.shrui %iota3A, %shift_right_logical3A_133 : vector<16xi32>
        %add3A_135 = arith.constant 40 : i32
        %add3A_136 = vector.broadcast %add3A_135 : i32 to vector<16xi32>
        %add3A_137 = arith.addi %add3A_136, %shift_right_logical3A_134 : vector<16xi32>
        %shift_right_logical3A_138 = arith.constant 1 : i32
        %shift_right_logical3A_139 = vector.broadcast %shift_right_logical3A_138 : i32 to vector<16xi32>
        %shift_right_logical3A_140 = arith.shrui %iota3A, %shift_right_logical3A_139 : vector<16xi32>
        %add3A_141 = arith.constant 48 : i32
        %add3A_142 = vector.broadcast %add3A_141 : i32 to vector<16xi32>
        %add3A_143 = arith.addi %add3A_142, %shift_right_logical3A_140 : vector<16xi32>
        %shift_right_logical3A_144 = arith.constant 1 : i32
        %shift_right_logical3A_145 = vector.broadcast %shift_right_logical3A_144 : i32 to vector<16xi32>
        %shift_right_logical3A_146 = arith.shrui %iota3A, %shift_right_logical3A_145 : vector<16xi32>
        %add3A_147 = arith.constant 56 : i32
        %add3A_148 = vector.broadcast %add3A_147 : i32 to vector<16xi32>
        %add3A_149 = arith.addi %add3A_148, %shift_right_logical3A_146 : vector<16xi32>
        %and3A = arith.constant 1 : i32
        %and3A_150 = vector.broadcast %and3A : i32 to vector<16xi32>
        %and3A_151 = arith.andi %iota3A, %and3A_150 : vector<16xi32>
        %shift_left3A = arith.constant 6 : i32
        %shift_left3A_152 = vector.broadcast %shift_left3A : i32 to vector<16xi32>
        %shift_left3A_153 = arith.shli %and3A_151, %shift_left3A_152 : vector<16xi32>
        %scan3A_154 = arith.constant 0 : i32
        %scan3A_155 = arith.constant 0 : i32
        %scan3A_156 = arith.constant 32 : i32
        %scan3A_157 = arith.addi %scan3A_155, %scan3A_156 : i32
        %scan3A_158 = arith.constant 1 : i32
        scf.for %scan3A_165 = %scan3A_155 to %scan3A_157 step %scan3A_158  : i32 {
          %add3A_166 = arith.constant 0 : i32
          %add3A_167 = arith.addi %scan3A_165, %add3A_166 : i32
          %add3A_168 = vector.broadcast %add3A_167 : i32 to vector<16xi32>
          %add3A_169 = arith.addi %iota3A, %add3A_168 : vector<16xi32>
          %and3A_170 = arith.constant 63 : i32
          %and3A_171 = vector.broadcast %and3A_170 : i32 to vector<16xi32>
          %and3A_172 = arith.andi %add3A_169, %and3A_171 : vector<16xi32>
          %add3A_173 = arith.addi %shift_left3A_153, %and3A_172 : vector<16xi32>
          %gather3A = tpu.vector_load_idx %arg5[%and3A_172, %add3A_81] : memref<64x128xf32, #tpu.memory_space<vmem>>[vector<16xi32>, vector<16xi32>], vector<16xf32>,
          %gather3A_174 = tpu.vector_load_idx %arg5[%and3A_172, %add3A_84] : memref<64x128xf32, #tpu.memory_space<vmem>>[vector<16xi32>, vector<16xi32>], vector<16xf32>,
          %gather3A_175 = tpu.vector_load_idx %arg5[%and3A_172, %add3A_87] : memref<64x128xf32, #tpu.memory_space<vmem>>[vector<16xi32>, vector<16xi32>], vector<16xf32>,
          %gather3A_176 = tpu.vector_load_idx %arg5[%and3A_172, %add3A_90] : memref<64x128xf32, #tpu.memory_space<vmem>>[vector<16xi32>, vector<16xi32>], vector<16xf32>,
          %gather3A_177 = tpu.vector_load_idx %arg5[%and3A_172, %add3A_93] : memref<64x128xf32, #tpu.memory_space<vmem>>[vector<16xi32>, vector<16xi32>], vector<16xf32>,
          %gather3A_178 = tpu.vector_load_idx %arg5[%and3A_172, %add3A_96] : memref<64x128xf32, #tpu.memory_space<vmem>>[vector<16xi32>, vector<16xi32>], vector<16xf32>,
          %gather3A_179 = tpu.vector_load_idx %arg5[%and3A_172, %add3A_99] : memref<64x128xf32, #tpu.memory_space<vmem>>[vector<16xi32>, vector<16xi32>], vector<16xf32>,
          %gather3A_180 = tpu.vector_load_idx %arg5[%and3A_172, %add3A_102] : memref<64x128xf32, #tpu.memory_space<vmem>>[vector<16xi32>, vector<16xi32>], vector<16xf32>,
          tpu.vector_store_idx %arg7[%add3A_107, %add3A_173], %gather3A : memref<64x128xf32, #tpu.memory_space<vmem>>[vector<16xi32>, vector<16xi32>], vector<16xf32>,
          tpu.vector_store_idx %arg7[%add3A_113, %add3A_173], %gather3A_174 : memref<64x128xf32, #tpu.memory_space<vmem>>[vector<16xi32>, vector<16xi32>], vector<16xf32>,
          tpu.vector_store_idx %arg7[%add3A_119, %add3A_173], %gather3A_175 : memref<64x128xf32, #tpu.memory_space<vmem>>[vector<16xi32>, vector<16xi32>], vector<16xf32>,
          tpu.vector_store_idx %arg7[%add3A_125, %add3A_173], %gather3A_176 : memref<64x128xf32, #tpu.memory_space<vmem>>[vector<16xi32>, vector<16xi32>], vector<16xf32>,
          tpu.vector_store_idx %arg7[%add3A_131, %add3A_173], %gather3A_177 : memref<64x128xf32, #tpu.memory_space<vmem>>[vector<16xi32>, vector<16xi32>], vector<16xf32>,
          tpu.vector_store_idx %arg7[%add3A_137, %add3A_173], %gather3A_178 : memref<64x128xf32, #tpu.memory_space<vmem>>[vector<16xi32>, vector<16xi32>], vector<16xf32>,
          tpu.vector_store_idx %arg7[%add3A_143, %add3A_173], %gather3A_179 : memref<64x128xf32, #tpu.memory_space<vmem>>[vector<16xi32>, vector<16xi32>], vector<16xf32>,
          tpu.vector_store_idx %arg7[%add3A_149, %add3A_173], %gather3A_180 : memref<64x128xf32, #tpu.memory_space<vmem>>[vector<16xi32>, vector<16xi32>], vector<16xf32>,
          %add3A_181 = arith.constant 32 : i32
          %add3A_182 = arith.addi %scan3A_165, %add3A_181 : i32
          %add3A_183 = vector.broadcast %add3A_182 : i32 to vector<16xi32>
          %add3A_184 = arith.addi %iota3A, %add3A_183 : vector<16xi32>
          %and3A_185 = arith.constant 63 : i32
          %and3A_186 = vector.broadcast %and3A_185 : i32 to vector<16xi32>
          %and3A_187 = arith.andi %add3A_184, %and3A_186 : vector<16xi32>
          %add3A_188 = arith.addi %shift_left3A_153, %and3A_187 : vector<16xi32>
          %gather3A_189 = tpu.vector_load_idx %arg5[%and3A_187, %add3A_81] : memref<64x128xf32, #tpu.memory_space<vmem>>[vector<16xi32>, vector<16xi32>], vector<16xf32>,
          %gather3A_190 = tpu.vector_load_idx %arg5[%and3A_187, %add3A_84] : memref<64x128xf32, #tpu.memory_space<vmem>>[vector<16xi32>, vector<16xi32>], vector<16xf32>,
          %gather3A_191 = tpu.vector_load_idx %arg5[%and3A_187, %add3A_87] : memref<64x128xf32, #tpu.memory_space<vmem>>[vector<16xi32>, vector<16xi32>], vector<16xf32>,
          %gather3A_192 = tpu.vector_load_idx %arg5[%and3A_187, %add3A_90] : memref<64x128xf32, #tpu.memory_space<vmem>>[vector<16xi32>, vector<16xi32>], vector<16xf32>,
          %gather3A_193 = tpu.vector_load_idx %arg5[%and3A_187, %add3A_93] : memref<64x128xf32, #tpu.memory_space<vmem>>[vector<16xi32>, vector<16xi32>], vector<16xf32>,
          %gather3A_194 = tpu.vector_load_idx %arg5[%and3A_187, %add3A_96] : memref<64x128xf32, #tpu.memory_space<vmem>>[vector<16xi32>, vector<16xi32>], vector<16xf32>,
          %gather3A_195 = tpu.vector_load_idx %arg5[%and3A_187, %add3A_99] : memref<64x128xf32, #tpu.memory_space<vmem>>[vector<16xi32>, vector<16xi32>], vector<16xf32>,
          %gather3A_196 = tpu.vector_load_idx %arg5[%and3A_187, %add3A_102] : memref<64x128xf32, #tpu.memory_space<vmem>>[vector<16xi32>, vector<16xi32>], vector<16xf32>,
          tpu.vector_store_idx %arg7[%add3A_107, %add3A_188], %gather3A_189 : memref<64x128xf32, #tpu.memory_space<vmem>>[vector<16xi32>, vector<16xi32>], vector<16xf32>,
          tpu.vector_store_idx %arg7[%add3A_113, %add3A_188], %gather3A_190 : memref<64x128xf32, #tpu.memory_space<vmem>>[vector<16xi32>, vector<16xi32>], vector<16xf32>,
          tpu.vector_store_idx %arg7[%add3A_119, %add3A_188], %gather3A_191 : memref<64x128xf32, #tpu.memory_space<vmem>>[vector<16xi32>, vector<16xi32>], vector<16xf32>,
          tpu.vector_store_idx %arg7[%add3A_125, %add3A_188], %gather3A_192 : memref<64x128xf32, #tpu.memory_space<vmem>>[vector<16xi32>, vector<16xi32>], vector<16xf32>,
          tpu.vector_store_idx %arg7[%add3A_131, %add3A_188], %gather3A_193 : memref<64x128xf32, #tpu.memory_space<vmem>>[vector<16xi32>, vector<16xi32>], vector<16xf32>,
          tpu.vector_store_idx %arg7[%add3A_137, %add3A_188], %gather3A_194 : memref<64x128xf32, #tpu.memory_space<vmem>>[vector<16xi32>, vector<16xi32>], vector<16xf32>,
          tpu.vector_store_idx %arg7[%add3A_143, %add3A_188], %gather3A_195 : memref<64x128xf32, #tpu.memory_space<vmem>>[vector<16xi32>, vector<16xi32>], vector<16xf32>,
          tpu.vector_store_idx %arg7[%add3A_149, %add3A_188], %gather3A_196 : memref<64x128xf32, #tpu.memory_space<vmem>>[vector<16xi32>, vector<16xi32>], vector<16xf32>,
        }
        %scan3A_159 = arith.constant 32 : i32
        %mul3A_160 = arith.constant 64 : i32
        %mul3A_161 = arith.muli %add3A_48, %mul3A_160 : i32
        %dma_start3A = arith.constant 0 : i32
        %dma_start3A_162 = tpu.memref_slice %arg4[%mul3A_161, %dma_start3A] : memref<500000x128xf32, #tpu.memory_space<hbm>> -> memref<64x128xf32, #tpu.memory_space<hbm>>
        %dma_start3A_163 = arith.constant 0 : i32
        %dma_start3A_164 = tpu.memref_slice %arg4[%mul3A_161, %dma_start3A_163] : memref<500000x128xf32, #tpu.memory_space<hbm>> -> memref<64x128xf32, #tpu.memory_space<hbm>>
        tpu.enqueue_dma source(%arg7 : memref<64x128xf32, #tpu.memory_space<vmem>>) target(%dma_start3A_164 : memref<64x128xf32, #tpu.memory_space<hbm>>) target_semaphore(%arg11 : memref<!tpu.dma_semaphore, #tpu.memory_space<semaphore_mem>>)
      } else {
      }
      %mul3A_53 = arith.constant 2 : i32
      %mul3A_54 = arith.muli %mul3A_53, %scan3A_43 : i32
      %add3A_55 = arith.addi %mul3A_2, %mul3A_54 : i32
      %add3A_56 = arith.constant 1 : i32
      %add3A_57 = arith.addi %add3A_55, %add3A_56 : i32
      %lt3A_58 = arith.cmpi slt, %add3A_57, %min3A_5 : i32
      %convert_element_type3A_59 = arith.extui %lt3A_58 : i1 to i32
      %cond3A_60 = arith.constant 0 : i32
      %cond3A_61 = arith.cmpi ne, %convert_element_type3A_59, %cond3A_60 : i32
      scf.if %cond3A_61 {
        %add3A_62 = arith.constant 1 : i32
        %add3A_63 = arith.addi %add3A_57, %add3A_62 : i32
        %lt3A_64 = arith.cmpi slt, %add3A_63, %min3A_5 : i32
        %convert_element_type3A_65 = arith.extui %lt3A_64 : i1 to i32
        %cond3A_66 = arith.constant 0 : i32
        %cond3A_67 = arith.cmpi ne, %convert_element_type3A_65, %cond3A_66 : i32
        scf.if %cond3A_67 {
          %add3A_165 = arith.constant 1 : i32
          %add3A_166 = arith.addi %add3A_57, %add3A_165 : i32
          %mul3A_167 = arith.constant 128 : i32
          %mul3A_168 = arith.muli %add3A_166, %mul3A_167 : i32
          %dma_start3A_169 = arith.constant 0 : i32
          %dma_start3A_170 = tpu.memref_slice %arg2[%dma_start3A_169, %mul3A_168] : memref<64x1000000xf32, #tpu.memory_space<hbm>> -> memref<64x128xf32, #tpu.memory_space<hbm>>
          %dma_start3A_171 = arith.constant 0 : i32
          %dma_start3A_172 = tpu.memref_slice %arg2[%dma_start3A_171, %mul3A_168] : memref<64x1000000xf32, #tpu.memory_space<hbm>> -> memref<64x128xf32, #tpu.memory_space<hbm>>
          tpu.enqueue_dma source(%dma_start3A_172 : memref<64x128xf32, #tpu.memory_space<hbm>>) target(%arg5 : memref<64x128xf32, #tpu.memory_space<vmem>>) target_semaphore(%arg9 : memref<!tpu.dma_semaphore, #tpu.memory_space<semaphore_mem>>)
        } else {
        }
        %mul3A_68 = arith.constant 128 : i32
        %mul3A_69 = arith.muli %add3A_57, %mul3A_68 : i32
        %dma_wait3A = arith.constant 0 : i32
        %dma_wait3A_70 = tpu.memref_slice %arg2[%dma_wait3A, %mul3A_69] : memref<64x1000000xf32, #tpu.memory_space<hbm>> -> memref<64x128xf32, #tpu.memory_space<hbm>>
        %dma_wait3A_71 = arith.constant 0 : i32
        %dma_wait3A_72 = tpu.memref_slice %arg2[%dma_wait3A_71, %mul3A_69] : memref<64x1000000xf32, #tpu.memory_space<hbm>> -> memref<64x128xf32, #tpu.memory_space<hbm>>
        tpu.wait_dma2 semaphore(%arg10 : memref<!tpu.dma_semaphore, #tpu.memory_space<semaphore_mem>>) src(%dma_wait3A_72 : memref<64x128xf32, #tpu.memory_space<hbm>>) dst(%arg6 : memref<64x128xf32, #tpu.memory_space<vmem>>)
        %sub3A_73 = arith.constant 2 : i32
        %sub3A_74 = arith.subi %add3A_57, %sub3A_73 : i32
        %ge3A_75 = arith.cmpi sge, %sub3A_74, %mul3A_2 : i32
        %convert_element_type3A_76 = arith.extui %ge3A_75 : i1 to i32
        %cond3A_77 = arith.constant 0 : i32
        %cond3A_78 = arith.cmpi ne, %convert_element_type3A_76, %cond3A_77 : i32
        scf.if %cond3A_78 {
          %sub3A_165 = arith.constant 2 : i32
          %sub3A_166 = arith.subi %add3A_57, %sub3A_165 : i32
          %mul3A_167 = arith.constant 64 : i32
          %mul3A_168 = arith.muli %sub3A_166, %mul3A_167 : i32
          %dma_wait3A_169 = arith.constant 0 : i32
          %dma_wait3A_170 = tpu.memref_slice %arg4[%mul3A_168, %dma_wait3A_169] : memref<500000x128xf32, #tpu.memory_space<hbm>> -> memref<64x128xf32, #tpu.memory_space<hbm>>
          %dma_wait3A_171 = arith.constant 0 : i32
          %dma_wait3A_172 = tpu.memref_slice %arg4[%mul3A_168, %dma_wait3A_171] : memref<500000x128xf32, #tpu.memory_space<hbm>> -> memref<64x128xf32, #tpu.memory_space<hbm>>
          tpu.wait_dma2 semaphore(%arg12 : memref<!tpu.dma_semaphore, #tpu.memory_space<semaphore_mem>>) src(%arg8 : memref<64x128xf32, #tpu.memory_space<vmem>>) dst(%dma_wait3A_172 : memref<64x128xf32, #tpu.memory_space<hbm>>)
        } else {
        }
        %add3A_79 = arith.constant 0 : i32
        %add3A_80 = vector.broadcast %add3A_79 : i32 to vector<16xi32>
        %add3A_81 = arith.addi %add3A_80, %iota3A : vector<16xi32>
        %add3A_82 = arith.constant 16 : i32
        %add3A_83 = vector.broadcast %add3A_82 : i32 to vector<16xi32>
        %add3A_84 = arith.addi %add3A_83, %iota3A : vector<16xi32>
        %add3A_85 = arith.constant 32 : i32
        %add3A_86 = vector.broadcast %add3A_85 : i32 to vector<16xi32>
        %add3A_87 = arith.addi %add3A_86, %iota3A : vector<16xi32>
        %add3A_88 = arith.constant 48 : i32
        %add3A_89 = vector.broadcast %add3A_88 : i32 to vector<16xi32>
        %add3A_90 = arith.addi %add3A_89, %iota3A : vector<16xi32>
        %add3A_91 = arith.constant 64 : i32
        %add3A_92 = vector.broadcast %add3A_91 : i32 to vector<16xi32>
        %add3A_93 = arith.addi %add3A_92, %iota3A : vector<16xi32>
        %add3A_94 = arith.constant 80 : i32
        %add3A_95 = vector.broadcast %add3A_94 : i32 to vector<16xi32>
        %add3A_96 = arith.addi %add3A_95, %iota3A : vector<16xi32>
        %add3A_97 = arith.constant 96 : i32
        %add3A_98 = vector.broadcast %add3A_97 : i32 to vector<16xi32>
        %add3A_99 = arith.addi %add3A_98, %iota3A : vector<16xi32>
        %add3A_100 = arith.constant 112 : i32
        %add3A_101 = vector.broadcast %add3A_100 : i32 to vector<16xi32>
        %add3A_102 = arith.addi %add3A_101, %iota3A : vector<16xi32>
        %shift_right_logical3A = arith.constant 1 : i32
        %shift_right_logical3A_103 = vector.broadcast %shift_right_logical3A : i32 to vector<16xi32>
        %shift_right_logical3A_104 = arith.shrui %iota3A, %shift_right_logical3A_103 : vector<16xi32>
        %add3A_105 = arith.constant 0 : i32
        %add3A_106 = vector.broadcast %add3A_105 : i32 to vector<16xi32>
        %add3A_107 = arith.addi %add3A_106, %shift_right_logical3A_104 : vector<16xi32>
        %shift_right_logical3A_108 = arith.constant 1 : i32
        %shift_right_logical3A_109 = vector.broadcast %shift_right_logical3A_108 : i32 to vector<16xi32>
        %shift_right_logical3A_110 = arith.shrui %iota3A, %shift_right_logical3A_109 : vector<16xi32>
        %add3A_111 = arith.constant 8 : i32
        %add3A_112 = vector.broadcast %add3A_111 : i32 to vector<16xi32>
        %add3A_113 = arith.addi %add3A_112, %shift_right_logical3A_110 : vector<16xi32>
        %shift_right_logical3A_114 = arith.constant 1 : i32
        %shift_right_logical3A_115 = vector.broadcast %shift_right_logical3A_114 : i32 to vector<16xi32>
        %shift_right_logical3A_116 = arith.shrui %iota3A, %shift_right_logical3A_115 : vector<16xi32>
        %add3A_117 = arith.constant 16 : i32
        %add3A_118 = vector.broadcast %add3A_117 : i32 to vector<16xi32>
        %add3A_119 = arith.addi %add3A_118, %shift_right_logical3A_116 : vector<16xi32>
        %shift_right_logical3A_120 = arith.constant 1 : i32
        %shift_right_logical3A_121 = vector.broadcast %shift_right_logical3A_120 : i32 to vector<16xi32>
        %shift_right_logical3A_122 = arith.shrui %iota3A, %shift_right_logical3A_121 : vector<16xi32>
        %add3A_123 = arith.constant 24 : i32
        %add3A_124 = vector.broadcast %add3A_123 : i32 to vector<16xi32>
        %add3A_125 = arith.addi %add3A_124, %shift_right_logical3A_122 : vector<16xi32>
        %shift_right_logical3A_126 = arith.constant 1 : i32
        %shift_right_logical3A_127 = vector.broadcast %shift_right_logical3A_126 : i32 to vector<16xi32>
        %shift_right_logical3A_128 = arith.shrui %iota3A, %shift_right_logical3A_127 : vector<16xi32>
        %add3A_129 = arith.constant 32 : i32
        %add3A_130 = vector.broadcast %add3A_129 : i32 to vector<16xi32>
        %add3A_131 = arith.addi %add3A_130, %shift_right_logical3A_128 : vector<16xi32>
        %shift_right_logical3A_132 = arith.constant 1 : i32
        %shift_right_logical3A_133 = vector.broadcast %shift_right_logical3A_132 : i32 to vector<16xi32>
        %shift_right_logical3A_134 = arith.shrui %iota3A, %shift_right_logical3A_133 : vector<16xi32>
        %add3A_135 = arith.constant 40 : i32
        %add3A_136 = vector.broadcast %add3A_135 : i32 to vector<16xi32>
        %add3A_137 = arith.addi %add3A_136, %shift_right_logical3A_134 : vector<16xi32>
        %shift_right_logical3A_138 = arith.constant 1 : i32
        %shift_right_logical3A_139 = vector.broadcast %shift_right_logical3A_138 : i32 to vector<16xi32>
        %shift_right_logical3A_140 = arith.shrui %iota3A, %shift_right_logical3A_139 : vector<16xi32>
        %add3A_141 = arith.constant 48 : i32
        %add3A_142 = vector.broadcast %add3A_141 : i32 to vector<16xi32>
        %add3A_143 = arith.addi %add3A_142, %shift_right_logical3A_140 : vector<16xi32>
        %shift_right_logical3A_144 = arith.constant 1 : i32
        %shift_right_logical3A_145 = vector.broadcast %shift_right_logical3A_144 : i32 to vector<16xi32>
        %shift_right_logical3A_146 = arith.shrui %iota3A, %shift_right_logical3A_145 : vector<16xi32>
        %add3A_147 = arith.constant 56 : i32
        %add3A_148 = vector.broadcast %add3A_147 : i32 to vector<16xi32>
        %add3A_149 = arith.addi %add3A_148, %shift_right_logical3A_146 : vector<16xi32>
        %and3A = arith.constant 1 : i32
        %and3A_150 = vector.broadcast %and3A : i32 to vector<16xi32>
        %and3A_151 = arith.andi %iota3A, %and3A_150 : vector<16xi32>
        %shift_left3A = arith.constant 6 : i32
        %shift_left3A_152 = vector.broadcast %shift_left3A : i32 to vector<16xi32>
        %shift_left3A_153 = arith.shli %and3A_151, %shift_left3A_152 : vector<16xi32>
        %scan3A_154 = arith.constant 0 : i32
        %scan3A_155 = arith.constant 0 : i32
        %scan3A_156 = arith.constant 32 : i32
        %scan3A_157 = arith.addi %scan3A_155, %scan3A_156 : i32
        %scan3A_158 = arith.constant 1 : i32
        scf.for %scan3A_165 = %scan3A_155 to %scan3A_157 step %scan3A_158  : i32 {
          %add3A_166 = arith.constant 0 : i32
          %add3A_167 = arith.addi %scan3A_165, %add3A_166 : i32
          %add3A_168 = vector.broadcast %add3A_167 : i32 to vector<16xi32>
          %add3A_169 = arith.addi %iota3A, %add3A_168 : vector<16xi32>
          %and3A_170 = arith.constant 63 : i32
          %and3A_171 = vector.broadcast %and3A_170 : i32 to vector<16xi32>
          %and3A_172 = arith.andi %add3A_169, %and3A_171 : vector<16xi32>
          %add3A_173 = arith.addi %shift_left3A_153, %and3A_172 : vector<16xi32>
          %gather3A = tpu.vector_load_idx %arg6[%and3A_172, %add3A_81] : memref<64x128xf32, #tpu.memory_space<vmem>>[vector<16xi32>, vector<16xi32>], vector<16xf32>,
          %gather3A_174 = tpu.vector_load_idx %arg6[%and3A_172, %add3A_84] : memref<64x128xf32, #tpu.memory_space<vmem>>[vector<16xi32>, vector<16xi32>], vector<16xf32>,
          %gather3A_175 = tpu.vector_load_idx %arg6[%and3A_172, %add3A_87] : memref<64x128xf32, #tpu.memory_space<vmem>>[vector<16xi32>, vector<16xi32>], vector<16xf32>,
          %gather3A_176 = tpu.vector_load_idx %arg6[%and3A_172, %add3A_90] : memref<64x128xf32, #tpu.memory_space<vmem>>[vector<16xi32>, vector<16xi32>], vector<16xf32>,
          %gather3A_177 = tpu.vector_load_idx %arg6[%and3A_172, %add3A_93] : memref<64x128xf32, #tpu.memory_space<vmem>>[vector<16xi32>, vector<16xi32>], vector<16xf32>,
          %gather3A_178 = tpu.vector_load_idx %arg6[%and3A_172, %add3A_96] : memref<64x128xf32, #tpu.memory_space<vmem>>[vector<16xi32>, vector<16xi32>], vector<16xf32>,
          %gather3A_179 = tpu.vector_load_idx %arg6[%and3A_172, %add3A_99] : memref<64x128xf32, #tpu.memory_space<vmem>>[vector<16xi32>, vector<16xi32>], vector<16xf32>,
          %gather3A_180 = tpu.vector_load_idx %arg6[%and3A_172, %add3A_102] : memref<64x128xf32, #tpu.memory_space<vmem>>[vector<16xi32>, vector<16xi32>], vector<16xf32>,
          tpu.vector_store_idx %arg8[%add3A_107, %add3A_173], %gather3A : memref<64x128xf32, #tpu.memory_space<vmem>>[vector<16xi32>, vector<16xi32>], vector<16xf32>,
          tpu.vector_store_idx %arg8[%add3A_113, %add3A_173], %gather3A_174 : memref<64x128xf32, #tpu.memory_space<vmem>>[vector<16xi32>, vector<16xi32>], vector<16xf32>,
          tpu.vector_store_idx %arg8[%add3A_119, %add3A_173], %gather3A_175 : memref<64x128xf32, #tpu.memory_space<vmem>>[vector<16xi32>, vector<16xi32>], vector<16xf32>,
          tpu.vector_store_idx %arg8[%add3A_125, %add3A_173], %gather3A_176 : memref<64x128xf32, #tpu.memory_space<vmem>>[vector<16xi32>, vector<16xi32>], vector<16xf32>,
          tpu.vector_store_idx %arg8[%add3A_131, %add3A_173], %gather3A_177 : memref<64x128xf32, #tpu.memory_space<vmem>>[vector<16xi32>, vector<16xi32>], vector<16xf32>,
          tpu.vector_store_idx %arg8[%add3A_137, %add3A_173], %gather3A_178 : memref<64x128xf32, #tpu.memory_space<vmem>>[vector<16xi32>, vector<16xi32>], vector<16xf32>,
          tpu.vector_store_idx %arg8[%add3A_143, %add3A_173], %gather3A_179 : memref<64x128xf32, #tpu.memory_space<vmem>>[vector<16xi32>, vector<16xi32>], vector<16xf32>,
          tpu.vector_store_idx %arg8[%add3A_149, %add3A_173], %gather3A_180 : memref<64x128xf32, #tpu.memory_space<vmem>>[vector<16xi32>, vector<16xi32>], vector<16xf32>,
          %add3A_181 = arith.constant 32 : i32
          %add3A_182 = arith.addi %scan3A_165, %add3A_181 : i32
          %add3A_183 = vector.broadcast %add3A_182 : i32 to vector<16xi32>
          %add3A_184 = arith.addi %iota3A, %add3A_183 : vector<16xi32>
          %and3A_185 = arith.constant 63 : i32
          %and3A_186 = vector.broadcast %and3A_185 : i32 to vector<16xi32>
          %and3A_187 = arith.andi %add3A_184, %and3A_186 : vector<16xi32>
          %add3A_188 = arith.addi %shift_left3A_153, %and3A_187 : vector<16xi32>
          %gather3A_189 = tpu.vector_load_idx %arg6[%and3A_187, %add3A_81] : memref<64x128xf32, #tpu.memory_space<vmem>>[vector<16xi32>, vector<16xi32>], vector<16xf32>,
          %gather3A_190 = tpu.vector_load_idx %arg6[%and3A_187, %add3A_84] : memref<64x128xf32, #tpu.memory_space<vmem>>[vector<16xi32>, vector<16xi32>], vector<16xf32>,
          %gather3A_191 = tpu.vector_load_idx %arg6[%and3A_187, %add3A_87] : memref<64x128xf32, #tpu.memory_space<vmem>>[vector<16xi32>, vector<16xi32>], vector<16xf32>,
          %gather3A_192 = tpu.vector_load_idx %arg6[%and3A_187, %add3A_90] : memref<64x128xf32, #tpu.memory_space<vmem>>[vector<16xi32>, vector<16xi32>], vector<16xf32>,
          %gather3A_193 = tpu.vector_load_idx %arg6[%and3A_187, %add3A_93] : memref<64x128xf32, #tpu.memory_space<vmem>>[vector<16xi32>, vector<16xi32>], vector<16xf32>,
          %gather3A_194 = tpu.vector_load_idx %arg6[%and3A_187, %add3A_96] : memref<64x128xf32, #tpu.memory_space<vmem>>[vector<16xi32>, vector<16xi32>], vector<16xf32>,
          %gather3A_195 = tpu.vector_load_idx %arg6[%and3A_187, %add3A_99] : memref<64x128xf32, #tpu.memory_space<vmem>>[vector<16xi32>, vector<16xi32>], vector<16xf32>,
          %gather3A_196 = tpu.vector_load_idx %arg6[%and3A_187, %add3A_102] : memref<64x128xf32, #tpu.memory_space<vmem>>[vector<16xi32>, vector<16xi32>], vector<16xf32>,
          tpu.vector_store_idx %arg8[%add3A_107, %add3A_188], %gather3A_189 : memref<64x128xf32, #tpu.memory_space<vmem>>[vector<16xi32>, vector<16xi32>], vector<16xf32>,
          tpu.vector_store_idx %arg8[%add3A_113, %add3A_188], %gather3A_190 : memref<64x128xf32, #tpu.memory_space<vmem>>[vector<16xi32>, vector<16xi32>], vector<16xf32>,
          tpu.vector_store_idx %arg8[%add3A_119, %add3A_188], %gather3A_191 : memref<64x128xf32, #tpu.memory_space<vmem>>[vector<16xi32>, vector<16xi32>], vector<16xf32>,
          tpu.vector_store_idx %arg8[%add3A_125, %add3A_188], %gather3A_192 : memref<64x128xf32, #tpu.memory_space<vmem>>[vector<16xi32>, vector<16xi32>], vector<16xf32>,
          tpu.vector_store_idx %arg8[%add3A_131, %add3A_188], %gather3A_193 : memref<64x128xf32, #tpu.memory_space<vmem>>[vector<16xi32>, vector<16xi32>], vector<16xf32>,
          tpu.vector_store_idx %arg8[%add3A_137, %add3A_188], %gather3A_194 : memref<64x128xf32, #tpu.memory_space<vmem>>[vector<16xi32>, vector<16xi32>], vector<16xf32>,
          tpu.vector_store_idx %arg8[%add3A_143, %add3A_188], %gather3A_195 : memref<64x128xf32, #tpu.memory_space<vmem>>[vector<16xi32>, vector<16xi32>], vector<16xf32>,
          tpu.vector_store_idx %arg8[%add3A_149, %add3A_188], %gather3A_196 : memref<64x128xf32, #tpu.memory_space<vmem>>[vector<16xi32>, vector<16xi32>], vector<16xf32>,
        }
        %scan3A_159 = arith.constant 32 : i32
        %mul3A_160 = arith.constant 64 : i32
        %mul3A_161 = arith.muli %add3A_57, %mul3A_160 : i32
        %dma_start3A = arith.constant 0 : i32
        %dma_start3A_162 = tpu.memref_slice %arg4[%mul3A_161, %dma_start3A] : memref<500000x128xf32, #tpu.memory_space<hbm>> -> memref<64x128xf32, #tpu.memory_space<hbm>>
        %dma_start3A_163 = arith.constant 0 : i32
        %dma_start3A_164 = tpu.memref_slice %arg4[%mul3A_161, %dma_start3A_163] : memref<500000x128xf32, #tpu.memory_space<hbm>> -> memref<64x128xf32, #tpu.memory_space<hbm>>
        tpu.enqueue_dma source(%arg8 : memref<64x128xf32, #tpu.memory_space<vmem>>) target(%dma_start3A_164 : memref<64x128xf32, #tpu.memory_space<hbm>>) target_semaphore(%arg12 : memref<!tpu.dma_semaphore, #tpu.memory_space<semaphore_mem>>)
      } else {
      }
    }
    %scan3A_12 = arith.constant 123 : i32
    %sub3A = arith.constant 1 : i32
    %sub3A_13 = arith.subi %min3A_5, %sub3A : i32
    %sub3A_14 = arith.subi %sub3A_13, %mul3A_2 : i32
    %sub3A_15 = arith.constant 1 : i32
    %sub3A_16 = arith.subi %min3A_5, %sub3A_15 : i32
    %add3A_17 = arith.constant 2 : i32
    %add3A_18 = arith.addi %sub3A_14, %add3A_17 : i32
    %sub3A_19 = arith.constant 0 : i32
    %sub3A_20 = arith.subi %add3A_18, %sub3A_19 : i32
    %rem3A = arith.constant 2 : i32
    %rem3A_21 = arith.remsi %sub3A_20, %rem3A : i32
    %sub3A_22 = arith.subi %sub3A_16, %rem3A_21 : i32
    %ge3A = arith.cmpi sge, %sub3A_22, %mul3A_2 : i32
    %convert_element_type3A_23 = arith.extui %ge3A : i1 to i32
    %cond3A_24 = arith.constant 0 : i32
    %cond3A_25 = arith.cmpi ne, %convert_element_type3A_23, %cond3A_24 : i32
    scf.if %cond3A_25 {
      %mul3A_43 = arith.constant 64 : i32
      %mul3A_44 = arith.muli %sub3A_22, %mul3A_43 : i32
      %dma_wait3A = arith.constant 0 : i32
      %dma_wait3A_45 = tpu.memref_slice %arg4[%mul3A_44, %dma_wait3A] : memref<500000x128xf32, #tpu.memory_space<hbm>> -> memref<64x128xf32, #tpu.memory_space<hbm>>
      %dma_wait3A_46 = arith.constant 0 : i32
      %dma_wait3A_47 = tpu.memref_slice %arg4[%mul3A_44, %dma_wait3A_46] : memref<500000x128xf32, #tpu.memory_space<hbm>> -> memref<64x128xf32, #tpu.memory_space<hbm>>
      tpu.wait_dma2 semaphore(%arg11 : memref<!tpu.dma_semaphore, #tpu.memory_space<semaphore_mem>>) src(%arg7 : memref<64x128xf32, #tpu.memory_space<vmem>>) dst(%dma_wait3A_47 : memref<64x128xf32, #tpu.memory_space<hbm>>)
    } else {
    }
    %sub3A_26 = arith.constant 1 : i32
    %sub3A_27 = arith.subi %min3A_5, %sub3A_26 : i32
    %add3A_28 = arith.constant 2 : i32
    %add3A_29 = arith.addi %sub3A_14, %add3A_28 : i32
    %sub3A_30 = arith.constant 1 : i32
    %sub3A_31 = arith.subi %add3A_29, %sub3A_30 : i32
    %rem3A_32 = arith.constant 2 : i32
    %rem3A_33 = arith.remsi %sub3A_31, %rem3A_32 : i32
    %sub3A_34 = arith.subi %sub3A_27, %rem3A_33 : i32
    %ge3A_35 = arith.cmpi sge, %sub3A_34, %mul3A_2 : i32
    %convert_element_type3A_36 = arith.extui %ge3A_35 : i1 to i32
    %cond3A_37 = arith.constant 0 : i32
    %cond3A_38 = arith.cmpi ne, %convert_element_type3A_36, %cond3A_37 : i32
    scf.if %cond3A_38 {
      %mul3A_43 = arith.constant 64 : i32
      %mul3A_44 = arith.muli %sub3A_34, %mul3A_43 : i32
      %dma_wait3A = arith.constant 0 : i32
      %dma_wait3A_45 = tpu.memref_slice %arg4[%mul3A_44, %dma_wait3A] : memref<500000x128xf32, #tpu.memory_space<hbm>> -> memref<64x128xf32, #tpu.memory_space<hbm>>
      %dma_wait3A_46 = arith.constant 0 : i32
      %dma_wait3A_47 = tpu.memref_slice %arg4[%mul3A_44, %dma_wait3A_46] : memref<500000x128xf32, #tpu.memory_space<hbm>> -> memref<64x128xf32, #tpu.memory_space<hbm>>
      tpu.wait_dma2 semaphore(%arg12 : memref<!tpu.dma_semaphore, #tpu.memory_space<semaphore_mem>>) src(%arg8 : memref<64x128xf32, #tpu.memory_space<vmem>>) dst(%dma_wait3A_47 : memref<64x128xf32, #tpu.memory_space<hbm>>)
    } else {
    }
    %eq3A = arith.constant 31 : i32
    %eq3A_39 = arith.cmpi eq, %add3A, %eq3A : i32
    %convert_element_type3A_40 = arith.extui %eq3A_39 : i1 to i32
    %cond3A_41 = arith.constant 0 : i32
    %cond3A_42 = arith.cmpi ne, %convert_element_type3A_40, %cond3A_41 : i32
    scf.if %cond3A_42 {
      "tpu.region"() ({
        %run_scoped3A = tpu.sem_alloc : memref<!tpu.dma_semaphore, #tpu.memory_space<semaphore_mem>>
        %dma_start3A = arith.constant 0 : i32
        %dma_start3A_43 = arith.constant 0 : i32
        %dma_start3A_44 = tpu.memref_slice %arg7[%dma_start3A, %dma_start3A_43] : memref<64x128xf32, #tpu.memory_space<vmem>> -> memref<32x128xf32, #tpu.memory_space<vmem>>
        %dma_start3A_45 = arith.constant 0 : i32
        %dma_start3A_46 = arith.constant 0 : i32
        %dma_start3A_47 = tpu.memref_slice %arg7[%dma_start3A_45, %dma_start3A_46] : memref<64x128xf32, #tpu.memory_space<vmem>> -> memref<32x128xf32, #tpu.memory_space<vmem>>
        tpu.enqueue_dma source(%arg3 : memref<32x128xf32, #tpu.memory_space<hbm>>) target(%dma_start3A_47 : memref<32x128xf32, #tpu.memory_space<vmem>>) target_semaphore(%run_scoped3A : memref<!tpu.dma_semaphore, #tpu.memory_space<semaphore_mem>>)
        %dma_wait3A = arith.constant 0 : i32
        %dma_wait3A_48 = arith.constant 0 : i32
        %dma_wait3A_49 = tpu.memref_slice %arg7[%dma_wait3A, %dma_wait3A_48] : memref<64x128xf32, #tpu.memory_space<vmem>> -> memref<32x128xf32, #tpu.memory_space<vmem>>
        %dma_wait3A_50 = arith.constant 0 : i32
        %dma_wait3A_51 = arith.constant 0 : i32
        %dma_wait3A_52 = tpu.memref_slice %arg7[%dma_wait3A_50, %dma_wait3A_51] : memref<64x128xf32, #tpu.memory_space<vmem>> -> memref<32x128xf32, #tpu.memory_space<vmem>>
        tpu.wait_dma2 semaphore(%run_scoped3A : memref<!tpu.dma_semaphore, #tpu.memory_space<semaphore_mem>>) src(%arg3 : memref<32x128xf32, #tpu.memory_space<hbm>>) dst(%dma_wait3A_52 : memref<32x128xf32, #tpu.memory_space<vmem>>)
        tpu.yield
      }) : () -> ()
      "tpu.region"() ({
        %run_scoped3A = tpu.sem_alloc : memref<!tpu.dma_semaphore, #tpu.memory_space<semaphore_mem>>
        %dma_start3A = arith.constant 0 : i32
        %dma_start3A_43 = arith.constant 0 : i32
        %dma_start3A_44 = tpu.memref_slice %arg7[%dma_start3A, %dma_start3A_43] : memref<64x128xf32, #tpu.memory_space<vmem>> -> memref<32x128xf32, #tpu.memory_space<vmem>>
        %dma_start3A_45 = arith.constant 499968 : i32
        %dma_start3A_46 = arith.constant 0 : i32
        %dma_start3A_47 = tpu.memref_slice %arg4[%dma_start3A_45, %dma_start3A_46] : memref<500000x128xf32, #tpu.memory_space<hbm>> -> memref<32x128xf32, #tpu.memory_space<hbm>>
        %dma_start3A_48 = arith.constant 499968 : i32
        %dma_start3A_49 = arith.constant 0 : i32
        %dma_start3A_50 = tpu.memref_slice %arg4[%dma_start3A_48, %dma_start3A_49] : memref<500000x128xf32, #tpu.memory_space<hbm>> -> memref<32x128xf32, #tpu.memory_space<hbm>>
        %dma_start3A_51 = arith.constant 0 : i32
        %dma_start3A_52 = arith.constant 0 : i32
        %dma_start3A_53 = tpu.memref_slice %arg7[%dma_start3A_51, %dma_start3A_52] : memref<64x128xf32, #tpu.memory_space<vmem>> -> memref<32x128xf32, #tpu.memory_space<vmem>>
        tpu.enqueue_dma source(%dma_start3A_53 : memref<32x128xf32, #tpu.memory_space<vmem>>) target(%dma_start3A_50 : memref<32x128xf32, #tpu.memory_space<hbm>>) target_semaphore(%run_scoped3A : memref<!tpu.dma_semaphore, #tpu.memory_space<semaphore_mem>>)
        %dma_wait3A = arith.constant 0 : i32
        %dma_wait3A_54 = arith.constant 0 : i32
        %dma_wait3A_55 = tpu.memref_slice %arg7[%dma_wait3A, %dma_wait3A_54] : memref<64x128xf32, #tpu.memory_space<vmem>> -> memref<32x128xf32, #tpu.memory_space<vmem>>
        %dma_wait3A_56 = arith.constant 499968 : i32
        %dma_wait3A_57 = arith.constant 0 : i32
        %dma_wait3A_58 = tpu.memref_slice %arg4[%dma_wait3A_56, %dma_wait3A_57] : memref<500000x128xf32, #tpu.memory_space<hbm>> -> memref<32x128xf32, #tpu.memory_space<hbm>>
        %dma_wait3A_59 = arith.constant 499968 : i32
        %dma_wait3A_60 = arith.constant 0 : i32
        %dma_wait3A_61 = tpu.memref_slice %arg4[%dma_wait3A_59, %dma_wait3A_60] : memref<500000x128xf32, #tpu.memory_space<hbm>> -> memref<32x128xf32, #tpu.memory_space<hbm>>
        %dma_wait3A_62 = arith.constant 0 : i32
        %dma_wait3A_63 = arith.constant 0 : i32
        %dma_wait3A_64 = tpu.memref_slice %arg7[%dma_wait3A_62, %dma_wait3A_63] : memref<64x128xf32, #tpu.memory_space<vmem>> -> memref<32x128xf32, #tpu.memory_space<vmem>>
        tpu.wait_dma2 semaphore(%run_scoped3A : memref<!tpu.dma_semaphore, #tpu.memory_space<semaphore_mem>>) src(%dma_wait3A_64 : memref<32x128xf32, #tpu.memory_space<vmem>>) dst(%dma_wait3A_61 : memref<32x128xf32, #tpu.memory_space<hbm>>)
        tpu.yield
      }) : () -> ()
    } else {
    }
    return
  }
}

#map = affine_map<(d0, d1) -> (0)>
#map1 = affine_map<(d0, d1) -> (0, 0)>
#map2 = affine_map<(d0, d1) -> (0, 0, 0)>
module attributes {stable_mosaic.version = 14 : i64} {
  func.func @lookup_kernel(%arg0: i32, %arg1: i32, %arg2: memref<819200xi32, #tpu.memory_space<hbm>>, %arg3: memref<500000x128xf32, #tpu.memory_space<hbm>>, %arg4: memref<200x64x4096xf32, #tpu.memory_space<hbm>>, %arg5: memref<128xi32, #tpu.memory_space<vmem>>, %arg6: memref<128xi32, #tpu.memory_space<vmem>>, %arg7: memref<128xi32, #tpu.memory_space<vmem>>, %arg8: memref<128xi32, #tpu.memory_space<vmem>>, %arg9: memref<128xi32, #tpu.memory_space<vmem>>, %arg10: memref<128xi32, #tpu.memory_space<vmem>>, %arg11: memref<128x128xf32, #tpu.memory_space<vmem>>, %arg12: memref<128x128xf32, #tpu.memory_space<vmem>>, %arg13: memref<64x128xf32, #tpu.memory_space<vmem>>, %arg14: memref<64x128xf32, #tpu.memory_space<vmem>>, %arg15: memref<!tpu.dma_semaphore, #tpu.memory_space<semaphore_mem>>, %arg16: memref<!tpu.dma_semaphore, #tpu.memory_space<semaphore_mem>>, %arg17: memref<!tpu.dma_semaphore, #tpu.memory_space<semaphore_mem>>, %arg18: memref<!tpu.dma_semaphore, #tpu.memory_space<semaphore_mem>>, %arg19: memref<!tpu.dma_semaphore, #tpu.memory_space<semaphore_mem>>, %arg20: memref<!tpu.dma_semaphore, #tpu.memory_space<semaphore_mem>>) attributes {dimension_semantics = [#tpu.dimension_semantics<core_parallel>, #tpu.dimension_semantics<subcore_parallel>], iteration_bounds = array<i64: 2, 16>, scalar_prefetch = 0 : i64, scratch_operands = 16 : i64, tpu.core_type = #tpu.core_type<sc_vector_subcore>, window_params = [{transform_indices = #map}, {transform_indices = #map1}, {transform_indices = #map2}]} {
    %mul3A = arith.constant 2 : i32
    %mul3A_0 = arith.muli %arg1, %mul3A : i32
    %add3A = arith.addi %mul3A_0, %arg0 : i32
    %mul3A_1 = arith.constant 128 : i32
    %mul3A_2 = arith.muli %add3A, %mul3A_1 : i32
    %iota3A = tpu.iota {dimensions = array<i32: 0>} : vector<16xi32>
    %add3A_3 = arith.constant 0 : i32
    %add3A_4 = arith.addi %add3A_3, %mul3A_2 : i32
    %dma_start3A = tpu.memref_slice %arg2[%add3A_4] : memref<819200xi32, #tpu.memory_space<hbm>> -> memref<128xi32, #tpu.memory_space<hbm>>
    %dma_start3A_5 = tpu.memref_slice %arg2[%add3A_4] : memref<819200xi32, #tpu.memory_space<hbm>> -> memref<128xi32, #tpu.memory_space<hbm>>
    tpu.enqueue_dma source(%dma_start3A_5 : memref<128xi32, #tpu.memory_space<hbm>>) target(%arg5 : memref<128xi32, #tpu.memory_space<vmem>>) target_semaphore(%arg15 : memref<!tpu.dma_semaphore, #tpu.memory_space<semaphore_mem>>)
    %scan3A = arith.constant 0 : i32
    %scan3A_6 = arith.constant 0 : i32
    %scan3A_7 = arith.constant 100 : i32
    %scan3A_8 = arith.addi %scan3A_6, %scan3A_7 : i32
    %scan3A_9 = arith.constant 1 : i32
    scf.for %scan3A_86 = %scan3A_6 to %scan3A_8 step %scan3A_9  : i32 {
      %mul3A_87 = arith.constant 2 : i32
      %mul3A_88 = arith.muli %mul3A_87, %scan3A_86 : i32
      %add3A_89 = arith.constant 0 : i32
      %add3A_90 = arith.addi %mul3A_88, %add3A_89 : i32
      %mul3A_91 = arith.constant 4096 : i32
      %mul3A_92 = arith.muli %add3A_90, %mul3A_91 : i32
      %add3A_93 = arith.addi %mul3A_92, %mul3A_2 : i32
      %dma_wait3A_94 = tpu.memref_slice %arg2[%add3A_93] : memref<819200xi32, #tpu.memory_space<hbm>> -> memref<128xi32, #tpu.memory_space<hbm>>
      %dma_wait3A_95 = tpu.memref_slice %arg2[%add3A_93] : memref<819200xi32, #tpu.memory_space<hbm>> -> memref<128xi32, #tpu.memory_space<hbm>>
      tpu.wait_dma2 semaphore(%arg15 : memref<!tpu.dma_semaphore, #tpu.memory_space<semaphore_mem>>) src(%dma_wait3A_95 : memref<128xi32, #tpu.memory_space<hbm>>) dst(%arg5 : memref<128xi32, #tpu.memory_space<vmem>>)
      %get3A_96 = arith.constant 0 : index
      %get3A_97 = tpu.vector_load %arg5[%get3A_96] {strides = array<i32>} : memref<128xi32, #tpu.memory_space<vmem>>, vector<16xi32>,
      %shift_right_logical3A = arith.constant 1 : i32
      %shift_right_logical3A_98 = vector.broadcast %shift_right_logical3A : i32 to vector<16xi32>
      %shift_right_logical3A_99 = arith.shrui %get3A_97, %shift_right_logical3A_98 : vector<16xi32>
      %swap3A = arith.constant 0 : index
      %swap3A_100 = tpu.vector_load %arg7[%swap3A] {strides = array<i32>} : memref<128xi32, #tpu.memory_space<vmem>>, vector<16xi32>,
      tpu.vector_store %arg7[%swap3A], %shift_right_logical3A_99 {strides = array<i32>} : memref<128xi32, #tpu.memory_space<vmem>>, vector<16xi32>,
      %and3A = arith.constant 1 : i32
      %and3A_101 = vector.broadcast %and3A : i32 to vector<16xi32>
      %and3A_102 = arith.andi %get3A_97, %and3A_101 : vector<16xi32>
      %shift_left3A = arith.constant 6 : i32
      %shift_left3A_103 = vector.broadcast %shift_left3A : i32 to vector<16xi32>
      %shift_left3A_104 = arith.shli %and3A_102, %shift_left3A_103 : vector<16xi32>
      %swap3A_105 = arith.constant 0 : index
      %swap3A_106 = tpu.vector_load %arg9[%swap3A_105] {strides = array<i32>} : memref<128xi32, #tpu.memory_space<vmem>>, vector<16xi32>,
      tpu.vector_store %arg9[%swap3A_105], %shift_left3A_104 {strides = array<i32>} : memref<128xi32, #tpu.memory_space<vmem>>, vector<16xi32>,
      %get3A_107 = arith.constant 16 : index
      %get3A_108 = tpu.vector_load %arg5[%get3A_107] {strides = array<i32>} : memref<128xi32, #tpu.memory_space<vmem>>, vector<16xi32>,
      %shift_right_logical3A_109 = arith.constant 1 : i32
      %shift_right_logical3A_110 = vector.broadcast %shift_right_logical3A_109 : i32 to vector<16xi32>
      %shift_right_logical3A_111 = arith.shrui %get3A_108, %shift_right_logical3A_110 : vector<16xi32>
      %swap3A_112 = arith.constant 16 : index
      %swap3A_113 = tpu.vector_load %arg7[%swap3A_112] {strides = array<i32>} : memref<128xi32, #tpu.memory_space<vmem>>, vector<16xi32>,
      tpu.vector_store %arg7[%swap3A_112], %shift_right_logical3A_111 {strides = array<i32>} : memref<128xi32, #tpu.memory_space<vmem>>, vector<16xi32>,
      %and3A_114 = arith.constant 1 : i32
      %and3A_115 = vector.broadcast %and3A_114 : i32 to vector<16xi32>
      %and3A_116 = arith.andi %get3A_108, %and3A_115 : vector<16xi32>
      %shift_left3A_117 = arith.constant 6 : i32
      %shift_left3A_118 = vector.broadcast %shift_left3A_117 : i32 to vector<16xi32>
      %shift_left3A_119 = arith.shli %and3A_116, %shift_left3A_118 : vector<16xi32>
      %swap3A_120 = arith.constant 16 : index
      %swap3A_121 = tpu.vector_load %arg9[%swap3A_120] {strides = array<i32>} : memref<128xi32, #tpu.memory_space<vmem>>, vector<16xi32>,
      tpu.vector_store %arg9[%swap3A_120], %shift_left3A_119 {strides = array<i32>} : memref<128xi32, #tpu.memory_space<vmem>>, vector<16xi32>,
      %get3A_122 = arith.constant 32 : index
      %get3A_123 = tpu.vector_load %arg5[%get3A_122] {strides = array<i32>} : memref<128xi32, #tpu.memory_space<vmem>>, vector<16xi32>,
      %shift_right_logical3A_124 = arith.constant 1 : i32
      %shift_right_logical3A_125 = vector.broadcast %shift_right_logical3A_124 : i32 to vector<16xi32>
      %shift_right_logical3A_126 = arith.shrui %get3A_123, %shift_right_logical3A_125 : vector<16xi32>
      %swap3A_127 = arith.constant 32 : index
      %swap3A_128 = tpu.vector_load %arg7[%swap3A_127] {strides = array<i32>} : memref<128xi32, #tpu.memory_space<vmem>>, vector<16xi32>,
      tpu.vector_store %arg7[%swap3A_127], %shift_right_logical3A_126 {strides = array<i32>} : memref<128xi32, #tpu.memory_space<vmem>>, vector<16xi32>,
      %and3A_129 = arith.constant 1 : i32
      %and3A_130 = vector.broadcast %and3A_129 : i32 to vector<16xi32>
      %and3A_131 = arith.andi %get3A_123, %and3A_130 : vector<16xi32>
      %shift_left3A_132 = arith.constant 6 : i32
      %shift_left3A_133 = vector.broadcast %shift_left3A_132 : i32 to vector<16xi32>
      %shift_left3A_134 = arith.shli %and3A_131, %shift_left3A_133 : vector<16xi32>
      %swap3A_135 = arith.constant 32 : index
      %swap3A_136 = tpu.vector_load %arg9[%swap3A_135] {strides = array<i32>} : memref<128xi32, #tpu.memory_space<vmem>>, vector<16xi32>,
      tpu.vector_store %arg9[%swap3A_135], %shift_left3A_134 {strides = array<i32>} : memref<128xi32, #tpu.memory_space<vmem>>, vector<16xi32>,
      %get3A_137 = arith.constant 48 : index
      %get3A_138 = tpu.vector_load %arg5[%get3A_137] {strides = array<i32>} : memref<128xi32, #tpu.memory_space<vmem>>, vector<16xi32>,
      %shift_right_logical3A_139 = arith.constant 1 : i32
      %shift_right_logical3A_140 = vector.broadcast %shift_right_logical3A_139 : i32 to vector<16xi32>
      %shift_right_logical3A_141 = arith.shrui %get3A_138, %shift_right_logical3A_140 : vector<16xi32>
      %swap3A_142 = arith.constant 48 : index
      %swap3A_143 = tpu.vector_load %arg7[%swap3A_142] {strides = array<i32>} : memref<128xi32, #tpu.memory_space<vmem>>, vector<16xi32>,
      tpu.vector_store %arg7[%swap3A_142], %shift_right_logical3A_141 {strides = array<i32>} : memref<128xi32, #tpu.memory_space<vmem>>, vector<16xi32>,
      %and3A_144 = arith.constant 1 : i32
      %and3A_145 = vector.broadcast %and3A_144 : i32 to vector<16xi32>
      %and3A_146 = arith.andi %get3A_138, %and3A_145 : vector<16xi32>
      %shift_left3A_147 = arith.constant 6 : i32
      %shift_left3A_148 = vector.broadcast %shift_left3A_147 : i32 to vector<16xi32>
      %shift_left3A_149 = arith.shli %and3A_146, %shift_left3A_148 : vector<16xi32>
      %swap3A_150 = arith.constant 48 : index
      %swap3A_151 = tpu.vector_load %arg9[%swap3A_150] {strides = array<i32>} : memref<128xi32, #tpu.memory_space<vmem>>, vector<16xi32>,
      tpu.vector_store %arg9[%swap3A_150], %shift_left3A_149 {strides = array<i32>} : memref<128xi32, #tpu.memory_space<vmem>>, vector<16xi32>,
      %get3A_152 = arith.constant 64 : index
      %get3A_153 = tpu.vector_load %arg5[%get3A_152] {strides = array<i32>} : memref<128xi32, #tpu.memory_space<vmem>>, vector<16xi32>,
      %shift_right_logical3A_154 = arith.constant 1 : i32
      %shift_right_logical3A_155 = vector.broadcast %shift_right_logical3A_154 : i32 to vector<16xi32>
      %shift_right_logical3A_156 = arith.shrui %get3A_153, %shift_right_logical3A_155 : vector<16xi32>
      %swap3A_157 = arith.constant 64 : index
      %swap3A_158 = tpu.vector_load %arg7[%swap3A_157] {strides = array<i32>} : memref<128xi32, #tpu.memory_space<vmem>>, vector<16xi32>,
      tpu.vector_store %arg7[%swap3A_157], %shift_right_logical3A_156 {strides = array<i32>} : memref<128xi32, #tpu.memory_space<vmem>>, vector<16xi32>,
      %and3A_159 = arith.constant 1 : i32
      %and3A_160 = vector.broadcast %and3A_159 : i32 to vector<16xi32>
      %and3A_161 = arith.andi %get3A_153, %and3A_160 : vector<16xi32>
      %shift_left3A_162 = arith.constant 6 : i32
      %shift_left3A_163 = vector.broadcast %shift_left3A_162 : i32 to vector<16xi32>
      %shift_left3A_164 = arith.shli %and3A_161, %shift_left3A_163 : vector<16xi32>
      %swap3A_165 = arith.constant 64 : index
      %swap3A_166 = tpu.vector_load %arg9[%swap3A_165] {strides = array<i32>} : memref<128xi32, #tpu.memory_space<vmem>>, vector<16xi32>,
      tpu.vector_store %arg9[%swap3A_165], %shift_left3A_164 {strides = array<i32>} : memref<128xi32, #tpu.memory_space<vmem>>, vector<16xi32>,
      %get3A_167 = arith.constant 80 : index
      %get3A_168 = tpu.vector_load %arg5[%get3A_167] {strides = array<i32>} : memref<128xi32, #tpu.memory_space<vmem>>, vector<16xi32>,
      %shift_right_logical3A_169 = arith.constant 1 : i32
      %shift_right_logical3A_170 = vector.broadcast %shift_right_logical3A_169 : i32 to vector<16xi32>
      %shift_right_logical3A_171 = arith.shrui %get3A_168, %shift_right_logical3A_170 : vector<16xi32>
      %swap3A_172 = arith.constant 80 : index
      %swap3A_173 = tpu.vector_load %arg7[%swap3A_172] {strides = array<i32>} : memref<128xi32, #tpu.memory_space<vmem>>, vector<16xi32>,
      tpu.vector_store %arg7[%swap3A_172], %shift_right_logical3A_171 {strides = array<i32>} : memref<128xi32, #tpu.memory_space<vmem>>, vector<16xi32>,
      %and3A_174 = arith.constant 1 : i32
      %and3A_175 = vector.broadcast %and3A_174 : i32 to vector<16xi32>
      %and3A_176 = arith.andi %get3A_168, %and3A_175 : vector<16xi32>
      %shift_left3A_177 = arith.constant 6 : i32
      %shift_left3A_178 = vector.broadcast %shift_left3A_177 : i32 to vector<16xi32>
      %shift_left3A_179 = arith.shli %and3A_176, %shift_left3A_178 : vector<16xi32>
      %swap3A_180 = arith.constant 80 : index
      %swap3A_181 = tpu.vector_load %arg9[%swap3A_180] {strides = array<i32>} : memref<128xi32, #tpu.memory_space<vmem>>, vector<16xi32>,
      tpu.vector_store %arg9[%swap3A_180], %shift_left3A_179 {strides = array<i32>} : memref<128xi32, #tpu.memory_space<vmem>>, vector<16xi32>,
      %get3A_182 = arith.constant 96 : index
      %get3A_183 = tpu.vector_load %arg5[%get3A_182] {strides = array<i32>} : memref<128xi32, #tpu.memory_space<vmem>>, vector<16xi32>,
      %shift_right_logical3A_184 = arith.constant 1 : i32
      %shift_right_logical3A_185 = vector.broadcast %shift_right_logical3A_184 : i32 to vector<16xi32>
      %shift_right_logical3A_186 = arith.shrui %get3A_183, %shift_right_logical3A_185 : vector<16xi32>
      %swap3A_187 = arith.constant 96 : index
      %swap3A_188 = tpu.vector_load %arg7[%swap3A_187] {strides = array<i32>} : memref<128xi32, #tpu.memory_space<vmem>>, vector<16xi32>,
      tpu.vector_store %arg7[%swap3A_187], %shift_right_logical3A_186 {strides = array<i32>} : memref<128xi32, #tpu.memory_space<vmem>>, vector<16xi32>,
      %and3A_189 = arith.constant 1 : i32
      %and3A_190 = vector.broadcast %and3A_189 : i32 to vector<16xi32>
      %and3A_191 = arith.andi %get3A_183, %and3A_190 : vector<16xi32>
      %shift_left3A_192 = arith.constant 6 : i32
      %shift_left3A_193 = vector.broadcast %shift_left3A_192 : i32 to vector<16xi32>
      %shift_left3A_194 = arith.shli %and3A_191, %shift_left3A_193 : vector<16xi32>
      %swap3A_195 = arith.constant 96 : index
      %swap3A_196 = tpu.vector_load %arg9[%swap3A_195] {strides = array<i32>} : memref<128xi32, #tpu.memory_space<vmem>>, vector<16xi32>,
      tpu.vector_store %arg9[%swap3A_195], %shift_left3A_194 {strides = array<i32>} : memref<128xi32, #tpu.memory_space<vmem>>, vector<16xi32>,
      %get3A_197 = arith.constant 112 : index
      %get3A_198 = tpu.vector_load %arg5[%get3A_197] {strides = array<i32>} : memref<128xi32, #tpu.memory_space<vmem>>, vector<16xi32>,
      %shift_right_logical3A_199 = arith.constant 1 : i32
      %shift_right_logical3A_200 = vector.broadcast %shift_right_logical3A_199 : i32 to vector<16xi32>
      %shift_right_logical3A_201 = arith.shrui %get3A_198, %shift_right_logical3A_200 : vector<16xi32>
      %swap3A_202 = arith.constant 112 : index
      %swap3A_203 = tpu.vector_load %arg7[%swap3A_202] {strides = array<i32>} : memref<128xi32, #tpu.memory_space<vmem>>, vector<16xi32>,
      tpu.vector_store %arg7[%swap3A_202], %shift_right_logical3A_201 {strides = array<i32>} : memref<128xi32, #tpu.memory_space<vmem>>, vector<16xi32>,
      %and3A_204 = arith.constant 1 : i32
      %and3A_205 = vector.broadcast %and3A_204 : i32 to vector<16xi32>
      %and3A_206 = arith.andi %get3A_198, %and3A_205 : vector<16xi32>
      %shift_left3A_207 = arith.constant 6 : i32
      %shift_left3A_208 = vector.broadcast %shift_left3A_207 : i32 to vector<16xi32>
      %shift_left3A_209 = arith.shli %and3A_206, %shift_left3A_208 : vector<16xi32>
      %swap3A_210 = arith.constant 112 : index
      %swap3A_211 = tpu.vector_load %arg9[%swap3A_210] {strides = array<i32>} : memref<128xi32, #tpu.memory_space<vmem>>, vector<16xi32>,
      tpu.vector_store %arg9[%swap3A_210], %shift_left3A_209 {strides = array<i32>} : memref<128xi32, #tpu.memory_space<vmem>>, vector<16xi32>,
      %dma_start3A_212 = arith.constant 0 : i32
      %dma_start3A_213 = arith.constant 0 : i32
      %dma_start3A_214 = tpu.memref_slice %arg3[%dma_start3A_212, %dma_start3A_213] : memref<500000x128xf32, #tpu.memory_space<hbm>> -> memref<500000x128xf32, #tpu.memory_space<hbm>>
      tpu.enqueue_indirect_dma source(%dma_start3A_214 : memref<500000x128xf32, #tpu.memory_space<hbm>>) target(%arg11 : memref<128x128xf32, #tpu.memory_space<vmem>>) offsets(%arg7 : memref<128xi32, #tpu.memory_space<vmem>>) semaphore(%arg17 : memref<!tpu.dma_semaphore, #tpu.memory_space<semaphore_mem>>)
      %add3A_215 = arith.constant 1 : i32
      %add3A_216 = arith.addi %add3A_90, %add3A_215 : i32
      %lt3A = arith.constant 200 : i32
      %lt3A_217 = arith.cmpi slt, %add3A_216, %lt3A : i32
      %convert_element_type3A = arith.extui %lt3A_217 : i1 to i32
      %cond3A = arith.constant 0 : i32
      %cond3A_218 = arith.cmpi ne, %convert_element_type3A, %cond3A : i32
      scf.if %cond3A_218 {
        %add3A_367 = arith.constant 1 : i32
        %add3A_368 = arith.addi %add3A_90, %add3A_367 : i32
        %mul3A_369 = arith.constant 4096 : i32
        %mul3A_370 = arith.muli %add3A_368, %mul3A_369 : i32
        %add3A_371 = arith.addi %mul3A_370, %mul3A_2 : i32
        %dma_start3A_372 = tpu.memref_slice %arg2[%add3A_371] : memref<819200xi32, #tpu.memory_space<hbm>> -> memref<128xi32, #tpu.memory_space<hbm>>
        %dma_start3A_373 = tpu.memref_slice %arg2[%add3A_371] : memref<819200xi32, #tpu.memory_space<hbm>> -> memref<128xi32, #tpu.memory_space<hbm>>
        tpu.enqueue_dma source(%dma_start3A_373 : memref<128xi32, #tpu.memory_space<hbm>>) target(%arg6 : memref<128xi32, #tpu.memory_space<vmem>>) target_semaphore(%arg16 : memref<!tpu.dma_semaphore, #tpu.memory_space<semaphore_mem>>)
      } else {
      }
      %ge3A = arith.constant 1 : i32
      %ge3A_219 = arith.cmpi sge, %add3A_90, %ge3A : i32
      %convert_element_type3A_220 = arith.extui %ge3A_219 : i1 to i32
      %cond3A_221 = arith.constant 0 : i32
      %cond3A_222 = arith.cmpi ne, %convert_element_type3A_220, %cond3A_221 : i32
      scf.if %cond3A_222 {
        %ge3A_367 = arith.constant 3 : i32
        %ge3A_368 = arith.cmpi sge, %add3A_90, %ge3A_367 : i32
        %convert_element_type3A_369 = arith.extui %ge3A_368 : i1 to i32
        %cond3A_370 = arith.constant 0 : i32
        %cond3A_371 = arith.cmpi ne, %convert_element_type3A_369, %cond3A_370 : i32
        scf.if %cond3A_371 {
          %sub3A_428 = arith.constant 3 : i32
          %sub3A_429 = arith.subi %add3A_90, %sub3A_428 : i32
          %dma_wait3A_430 = arith.constant 0 : i32
          %dma_wait3A_431 = tpu.memref_slice %arg4[%sub3A_429, %dma_wait3A_430, %mul3A_2] : memref<200x64x4096xf32, #tpu.memory_space<hbm>> -> memref<1x64x128xf32, #tpu.memory_space<hbm>>
          %dma_wait3A_432 = tpu.memref_squeeze %dma_wait3A_431 : memref<1x64x128xf32, #tpu.memory_space<hbm>> -> memref<64x128xf32, #tpu.memory_space<hbm>>
          %dma_wait3A_433 = arith.constant 0 : i32
          %dma_wait3A_434 = tpu.memref_slice %arg4[%sub3A_429, %dma_wait3A_433, %mul3A_2] : memref<200x64x4096xf32, #tpu.memory_space<hbm>> -> memref<1x64x128xf32, #tpu.memory_space<hbm>>
          %dma_wait3A_435 = tpu.memref_squeeze %dma_wait3A_434 : memref<1x64x128xf32, #tpu.memory_space<hbm>> -> memref<64x128xf32, #tpu.memory_space<hbm>>
          tpu.wait_dma2 semaphore(%arg20 : memref<!tpu.dma_semaphore, #tpu.memory_space<semaphore_mem>>) src(%arg14 : memref<64x128xf32, #tpu.memory_space<vmem>>) dst(%dma_wait3A_435 : memref<64x128xf32, #tpu.memory_space<hbm>>)
        } else {
        }
        %dma_wait3A_372 = arith.constant 0 : i32
        %dma_wait3A_373 = arith.constant 0 : i32
        %dma_wait3A_374 = tpu.memref_slice %arg3[%dma_wait3A_372, %dma_wait3A_373] : memref<500000x128xf32, #tpu.memory_space<hbm>> -> memref<500000x128xf32, #tpu.memory_space<hbm>>
        tpu.wait_indirect_dma semaphore(%arg18 : memref<!tpu.dma_semaphore, #tpu.memory_space<semaphore_mem>>) src(%dma_wait3A_374 : memref<500000x128xf32, #tpu.memory_space<hbm>>) dst(%arg12 : memref<128x128xf32, #tpu.memory_space<vmem>>)
        %add3A_375 = arith.constant 0 : i32
        %add3A_376 = vector.broadcast %add3A_375 : i32 to vector<16xi32>
        %add3A_377 = arith.addi %iota3A, %add3A_376 : vector<16xi32>
        %add3A_378 = arith.constant 16 : i32
        %add3A_379 = vector.broadcast %add3A_378 : i32 to vector<16xi32>
        %add3A_380 = arith.addi %iota3A, %add3A_379 : vector<16xi32>
        %add3A_381 = arith.constant 32 : i32
        %add3A_382 = vector.broadcast %add3A_381 : i32 to vector<16xi32>
        %add3A_383 = arith.addi %iota3A, %add3A_382 : vector<16xi32>
        %add3A_384 = arith.constant 48 : i32
        %add3A_385 = vector.broadcast %add3A_384 : i32 to vector<16xi32>
        %add3A_386 = arith.addi %iota3A, %add3A_385 : vector<16xi32>
        %add3A_387 = arith.constant 64 : i32
        %add3A_388 = vector.broadcast %add3A_387 : i32 to vector<16xi32>
        %add3A_389 = arith.addi %iota3A, %add3A_388 : vector<16xi32>
        %add3A_390 = arith.constant 80 : i32
        %add3A_391 = vector.broadcast %add3A_390 : i32 to vector<16xi32>
        %add3A_392 = arith.addi %iota3A, %add3A_391 : vector<16xi32>
        %add3A_393 = arith.constant 96 : i32
        %add3A_394 = vector.broadcast %add3A_393 : i32 to vector<16xi32>
        %add3A_395 = arith.addi %iota3A, %add3A_394 : vector<16xi32>
        %add3A_396 = arith.constant 112 : i32
        %add3A_397 = vector.broadcast %add3A_396 : i32 to vector<16xi32>
        %add3A_398 = arith.addi %iota3A, %add3A_397 : vector<16xi32>
        %get3A_399 = arith.constant 0 : index
        %get3A_400 = tpu.vector_load %arg10[%get3A_399] {strides = array<i32>} : memref<128xi32, #tpu.memory_space<vmem>>, vector<16xi32>,
        %get3A_401 = arith.constant 16 : index
        %get3A_402 = tpu.vector_load %arg10[%get3A_401] {strides = array<i32>} : memref<128xi32, #tpu.memory_space<vmem>>, vector<16xi32>,
        %get3A_403 = arith.constant 32 : index
        %get3A_404 = tpu.vector_load %arg10[%get3A_403] {strides = array<i32>} : memref<128xi32, #tpu.memory_space<vmem>>, vector<16xi32>,
        %get3A_405 = arith.constant 48 : index
        %get3A_406 = tpu.vector_load %arg10[%get3A_405] {strides = array<i32>} : memref<128xi32, #tpu.memory_space<vmem>>, vector<16xi32>,
        %get3A_407 = arith.constant 64 : index
        %get3A_408 = tpu.vector_load %arg10[%get3A_407] {strides = array<i32>} : memref<128xi32, #tpu.memory_space<vmem>>, vector<16xi32>,
        %get3A_409 = arith.constant 80 : index
        %get3A_410 = tpu.vector_load %arg10[%get3A_409] {strides = array<i32>} : memref<128xi32, #tpu.memory_space<vmem>>, vector<16xi32>,
        %get3A_411 = arith.constant 96 : index
        %get3A_412 = tpu.vector_load %arg10[%get3A_411] {strides = array<i32>} : memref<128xi32, #tpu.memory_space<vmem>>, vector<16xi32>,
        %get3A_413 = arith.constant 112 : index
        %get3A_414 = tpu.vector_load %arg10[%get3A_413] {strides = array<i32>} : memref<128xi32, #tpu.memory_space<vmem>>, vector<16xi32>,
        %scan3A_415 = arith.constant 0 : i32
        %scan3A_416 = arith.constant 0 : i32
        %scan3A_417 = arith.constant 32 : i32
        %scan3A_418 = arith.addi %scan3A_416, %scan3A_417 : i32
        %scan3A_419 = arith.constant 1 : i32
        scf.for %scan3A_428 = %scan3A_416 to %scan3A_418 step %scan3A_419  : i32 {
          %add3A_429 = arith.constant 0 : i32
          %add3A_430 = arith.addi %scan3A_428, %add3A_429 : i32
          %add3A_431 = vector.broadcast %add3A_430 : i32 to vector<16xi32>
          %add3A_432 = arith.addi %iota3A, %add3A_431 : vector<16xi32>
          %and3A_433 = arith.constant 63 : i32
          %and3A_434 = vector.broadcast %and3A_433 : i32 to vector<16xi32>
          %and3A_435 = arith.andi %add3A_432, %and3A_434 : vector<16xi32>
          %add3A_436 = arith.addi %get3A_400, %and3A_435 : vector<16xi32>
          %gather3A = tpu.vector_load_idx %arg12[%add3A_377, %add3A_436] : memref<128x128xf32, #tpu.memory_space<vmem>>[vector<16xi32>, vector<16xi32>], vector<16xf32>,
          %add3A_437 = arith.addi %get3A_402, %and3A_435 : vector<16xi32>
          %gather3A_438 = tpu.vector_load_idx %arg12[%add3A_380, %add3A_437] : memref<128x128xf32, #tpu.memory_space<vmem>>[vector<16xi32>, vector<16xi32>], vector<16xf32>,
          %add3A_439 = arith.addi %get3A_404, %and3A_435 : vector<16xi32>
          %gather3A_440 = tpu.vector_load_idx %arg12[%add3A_383, %add3A_439] : memref<128x128xf32, #tpu.memory_space<vmem>>[vector<16xi32>, vector<16xi32>], vector<16xf32>,
          %add3A_441 = arith.addi %get3A_406, %and3A_435 : vector<16xi32>
          %gather3A_442 = tpu.vector_load_idx %arg12[%add3A_386, %add3A_441] : memref<128x128xf32, #tpu.memory_space<vmem>>[vector<16xi32>, vector<16xi32>], vector<16xf32>,
          %add3A_443 = arith.addi %get3A_408, %and3A_435 : vector<16xi32>
          %gather3A_444 = tpu.vector_load_idx %arg12[%add3A_389, %add3A_443] : memref<128x128xf32, #tpu.memory_space<vmem>>[vector<16xi32>, vector<16xi32>], vector<16xf32>,
          %add3A_445 = arith.addi %get3A_410, %and3A_435 : vector<16xi32>
          %gather3A_446 = tpu.vector_load_idx %arg12[%add3A_392, %add3A_445] : memref<128x128xf32, #tpu.memory_space<vmem>>[vector<16xi32>, vector<16xi32>], vector<16xf32>,
          %add3A_447 = arith.addi %get3A_412, %and3A_435 : vector<16xi32>
          %gather3A_448 = tpu.vector_load_idx %arg12[%add3A_395, %add3A_447] : memref<128x128xf32, #tpu.memory_space<vmem>>[vector<16xi32>, vector<16xi32>], vector<16xf32>,
          %add3A_449 = arith.addi %get3A_414, %and3A_435 : vector<16xi32>
          %gather3A_450 = tpu.vector_load_idx %arg12[%add3A_398, %add3A_449] : memref<128x128xf32, #tpu.memory_space<vmem>>[vector<16xi32>, vector<16xi32>], vector<16xf32>,
          tpu.vector_store_idx %arg14[%and3A_435, %add3A_377], %gather3A : memref<64x128xf32, #tpu.memory_space<vmem>>[vector<16xi32>, vector<16xi32>], vector<16xf32>,
          tpu.vector_store_idx %arg14[%and3A_435, %add3A_380], %gather3A_438 : memref<64x128xf32, #tpu.memory_space<vmem>>[vector<16xi32>, vector<16xi32>], vector<16xf32>,
          tpu.vector_store_idx %arg14[%and3A_435, %add3A_383], %gather3A_440 : memref<64x128xf32, #tpu.memory_space<vmem>>[vector<16xi32>, vector<16xi32>], vector<16xf32>,
          tpu.vector_store_idx %arg14[%and3A_435, %add3A_386], %gather3A_442 : memref<64x128xf32, #tpu.memory_space<vmem>>[vector<16xi32>, vector<16xi32>], vector<16xf32>,
          tpu.vector_store_idx %arg14[%and3A_435, %add3A_389], %gather3A_444 : memref<64x128xf32, #tpu.memory_space<vmem>>[vector<16xi32>, vector<16xi32>], vector<16xf32>,
          tpu.vector_store_idx %arg14[%and3A_435, %add3A_392], %gather3A_446 : memref<64x128xf32, #tpu.memory_space<vmem>>[vector<16xi32>, vector<16xi32>], vector<16xf32>,
          tpu.vector_store_idx %arg14[%and3A_435, %add3A_395], %gather3A_448 : memref<64x128xf32, #tpu.memory_space<vmem>>[vector<16xi32>, vector<16xi32>], vector<16xf32>,
          tpu.vector_store_idx %arg14[%and3A_435, %add3A_398], %gather3A_450 : memref<64x128xf32, #tpu.memory_space<vmem>>[vector<16xi32>, vector<16xi32>], vector<16xf32>,
          %add3A_451 = arith.constant 32 : i32
          %add3A_452 = arith.addi %scan3A_428, %add3A_451 : i32
          %add3A_453 = vector.broadcast %add3A_452 : i32 to vector<16xi32>
          %add3A_454 = arith.addi %iota3A, %add3A_453 : vector<16xi32>
          %and3A_455 = arith.constant 63 : i32
          %and3A_456 = vector.broadcast %and3A_455 : i32 to vector<16xi32>
          %and3A_457 = arith.andi %add3A_454, %and3A_456 : vector<16xi32>
          %add3A_458 = arith.addi %get3A_400, %and3A_457 : vector<16xi32>
          %gather3A_459 = tpu.vector_load_idx %arg12[%add3A_377, %add3A_458] : memref<128x128xf32, #tpu.memory_space<vmem>>[vector<16xi32>, vector<16xi32>], vector<16xf32>,
          %add3A_460 = arith.addi %get3A_402, %and3A_457 : vector<16xi32>
          %gather3A_461 = tpu.vector_load_idx %arg12[%add3A_380, %add3A_460] : memref<128x128xf32, #tpu.memory_space<vmem>>[vector<16xi32>, vector<16xi32>], vector<16xf32>,
          %add3A_462 = arith.addi %get3A_404, %and3A_457 : vector<16xi32>
          %gather3A_463 = tpu.vector_load_idx %arg12[%add3A_383, %add3A_462] : memref<128x128xf32, #tpu.memory_space<vmem>>[vector<16xi32>, vector<16xi32>], vector<16xf32>,
          %add3A_464 = arith.addi %get3A_406, %and3A_457 : vector<16xi32>
          %gather3A_465 = tpu.vector_load_idx %arg12[%add3A_386, %add3A_464] : memref<128x128xf32, #tpu.memory_space<vmem>>[vector<16xi32>, vector<16xi32>], vector<16xf32>,
          %add3A_466 = arith.addi %get3A_408, %and3A_457 : vector<16xi32>
          %gather3A_467 = tpu.vector_load_idx %arg12[%add3A_389, %add3A_466] : memref<128x128xf32, #tpu.memory_space<vmem>>[vector<16xi32>, vector<16xi32>], vector<16xf32>,
          %add3A_468 = arith.addi %get3A_410, %and3A_457 : vector<16xi32>
          %gather3A_469 = tpu.vector_load_idx %arg12[%add3A_392, %add3A_468] : memref<128x128xf32, #tpu.memory_space<vmem>>[vector<16xi32>, vector<16xi32>], vector<16xf32>,
          %add3A_470 = arith.addi %get3A_412, %and3A_457 : vector<16xi32>
          %gather3A_471 = tpu.vector_load_idx %arg12[%add3A_395, %add3A_470] : memref<128x128xf32, #tpu.memory_space<vmem>>[vector<16xi32>, vector<16xi32>], vector<16xf32>,
          %add3A_472 = arith.addi %get3A_414, %and3A_457 : vector<16xi32>
          %gather3A_473 = tpu.vector_load_idx %arg12[%add3A_398, %add3A_472] : memref<128x128xf32, #tpu.memory_space<vmem>>[vector<16xi32>, vector<16xi32>], vector<16xf32>,
          tpu.vector_store_idx %arg14[%and3A_457, %add3A_377], %gather3A_459 : memref<64x128xf32, #tpu.memory_space<vmem>>[vector<16xi32>, vector<16xi32>], vector<16xf32>,
          tpu.vector_store_idx %arg14[%and3A_457, %add3A_380], %gather3A_461 : memref<64x128xf32, #tpu.memory_space<vmem>>[vector<16xi32>, vector<16xi32>], vector<16xf32>,
          tpu.vector_store_idx %arg14[%and3A_457, %add3A_383], %gather3A_463 : memref<64x128xf32, #tpu.memory_space<vmem>>[vector<16xi32>, vector<16xi32>], vector<16xf32>,
          tpu.vector_store_idx %arg14[%and3A_457, %add3A_386], %gather3A_465 : memref<64x128xf32, #tpu.memory_space<vmem>>[vector<16xi32>, vector<16xi32>], vector<16xf32>,
          tpu.vector_store_idx %arg14[%and3A_457, %add3A_389], %gather3A_467 : memref<64x128xf32, #tpu.memory_space<vmem>>[vector<16xi32>, vector<16xi32>], vector<16xf32>,
          tpu.vector_store_idx %arg14[%and3A_457, %add3A_392], %gather3A_469 : memref<64x128xf32, #tpu.memory_space<vmem>>[vector<16xi32>, vector<16xi32>], vector<16xf32>,
          tpu.vector_store_idx %arg14[%and3A_457, %add3A_395], %gather3A_471 : memref<64x128xf32, #tpu.memory_space<vmem>>[vector<16xi32>, vector<16xi32>], vector<16xf32>,
          tpu.vector_store_idx %arg14[%and3A_457, %add3A_398], %gather3A_473 : memref<64x128xf32, #tpu.memory_space<vmem>>[vector<16xi32>, vector<16xi32>], vector<16xf32>,
        }
        %scan3A_420 = arith.constant 32 : i32
        %sub3A = arith.constant 1 : i32
        %sub3A_421 = arith.subi %add3A_90, %sub3A : i32
        %dma_start3A_422 = arith.constant 0 : i32
        %dma_start3A_423 = tpu.memref_slice %arg4[%sub3A_421, %dma_start3A_422, %mul3A_2] : memref<200x64x4096xf32, #tpu.memory_space<hbm>> -> memref<1x64x128xf32, #tpu.memory_space<hbm>>
        %dma_start3A_424 = tpu.memref_squeeze %dma_start3A_423 : memref<1x64x128xf32, #tpu.memory_space<hbm>> -> memref<64x128xf32, #tpu.memory_space<hbm>>
        %dma_start3A_425 = arith.constant 0 : i32
        %dma_start3A_426 = tpu.memref_slice %arg4[%sub3A_421, %dma_start3A_425, %mul3A_2] : memref<200x64x4096xf32, #tpu.memory_space<hbm>> -> memref<1x64x128xf32, #tpu.memory_space<hbm>>
        %dma_start3A_427 = tpu.memref_squeeze %dma_start3A_426 : memref<1x64x128xf32, #tpu.memory_space<hbm>> -> memref<64x128xf32, #tpu.memory_space<hbm>>
        tpu.enqueue_dma source(%arg14 : memref<64x128xf32, #tpu.memory_space<vmem>>) target(%dma_start3A_427 : memref<64x128xf32, #tpu.memory_space<hbm>>) target_semaphore(%arg20 : memref<!tpu.dma_semaphore, #tpu.memory_space<semaphore_mem>>)
      } else {
      }
      %mul3A_223 = arith.constant 2 : i32
      %mul3A_224 = arith.muli %mul3A_223, %scan3A_86 : i32
      %add3A_225 = arith.constant 1 : i32
      %add3A_226 = arith.addi %mul3A_224, %add3A_225 : i32
      %mul3A_227 = arith.constant 4096 : i32
      %mul3A_228 = arith.muli %add3A_226, %mul3A_227 : i32
      %add3A_229 = arith.addi %mul3A_228, %mul3A_2 : i32
      %dma_wait3A_230 = tpu.memref_slice %arg2[%add3A_229] : memref<819200xi32, #tpu.memory_space<hbm>> -> memref<128xi32, #tpu.memory_space<hbm>>
      %dma_wait3A_231 = tpu.memref_slice %arg2[%add3A_229] : memref<819200xi32, #tpu.memory_space<hbm>> -> memref<128xi32, #tpu.memory_space<hbm>>
      tpu.wait_dma2 semaphore(%arg16 : memref<!tpu.dma_semaphore, #tpu.memory_space<semaphore_mem>>) src(%dma_wait3A_231 : memref<128xi32, #tpu.memory_space<hbm>>) dst(%arg6 : memref<128xi32, #tpu.memory_space<vmem>>)
      %get3A_232 = arith.constant 0 : index
      %get3A_233 = tpu.vector_load %arg6[%get3A_232] {strides = array<i32>} : memref<128xi32, #tpu.memory_space<vmem>>, vector<16xi32>,
      %shift_right_logical3A_234 = arith.constant 1 : i32
      %shift_right_logical3A_235 = vector.broadcast %shift_right_logical3A_234 : i32 to vector<16xi32>
      %shift_right_logical3A_236 = arith.shrui %get3A_233, %shift_right_logical3A_235 : vector<16xi32>
      %swap3A_237 = arith.constant 0 : index
      %swap3A_238 = tpu.vector_load %arg8[%swap3A_237] {strides = array<i32>} : memref<128xi32, #tpu.memory_space<vmem>>, vector<16xi32>,
      tpu.vector_store %arg8[%swap3A_237], %shift_right_logical3A_236 {strides = array<i32>} : memref<128xi32, #tpu.memory_space<vmem>>, vector<16xi32>,
      %and3A_239 = arith.constant 1 : i32
      %and3A_240 = vector.broadcast %and3A_239 : i32 to vector<16xi32>
      %and3A_241 = arith.andi %get3A_233, %and3A_240 : vector<16xi32>
      %shift_left3A_242 = arith.constant 6 : i32
      %shift_left3A_243 = vector.broadcast %shift_left3A_242 : i32 to vector<16xi32>
      %shift_left3A_244 = arith.shli %and3A_241, %shift_left3A_243 : vector<16xi32>
      %swap3A_245 = arith.constant 0 : index
      %swap3A_246 = tpu.vector_load %arg10[%swap3A_245] {strides = array<i32>} : memref<128xi32, #tpu.memory_space<vmem>>, vector<16xi32>,
      tpu.vector_store %arg10[%swap3A_245], %shift_left3A_244 {strides = array<i32>} : memref<128xi32, #tpu.memory_space<vmem>>, vector<16xi32>,
      %get3A_247 = arith.constant 16 : index
      %get3A_248 = tpu.vector_load %arg6[%get3A_247] {strides = array<i32>} : memref<128xi32, #tpu.memory_space<vmem>>, vector<16xi32>,
      %shift_right_logical3A_249 = arith.constant 1 : i32
      %shift_right_logical3A_250 = vector.broadcast %shift_right_logical3A_249 : i32 to vector<16xi32>
      %shift_right_logical3A_251 = arith.shrui %get3A_248, %shift_right_logical3A_250 : vector<16xi32>
      %swap3A_252 = arith.constant 16 : index
      %swap3A_253 = tpu.vector_load %arg8[%swap3A_252] {strides = array<i32>} : memref<128xi32, #tpu.memory_space<vmem>>, vector<16xi32>,
      tpu.vector_store %arg8[%swap3A_252], %shift_right_logical3A_251 {strides = array<i32>} : memref<128xi32, #tpu.memory_space<vmem>>, vector<16xi32>,
      %and3A_254 = arith.constant 1 : i32
      %and3A_255 = vector.broadcast %and3A_254 : i32 to vector<16xi32>
      %and3A_256 = arith.andi %get3A_248, %and3A_255 : vector<16xi32>
      %shift_left3A_257 = arith.constant 6 : i32
      %shift_left3A_258 = vector.broadcast %shift_left3A_257 : i32 to vector<16xi32>
      %shift_left3A_259 = arith.shli %and3A_256, %shift_left3A_258 : vector<16xi32>
      %swap3A_260 = arith.constant 16 : index
      %swap3A_261 = tpu.vector_load %arg10[%swap3A_260] {strides = array<i32>} : memref<128xi32, #tpu.memory_space<vmem>>, vector<16xi32>,
      tpu.vector_store %arg10[%swap3A_260], %shift_left3A_259 {strides = array<i32>} : memref<128xi32, #tpu.memory_space<vmem>>, vector<16xi32>,
      %get3A_262 = arith.constant 32 : index
      %get3A_263 = tpu.vector_load %arg6[%get3A_262] {strides = array<i32>} : memref<128xi32, #tpu.memory_space<vmem>>, vector<16xi32>,
      %shift_right_logical3A_264 = arith.constant 1 : i32
      %shift_right_logical3A_265 = vector.broadcast %shift_right_logical3A_264 : i32 to vector<16xi32>
      %shift_right_logical3A_266 = arith.shrui %get3A_263, %shift_right_logical3A_265 : vector<16xi32>
      %swap3A_267 = arith.constant 32 : index
      %swap3A_268 = tpu.vector_load %arg8[%swap3A_267] {strides = array<i32>} : memref<128xi32, #tpu.memory_space<vmem>>, vector<16xi32>,
      tpu.vector_store %arg8[%swap3A_267], %shift_right_logical3A_266 {strides = array<i32>} : memref<128xi32, #tpu.memory_space<vmem>>, vector<16xi32>,
      %and3A_269 = arith.constant 1 : i32
      %and3A_270 = vector.broadcast %and3A_269 : i32 to vector<16xi32>
      %and3A_271 = arith.andi %get3A_263, %and3A_270 : vector<16xi32>
      %shift_left3A_272 = arith.constant 6 : i32
      %shift_left3A_273 = vector.broadcast %shift_left3A_272 : i32 to vector<16xi32>
      %shift_left3A_274 = arith.shli %and3A_271, %shift_left3A_273 : vector<16xi32>
      %swap3A_275 = arith.constant 32 : index
      %swap3A_276 = tpu.vector_load %arg10[%swap3A_275] {strides = array<i32>} : memref<128xi32, #tpu.memory_space<vmem>>, vector<16xi32>,
      tpu.vector_store %arg10[%swap3A_275], %shift_left3A_274 {strides = array<i32>} : memref<128xi32, #tpu.memory_space<vmem>>, vector<16xi32>,
      %get3A_277 = arith.constant 48 : index
      %get3A_278 = tpu.vector_load %arg6[%get3A_277] {strides = array<i32>} : memref<128xi32, #tpu.memory_space<vmem>>, vector<16xi32>,
      %shift_right_logical3A_279 = arith.constant 1 : i32
      %shift_right_logical3A_280 = vector.broadcast %shift_right_logical3A_279 : i32 to vector<16xi32>
      %shift_right_logical3A_281 = arith.shrui %get3A_278, %shift_right_logical3A_280 : vector<16xi32>
      %swap3A_282 = arith.constant 48 : index
      %swap3A_283 = tpu.vector_load %arg8[%swap3A_282] {strides = array<i32>} : memref<128xi32, #tpu.memory_space<vmem>>, vector<16xi32>,
      tpu.vector_store %arg8[%swap3A_282], %shift_right_logical3A_281 {strides = array<i32>} : memref<128xi32, #tpu.memory_space<vmem>>, vector<16xi32>,
      %and3A_284 = arith.constant 1 : i32
      %and3A_285 = vector.broadcast %and3A_284 : i32 to vector<16xi32>
      %and3A_286 = arith.andi %get3A_278, %and3A_285 : vector<16xi32>
      %shift_left3A_287 = arith.constant 6 : i32
      %shift_left3A_288 = vector.broadcast %shift_left3A_287 : i32 to vector<16xi32>
      %shift_left3A_289 = arith.shli %and3A_286, %shift_left3A_288 : vector<16xi32>
      %swap3A_290 = arith.constant 48 : index
      %swap3A_291 = tpu.vector_load %arg10[%swap3A_290] {strides = array<i32>} : memref<128xi32, #tpu.memory_space<vmem>>, vector<16xi32>,
      tpu.vector_store %arg10[%swap3A_290], %shift_left3A_289 {strides = array<i32>} : memref<128xi32, #tpu.memory_space<vmem>>, vector<16xi32>,
      %get3A_292 = arith.constant 64 : index
      %get3A_293 = tpu.vector_load %arg6[%get3A_292] {strides = array<i32>} : memref<128xi32, #tpu.memory_space<vmem>>, vector<16xi32>,
      %shift_right_logical3A_294 = arith.constant 1 : i32
      %shift_right_logical3A_295 = vector.broadcast %shift_right_logical3A_294 : i32 to vector<16xi32>
      %shift_right_logical3A_296 = arith.shrui %get3A_293, %shift_right_logical3A_295 : vector<16xi32>
      %swap3A_297 = arith.constant 64 : index
      %swap3A_298 = tpu.vector_load %arg8[%swap3A_297] {strides = array<i32>} : memref<128xi32, #tpu.memory_space<vmem>>, vector<16xi32>,
      tpu.vector_store %arg8[%swap3A_297], %shift_right_logical3A_296 {strides = array<i32>} : memref<128xi32, #tpu.memory_space<vmem>>, vector<16xi32>,
      %and3A_299 = arith.constant 1 : i32
      %and3A_300 = vector.broadcast %and3A_299 : i32 to vector<16xi32>
      %and3A_301 = arith.andi %get3A_293, %and3A_300 : vector<16xi32>
      %shift_left3A_302 = arith.constant 6 : i32
      %shift_left3A_303 = vector.broadcast %shift_left3A_302 : i32 to vector<16xi32>
      %shift_left3A_304 = arith.shli %and3A_301, %shift_left3A_303 : vector<16xi32>
      %swap3A_305 = arith.constant 64 : index
      %swap3A_306 = tpu.vector_load %arg10[%swap3A_305] {strides = array<i32>} : memref<128xi32, #tpu.memory_space<vmem>>, vector<16xi32>,
      tpu.vector_store %arg10[%swap3A_305], %shift_left3A_304 {strides = array<i32>} : memref<128xi32, #tpu.memory_space<vmem>>, vector<16xi32>,
      %get3A_307 = arith.constant 80 : index
      %get3A_308 = tpu.vector_load %arg6[%get3A_307] {strides = array<i32>} : memref<128xi32, #tpu.memory_space<vmem>>, vector<16xi32>,
      %shift_right_logical3A_309 = arith.constant 1 : i32
      %shift_right_logical3A_310 = vector.broadcast %shift_right_logical3A_309 : i32 to vector<16xi32>
      %shift_right_logical3A_311 = arith.shrui %get3A_308, %shift_right_logical3A_310 : vector<16xi32>
      %swap3A_312 = arith.constant 80 : index
      %swap3A_313 = tpu.vector_load %arg8[%swap3A_312] {strides = array<i32>} : memref<128xi32, #tpu.memory_space<vmem>>, vector<16xi32>,
      tpu.vector_store %arg8[%swap3A_312], %shift_right_logical3A_311 {strides = array<i32>} : memref<128xi32, #tpu.memory_space<vmem>>, vector<16xi32>,
      %and3A_314 = arith.constant 1 : i32
      %and3A_315 = vector.broadcast %and3A_314 : i32 to vector<16xi32>
      %and3A_316 = arith.andi %get3A_308, %and3A_315 : vector<16xi32>
      %shift_left3A_317 = arith.constant 6 : i32
      %shift_left3A_318 = vector.broadcast %shift_left3A_317 : i32 to vector<16xi32>
      %shift_left3A_319 = arith.shli %and3A_316, %shift_left3A_318 : vector<16xi32>
      %swap3A_320 = arith.constant 80 : index
      %swap3A_321 = tpu.vector_load %arg10[%swap3A_320] {strides = array<i32>} : memref<128xi32, #tpu.memory_space<vmem>>, vector<16xi32>,
      tpu.vector_store %arg10[%swap3A_320], %shift_left3A_319 {strides = array<i32>} : memref<128xi32, #tpu.memory_space<vmem>>, vector<16xi32>,
      %get3A_322 = arith.constant 96 : index
      %get3A_323 = tpu.vector_load %arg6[%get3A_322] {strides = array<i32>} : memref<128xi32, #tpu.memory_space<vmem>>, vector<16xi32>,
      %shift_right_logical3A_324 = arith.constant 1 : i32
      %shift_right_logical3A_325 = vector.broadcast %shift_right_logical3A_324 : i32 to vector<16xi32>
      %shift_right_logical3A_326 = arith.shrui %get3A_323, %shift_right_logical3A_325 : vector<16xi32>
      %swap3A_327 = arith.constant 96 : index
      %swap3A_328 = tpu.vector_load %arg8[%swap3A_327] {strides = array<i32>} : memref<128xi32, #tpu.memory_space<vmem>>, vector<16xi32>,
      tpu.vector_store %arg8[%swap3A_327], %shift_right_logical3A_326 {strides = array<i32>} : memref<128xi32, #tpu.memory_space<vmem>>, vector<16xi32>,
      %and3A_329 = arith.constant 1 : i32
      %and3A_330 = vector.broadcast %and3A_329 : i32 to vector<16xi32>
      %and3A_331 = arith.andi %get3A_323, %and3A_330 : vector<16xi32>
      %shift_left3A_332 = arith.constant 6 : i32
      %shift_left3A_333 = vector.broadcast %shift_left3A_332 : i32 to vector<16xi32>
      %shift_left3A_334 = arith.shli %and3A_331, %shift_left3A_333 : vector<16xi32>
      %swap3A_335 = arith.constant 96 : index
      %swap3A_336 = tpu.vector_load %arg10[%swap3A_335] {strides = array<i32>} : memref<128xi32, #tpu.memory_space<vmem>>, vector<16xi32>,
      tpu.vector_store %arg10[%swap3A_335], %shift_left3A_334 {strides = array<i32>} : memref<128xi32, #tpu.memory_space<vmem>>, vector<16xi32>,
      %get3A_337 = arith.constant 112 : index
      %get3A_338 = tpu.vector_load %arg6[%get3A_337] {strides = array<i32>} : memref<128xi32, #tpu.memory_space<vmem>>, vector<16xi32>,
      %shift_right_logical3A_339 = arith.constant 1 : i32
      %shift_right_logical3A_340 = vector.broadcast %shift_right_logical3A_339 : i32 to vector<16xi32>
      %shift_right_logical3A_341 = arith.shrui %get3A_338, %shift_right_logical3A_340 : vector<16xi32>
      %swap3A_342 = arith.constant 112 : index
      %swap3A_343 = tpu.vector_load %arg8[%swap3A_342] {strides = array<i32>} : memref<128xi32, #tpu.memory_space<vmem>>, vector<16xi32>,
      tpu.vector_store %arg8[%swap3A_342], %shift_right_logical3A_341 {strides = array<i32>} : memref<128xi32, #tpu.memory_space<vmem>>, vector<16xi32>,
      %and3A_344 = arith.constant 1 : i32
      %and3A_345 = vector.broadcast %and3A_344 : i32 to vector<16xi32>
      %and3A_346 = arith.andi %get3A_338, %and3A_345 : vector<16xi32>
      %shift_left3A_347 = arith.constant 6 : i32
      %shift_left3A_348 = vector.broadcast %shift_left3A_347 : i32 to vector<16xi32>
      %shift_left3A_349 = arith.shli %and3A_346, %shift_left3A_348 : vector<16xi32>
      %swap3A_350 = arith.constant 112 : index
      %swap3A_351 = tpu.vector_load %arg10[%swap3A_350] {strides = array<i32>} : memref<128xi32, #tpu.memory_space<vmem>>, vector<16xi32>,
      tpu.vector_store %arg10[%swap3A_350], %shift_left3A_349 {strides = array<i32>} : memref<128xi32, #tpu.memory_space<vmem>>, vector<16xi32>,
      %dma_start3A_352 = arith.constant 0 : i32
      %dma_start3A_353 = arith.constant 0 : i32
      %dma_start3A_354 = tpu.memref_slice %arg3[%dma_start3A_352, %dma_start3A_353] : memref<500000x128xf32, #tpu.memory_space<hbm>> -> memref<500000x128xf32, #tpu.memory_space<hbm>>
      tpu.enqueue_indirect_dma source(%dma_start3A_354 : memref<500000x128xf32, #tpu.memory_space<hbm>>) target(%arg12 : memref<128x128xf32, #tpu.memory_space<vmem>>) offsets(%arg8 : memref<128xi32, #tpu.memory_space<vmem>>) semaphore(%arg18 : memref<!tpu.dma_semaphore, #tpu.memory_space<semaphore_mem>>)
      %add3A_355 = arith.constant 1 : i32
      %add3A_356 = arith.addi %add3A_226, %add3A_355 : i32
      %lt3A_357 = arith.constant 200 : i32
      %lt3A_358 = arith.cmpi slt, %add3A_356, %lt3A_357 : i32
      %convert_element_type3A_359 = arith.extui %lt3A_358 : i1 to i32
      %cond3A_360 = arith.constant 0 : i32
      %cond3A_361 = arith.cmpi ne, %convert_element_type3A_359, %cond3A_360 : i32
      scf.if %cond3A_361 {
        %add3A_367 = arith.constant 1 : i32
        %add3A_368 = arith.addi %add3A_226, %add3A_367 : i32
        %mul3A_369 = arith.constant 4096 : i32
        %mul3A_370 = arith.muli %add3A_368, %mul3A_369 : i32
        %add3A_371 = arith.addi %mul3A_370, %mul3A_2 : i32
        %dma_start3A_372 = tpu.memref_slice %arg2[%add3A_371] : memref<819200xi32, #tpu.memory_space<hbm>> -> memref<128xi32, #tpu.memory_space<hbm>>
        %dma_start3A_373 = tpu.memref_slice %arg2[%add3A_371] : memref<819200xi32, #tpu.memory_space<hbm>> -> memref<128xi32, #tpu.memory_space<hbm>>
        tpu.enqueue_dma source(%dma_start3A_373 : memref<128xi32, #tpu.memory_space<hbm>>) target(%arg5 : memref<128xi32, #tpu.memory_space<vmem>>) target_semaphore(%arg15 : memref<!tpu.dma_semaphore, #tpu.memory_space<semaphore_mem>>)
      } else {
      }
      %ge3A_362 = arith.constant 1 : i32
      %ge3A_363 = arith.cmpi sge, %add3A_226, %ge3A_362 : i32
      %convert_element_type3A_364 = arith.extui %ge3A_363 : i1 to i32
      %cond3A_365 = arith.constant 0 : i32
      %cond3A_366 = arith.cmpi ne, %convert_element_type3A_364, %cond3A_365 : i32
      scf.if %cond3A_366 {
        %ge3A_367 = arith.constant 3 : i32
        %ge3A_368 = arith.cmpi sge, %add3A_226, %ge3A_367 : i32
        %convert_element_type3A_369 = arith.extui %ge3A_368 : i1 to i32
        %cond3A_370 = arith.constant 0 : i32
        %cond3A_371 = arith.cmpi ne, %convert_element_type3A_369, %cond3A_370 : i32
        scf.if %cond3A_371 {
          %sub3A_428 = arith.constant 3 : i32
          %sub3A_429 = arith.subi %add3A_226, %sub3A_428 : i32
          %dma_wait3A_430 = arith.constant 0 : i32
          %dma_wait3A_431 = tpu.memref_slice %arg4[%sub3A_429, %dma_wait3A_430, %mul3A_2] : memref<200x64x4096xf32, #tpu.memory_space<hbm>> -> memref<1x64x128xf32, #tpu.memory_space<hbm>>
          %dma_wait3A_432 = tpu.memref_squeeze %dma_wait3A_431 : memref<1x64x128xf32, #tpu.memory_space<hbm>> -> memref<64x128xf32, #tpu.memory_space<hbm>>
          %dma_wait3A_433 = arith.constant 0 : i32
          %dma_wait3A_434 = tpu.memref_slice %arg4[%sub3A_429, %dma_wait3A_433, %mul3A_2] : memref<200x64x4096xf32, #tpu.memory_space<hbm>> -> memref<1x64x128xf32, #tpu.memory_space<hbm>>
          %dma_wait3A_435 = tpu.memref_squeeze %dma_wait3A_434 : memref<1x64x128xf32, #tpu.memory_space<hbm>> -> memref<64x128xf32, #tpu.memory_space<hbm>>
          tpu.wait_dma2 semaphore(%arg19 : memref<!tpu.dma_semaphore, #tpu.memory_space<semaphore_mem>>) src(%arg13 : memref<64x128xf32, #tpu.memory_space<vmem>>) dst(%dma_wait3A_435 : memref<64x128xf32, #tpu.memory_space<hbm>>)
        } else {
        }
        %dma_wait3A_372 = arith.constant 0 : i32
        %dma_wait3A_373 = arith.constant 0 : i32
        %dma_wait3A_374 = tpu.memref_slice %arg3[%dma_wait3A_372, %dma_wait3A_373] : memref<500000x128xf32, #tpu.memory_space<hbm>> -> memref<500000x128xf32, #tpu.memory_space<hbm>>
        tpu.wait_indirect_dma semaphore(%arg17 : memref<!tpu.dma_semaphore, #tpu.memory_space<semaphore_mem>>) src(%dma_wait3A_374 : memref<500000x128xf32, #tpu.memory_space<hbm>>) dst(%arg11 : memref<128x128xf32, #tpu.memory_space<vmem>>)
        %add3A_375 = arith.constant 0 : i32
        %add3A_376 = vector.broadcast %add3A_375 : i32 to vector<16xi32>
        %add3A_377 = arith.addi %iota3A, %add3A_376 : vector<16xi32>
        %add3A_378 = arith.constant 16 : i32
        %add3A_379 = vector.broadcast %add3A_378 : i32 to vector<16xi32>
        %add3A_380 = arith.addi %iota3A, %add3A_379 : vector<16xi32>
        %add3A_381 = arith.constant 32 : i32
        %add3A_382 = vector.broadcast %add3A_381 : i32 to vector<16xi32>
        %add3A_383 = arith.addi %iota3A, %add3A_382 : vector<16xi32>
        %add3A_384 = arith.constant 48 : i32
        %add3A_385 = vector.broadcast %add3A_384 : i32 to vector<16xi32>
        %add3A_386 = arith.addi %iota3A, %add3A_385 : vector<16xi32>
        %add3A_387 = arith.constant 64 : i32
        %add3A_388 = vector.broadcast %add3A_387 : i32 to vector<16xi32>
        %add3A_389 = arith.addi %iota3A, %add3A_388 : vector<16xi32>
        %add3A_390 = arith.constant 80 : i32
        %add3A_391 = vector.broadcast %add3A_390 : i32 to vector<16xi32>
        %add3A_392 = arith.addi %iota3A, %add3A_391 : vector<16xi32>
        %add3A_393 = arith.constant 96 : i32
        %add3A_394 = vector.broadcast %add3A_393 : i32 to vector<16xi32>
        %add3A_395 = arith.addi %iota3A, %add3A_394 : vector<16xi32>
        %add3A_396 = arith.constant 112 : i32
        %add3A_397 = vector.broadcast %add3A_396 : i32 to vector<16xi32>
        %add3A_398 = arith.addi %iota3A, %add3A_397 : vector<16xi32>
        %get3A_399 = arith.constant 0 : index
        %get3A_400 = tpu.vector_load %arg9[%get3A_399] {strides = array<i32>} : memref<128xi32, #tpu.memory_space<vmem>>, vector<16xi32>,
        %get3A_401 = arith.constant 16 : index
        %get3A_402 = tpu.vector_load %arg9[%get3A_401] {strides = array<i32>} : memref<128xi32, #tpu.memory_space<vmem>>, vector<16xi32>,
        %get3A_403 = arith.constant 32 : index
        %get3A_404 = tpu.vector_load %arg9[%get3A_403] {strides = array<i32>} : memref<128xi32, #tpu.memory_space<vmem>>, vector<16xi32>,
        %get3A_405 = arith.constant 48 : index
        %get3A_406 = tpu.vector_load %arg9[%get3A_405] {strides = array<i32>} : memref<128xi32, #tpu.memory_space<vmem>>, vector<16xi32>,
        %get3A_407 = arith.constant 64 : index
        %get3A_408 = tpu.vector_load %arg9[%get3A_407] {strides = array<i32>} : memref<128xi32, #tpu.memory_space<vmem>>, vector<16xi32>,
        %get3A_409 = arith.constant 80 : index
        %get3A_410 = tpu.vector_load %arg9[%get3A_409] {strides = array<i32>} : memref<128xi32, #tpu.memory_space<vmem>>, vector<16xi32>,
        %get3A_411 = arith.constant 96 : index
        %get3A_412 = tpu.vector_load %arg9[%get3A_411] {strides = array<i32>} : memref<128xi32, #tpu.memory_space<vmem>>, vector<16xi32>,
        %get3A_413 = arith.constant 112 : index
        %get3A_414 = tpu.vector_load %arg9[%get3A_413] {strides = array<i32>} : memref<128xi32, #tpu.memory_space<vmem>>, vector<16xi32>,
        %scan3A_415 = arith.constant 0 : i32
        %scan3A_416 = arith.constant 0 : i32
        %scan3A_417 = arith.constant 32 : i32
        %scan3A_418 = arith.addi %scan3A_416, %scan3A_417 : i32
        %scan3A_419 = arith.constant 1 : i32
        scf.for %scan3A_428 = %scan3A_416 to %scan3A_418 step %scan3A_419  : i32 {
          %add3A_429 = arith.constant 0 : i32
          %add3A_430 = arith.addi %scan3A_428, %add3A_429 : i32
          %add3A_431 = vector.broadcast %add3A_430 : i32 to vector<16xi32>
          %add3A_432 = arith.addi %iota3A, %add3A_431 : vector<16xi32>
          %and3A_433 = arith.constant 63 : i32
          %and3A_434 = vector.broadcast %and3A_433 : i32 to vector<16xi32>
          %and3A_435 = arith.andi %add3A_432, %and3A_434 : vector<16xi32>
          %add3A_436 = arith.addi %get3A_400, %and3A_435 : vector<16xi32>
          %gather3A = tpu.vector_load_idx %arg11[%add3A_377, %add3A_436] : memref<128x128xf32, #tpu.memory_space<vmem>>[vector<16xi32>, vector<16xi32>], vector<16xf32>,
          %add3A_437 = arith.addi %get3A_402, %and3A_435 : vector<16xi32>
          %gather3A_438 = tpu.vector_load_idx %arg11[%add3A_380, %add3A_437] : memref<128x128xf32, #tpu.memory_space<vmem>>[vector<16xi32>, vector<16xi32>], vector<16xf32>,
          %add3A_439 = arith.addi %get3A_404, %and3A_435 : vector<16xi32>
          %gather3A_440 = tpu.vector_load_idx %arg11[%add3A_383, %add3A_439] : memref<128x128xf32, #tpu.memory_space<vmem>>[vector<16xi32>, vector<16xi32>], vector<16xf32>,
          %add3A_441 = arith.addi %get3A_406, %and3A_435 : vector<16xi32>
          %gather3A_442 = tpu.vector_load_idx %arg11[%add3A_386, %add3A_441] : memref<128x128xf32, #tpu.memory_space<vmem>>[vector<16xi32>, vector<16xi32>], vector<16xf32>,
          %add3A_443 = arith.addi %get3A_408, %and3A_435 : vector<16xi32>
          %gather3A_444 = tpu.vector_load_idx %arg11[%add3A_389, %add3A_443] : memref<128x128xf32, #tpu.memory_space<vmem>>[vector<16xi32>, vector<16xi32>], vector<16xf32>,
          %add3A_445 = arith.addi %get3A_410, %and3A_435 : vector<16xi32>
          %gather3A_446 = tpu.vector_load_idx %arg11[%add3A_392, %add3A_445] : memref<128x128xf32, #tpu.memory_space<vmem>>[vector<16xi32>, vector<16xi32>], vector<16xf32>,
          %add3A_447 = arith.addi %get3A_412, %and3A_435 : vector<16xi32>
          %gather3A_448 = tpu.vector_load_idx %arg11[%add3A_395, %add3A_447] : memref<128x128xf32, #tpu.memory_space<vmem>>[vector<16xi32>, vector<16xi32>], vector<16xf32>,
          %add3A_449 = arith.addi %get3A_414, %and3A_435 : vector<16xi32>
          %gather3A_450 = tpu.vector_load_idx %arg11[%add3A_398, %add3A_449] : memref<128x128xf32, #tpu.memory_space<vmem>>[vector<16xi32>, vector<16xi32>], vector<16xf32>,
          tpu.vector_store_idx %arg13[%and3A_435, %add3A_377], %gather3A : memref<64x128xf32, #tpu.memory_space<vmem>>[vector<16xi32>, vector<16xi32>], vector<16xf32>,
          tpu.vector_store_idx %arg13[%and3A_435, %add3A_380], %gather3A_438 : memref<64x128xf32, #tpu.memory_space<vmem>>[vector<16xi32>, vector<16xi32>], vector<16xf32>,
          tpu.vector_store_idx %arg13[%and3A_435, %add3A_383], %gather3A_440 : memref<64x128xf32, #tpu.memory_space<vmem>>[vector<16xi32>, vector<16xi32>], vector<16xf32>,
          tpu.vector_store_idx %arg13[%and3A_435, %add3A_386], %gather3A_442 : memref<64x128xf32, #tpu.memory_space<vmem>>[vector<16xi32>, vector<16xi32>], vector<16xf32>,
          tpu.vector_store_idx %arg13[%and3A_435, %add3A_389], %gather3A_444 : memref<64x128xf32, #tpu.memory_space<vmem>>[vector<16xi32>, vector<16xi32>], vector<16xf32>,
          tpu.vector_store_idx %arg13[%and3A_435, %add3A_392], %gather3A_446 : memref<64x128xf32, #tpu.memory_space<vmem>>[vector<16xi32>, vector<16xi32>], vector<16xf32>,
          tpu.vector_store_idx %arg13[%and3A_435, %add3A_395], %gather3A_448 : memref<64x128xf32, #tpu.memory_space<vmem>>[vector<16xi32>, vector<16xi32>], vector<16xf32>,
          tpu.vector_store_idx %arg13[%and3A_435, %add3A_398], %gather3A_450 : memref<64x128xf32, #tpu.memory_space<vmem>>[vector<16xi32>, vector<16xi32>], vector<16xf32>,
          %add3A_451 = arith.constant 32 : i32
          %add3A_452 = arith.addi %scan3A_428, %add3A_451 : i32
          %add3A_453 = vector.broadcast %add3A_452 : i32 to vector<16xi32>
          %add3A_454 = arith.addi %iota3A, %add3A_453 : vector<16xi32>
          %and3A_455 = arith.constant 63 : i32
          %and3A_456 = vector.broadcast %and3A_455 : i32 to vector<16xi32>
          %and3A_457 = arith.andi %add3A_454, %and3A_456 : vector<16xi32>
          %add3A_458 = arith.addi %get3A_400, %and3A_457 : vector<16xi32>
          %gather3A_459 = tpu.vector_load_idx %arg11[%add3A_377, %add3A_458] : memref<128x128xf32, #tpu.memory_space<vmem>>[vector<16xi32>, vector<16xi32>], vector<16xf32>,
          %add3A_460 = arith.addi %get3A_402, %and3A_457 : vector<16xi32>
          %gather3A_461 = tpu.vector_load_idx %arg11[%add3A_380, %add3A_460] : memref<128x128xf32, #tpu.memory_space<vmem>>[vector<16xi32>, vector<16xi32>], vector<16xf32>,
          %add3A_462 = arith.addi %get3A_404, %and3A_457 : vector<16xi32>
          %gather3A_463 = tpu.vector_load_idx %arg11[%add3A_383, %add3A_462] : memref<128x128xf32, #tpu.memory_space<vmem>>[vector<16xi32>, vector<16xi32>], vector<16xf32>,
          %add3A_464 = arith.addi %get3A_406, %and3A_457 : vector<16xi32>
          %gather3A_465 = tpu.vector_load_idx %arg11[%add3A_386, %add3A_464] : memref<128x128xf32, #tpu.memory_space<vmem>>[vector<16xi32>, vector<16xi32>], vector<16xf32>,
          %add3A_466 = arith.addi %get3A_408, %and3A_457 : vector<16xi32>
          %gather3A_467 = tpu.vector_load_idx %arg11[%add3A_389, %add3A_466] : memref<128x128xf32, #tpu.memory_space<vmem>>[vector<16xi32>, vector<16xi32>], vector<16xf32>,
          %add3A_468 = arith.addi %get3A_410, %and3A_457 : vector<16xi32>
          %gather3A_469 = tpu.vector_load_idx %arg11[%add3A_392, %add3A_468] : memref<128x128xf32, #tpu.memory_space<vmem>>[vector<16xi32>, vector<16xi32>], vector<16xf32>,
          %add3A_470 = arith.addi %get3A_412, %and3A_457 : vector<16xi32>
          %gather3A_471 = tpu.vector_load_idx %arg11[%add3A_395, %add3A_470] : memref<128x128xf32, #tpu.memory_space<vmem>>[vector<16xi32>, vector<16xi32>], vector<16xf32>,
          %add3A_472 = arith.addi %get3A_414, %and3A_457 : vector<16xi32>
          %gather3A_473 = tpu.vector_load_idx %arg11[%add3A_398, %add3A_472] : memref<128x128xf32, #tpu.memory_space<vmem>>[vector<16xi32>, vector<16xi32>], vector<16xf32>,
          tpu.vector_store_idx %arg13[%and3A_457, %add3A_377], %gather3A_459 : memref<64x128xf32, #tpu.memory_space<vmem>>[vector<16xi32>, vector<16xi32>], vector<16xf32>,
          tpu.vector_store_idx %arg13[%and3A_457, %add3A_380], %gather3A_461 : memref<64x128xf32, #tpu.memory_space<vmem>>[vector<16xi32>, vector<16xi32>], vector<16xf32>,
          tpu.vector_store_idx %arg13[%and3A_457, %add3A_383], %gather3A_463 : memref<64x128xf32, #tpu.memory_space<vmem>>[vector<16xi32>, vector<16xi32>], vector<16xf32>,
          tpu.vector_store_idx %arg13[%and3A_457, %add3A_386], %gather3A_465 : memref<64x128xf32, #tpu.memory_space<vmem>>[vector<16xi32>, vector<16xi32>], vector<16xf32>,
          tpu.vector_store_idx %arg13[%and3A_457, %add3A_389], %gather3A_467 : memref<64x128xf32, #tpu.memory_space<vmem>>[vector<16xi32>, vector<16xi32>], vector<16xf32>,
          tpu.vector_store_idx %arg13[%and3A_457, %add3A_392], %gather3A_469 : memref<64x128xf32, #tpu.memory_space<vmem>>[vector<16xi32>, vector<16xi32>], vector<16xf32>,
          tpu.vector_store_idx %arg13[%and3A_457, %add3A_395], %gather3A_471 : memref<64x128xf32, #tpu.memory_space<vmem>>[vector<16xi32>, vector<16xi32>], vector<16xf32>,
          tpu.vector_store_idx %arg13[%and3A_457, %add3A_398], %gather3A_473 : memref<64x128xf32, #tpu.memory_space<vmem>>[vector<16xi32>, vector<16xi32>], vector<16xf32>,
        }
        %scan3A_420 = arith.constant 32 : i32
        %sub3A = arith.constant 1 : i32
        %sub3A_421 = arith.subi %add3A_226, %sub3A : i32
        %dma_start3A_422 = arith.constant 0 : i32
        %dma_start3A_423 = tpu.memref_slice %arg4[%sub3A_421, %dma_start3A_422, %mul3A_2] : memref<200x64x4096xf32, #tpu.memory_space<hbm>> -> memref<1x64x128xf32, #tpu.memory_space<hbm>>
        %dma_start3A_424 = tpu.memref_squeeze %dma_start3A_423 : memref<1x64x128xf32, #tpu.memory_space<hbm>> -> memref<64x128xf32, #tpu.memory_space<hbm>>
        %dma_start3A_425 = arith.constant 0 : i32
        %dma_start3A_426 = tpu.memref_slice %arg4[%sub3A_421, %dma_start3A_425, %mul3A_2] : memref<200x64x4096xf32, #tpu.memory_space<hbm>> -> memref<1x64x128xf32, #tpu.memory_space<hbm>>
        %dma_start3A_427 = tpu.memref_squeeze %dma_start3A_426 : memref<1x64x128xf32, #tpu.memory_space<hbm>> -> memref<64x128xf32, #tpu.memory_space<hbm>>
        tpu.enqueue_dma source(%arg13 : memref<64x128xf32, #tpu.memory_space<vmem>>) target(%dma_start3A_427 : memref<64x128xf32, #tpu.memory_space<hbm>>) target_semaphore(%arg19 : memref<!tpu.dma_semaphore, #tpu.memory_space<semaphore_mem>>)
      } else {
      }
    }
    %scan3A_10 = arith.constant 100 : i32
    %dma_wait3A = arith.constant 197 : i32
    %dma_wait3A_11 = arith.constant 0 : i32
    %dma_wait3A_12 = tpu.memref_slice %arg4[%dma_wait3A, %dma_wait3A_11, %mul3A_2] : memref<200x64x4096xf32, #tpu.memory_space<hbm>> -> memref<1x64x128xf32, #tpu.memory_space<hbm>>
    %dma_wait3A_13 = tpu.memref_squeeze %dma_wait3A_12 : memref<1x64x128xf32, #tpu.memory_space<hbm>> -> memref<64x128xf32, #tpu.memory_space<hbm>>
    %dma_wait3A_14 = arith.constant 0 : i32
    %dma_wait3A_15 = tpu.memref_slice %arg4[%dma_wait3A, %dma_wait3A_14, %mul3A_2] : memref<200x64x4096xf32, #tpu.memory_space<hbm>> -> memref<1x64x128xf32, #tpu.memory_space<hbm>>
    %dma_wait3A_16 = tpu.memref_squeeze %dma_wait3A_15 : memref<1x64x128xf32, #tpu.memory_space<hbm>> -> memref<64x128xf32, #tpu.memory_space<hbm>>
    tpu.wait_dma2 semaphore(%arg20 : memref<!tpu.dma_semaphore, #tpu.memory_space<semaphore_mem>>) src(%arg14 : memref<64x128xf32, #tpu.memory_space<vmem>>) dst(%dma_wait3A_16 : memref<64x128xf32, #tpu.memory_space<hbm>>)
    %dma_wait3A_17 = arith.constant 0 : i32
    %dma_wait3A_18 = arith.constant 0 : i32
    %dma_wait3A_19 = tpu.memref_slice %arg3[%dma_wait3A_17, %dma_wait3A_18] : memref<500000x128xf32, #tpu.memory_space<hbm>> -> memref<500000x128xf32, #tpu.memory_space<hbm>>
    tpu.wait_indirect_dma semaphore(%arg18 : memref<!tpu.dma_semaphore, #tpu.memory_space<semaphore_mem>>) src(%dma_wait3A_19 : memref<500000x128xf32, #tpu.memory_space<hbm>>) dst(%arg12 : memref<128x128xf32, #tpu.memory_space<vmem>>)
    %add3A_20 = arith.constant 0 : i32
    %add3A_21 = vector.broadcast %add3A_20 : i32 to vector<16xi32>
    %add3A_22 = arith.addi %iota3A, %add3A_21 : vector<16xi32>
    %add3A_23 = arith.constant 16 : i32
    %add3A_24 = vector.broadcast %add3A_23 : i32 to vector<16xi32>
    %add3A_25 = arith.addi %iota3A, %add3A_24 : vector<16xi32>
    %add3A_26 = arith.constant 32 : i32
    %add3A_27 = vector.broadcast %add3A_26 : i32 to vector<16xi32>
    %add3A_28 = arith.addi %iota3A, %add3A_27 : vector<16xi32>
    %add3A_29 = arith.constant 48 : i32
    %add3A_30 = vector.broadcast %add3A_29 : i32 to vector<16xi32>
    %add3A_31 = arith.addi %iota3A, %add3A_30 : vector<16xi32>
    %add3A_32 = arith.constant 64 : i32
    %add3A_33 = vector.broadcast %add3A_32 : i32 to vector<16xi32>
    %add3A_34 = arith.addi %iota3A, %add3A_33 : vector<16xi32>
    %add3A_35 = arith.constant 80 : i32
    %add3A_36 = vector.broadcast %add3A_35 : i32 to vector<16xi32>
    %add3A_37 = arith.addi %iota3A, %add3A_36 : vector<16xi32>
    %add3A_38 = arith.constant 96 : i32
    %add3A_39 = vector.broadcast %add3A_38 : i32 to vector<16xi32>
    %add3A_40 = arith.addi %iota3A, %add3A_39 : vector<16xi32>
    %add3A_41 = arith.constant 112 : i32
    %add3A_42 = vector.broadcast %add3A_41 : i32 to vector<16xi32>
    %add3A_43 = arith.addi %iota3A, %add3A_42 : vector<16xi32>
    %get3A = arith.constant 0 : index
    %get3A_44 = tpu.vector_load %arg10[%get3A] {strides = array<i32>} : memref<128xi32, #tpu.memory_space<vmem>>, vector<16xi32>,
    %get3A_45 = arith.constant 16 : index
    %get3A_46 = tpu.vector_load %arg10[%get3A_45] {strides = array<i32>} : memref<128xi32, #tpu.memory_space<vmem>>, vector<16xi32>,
    %get3A_47 = arith.constant 32 : index
    %get3A_48 = tpu.vector_load %arg10[%get3A_47] {strides = array<i32>} : memref<128xi32, #tpu.memory_space<vmem>>, vector<16xi32>,
    %get3A_49 = arith.constant 48 : index
    %get3A_50 = tpu.vector_load %arg10[%get3A_49] {strides = array<i32>} : memref<128xi32, #tpu.memory_space<vmem>>, vector<16xi32>,
    %get3A_51 = arith.constant 64 : index
    %get3A_52 = tpu.vector_load %arg10[%get3A_51] {strides = array<i32>} : memref<128xi32, #tpu.memory_space<vmem>>, vector<16xi32>,
    %get3A_53 = arith.constant 80 : index
    %get3A_54 = tpu.vector_load %arg10[%get3A_53] {strides = array<i32>} : memref<128xi32, #tpu.memory_space<vmem>>, vector<16xi32>,
    %get3A_55 = arith.constant 96 : index
    %get3A_56 = tpu.vector_load %arg10[%get3A_55] {strides = array<i32>} : memref<128xi32, #tpu.memory_space<vmem>>, vector<16xi32>,
    %get3A_57 = arith.constant 112 : index
    %get3A_58 = tpu.vector_load %arg10[%get3A_57] {strides = array<i32>} : memref<128xi32, #tpu.memory_space<vmem>>, vector<16xi32>,
    %scan3A_59 = arith.constant 0 : i32
    %scan3A_60 = arith.constant 0 : i32
    %scan3A_61 = arith.constant 32 : i32
    %scan3A_62 = arith.addi %scan3A_60, %scan3A_61 : i32
    %scan3A_63 = arith.constant 1 : i32
    scf.for %scan3A_86 = %scan3A_60 to %scan3A_62 step %scan3A_63  : i32 {
      %add3A_87 = arith.constant 0 : i32
      %add3A_88 = arith.addi %scan3A_86, %add3A_87 : i32
      %add3A_89 = vector.broadcast %add3A_88 : i32 to vector<16xi32>
      %add3A_90 = arith.addi %iota3A, %add3A_89 : vector<16xi32>
      %and3A = arith.constant 63 : i32
      %and3A_91 = vector.broadcast %and3A : i32 to vector<16xi32>
      %and3A_92 = arith.andi %add3A_90, %and3A_91 : vector<16xi32>
      %add3A_93 = arith.addi %get3A_44, %and3A_92 : vector<16xi32>
      %gather3A = tpu.vector_load_idx %arg12[%add3A_22, %add3A_93] : memref<128x128xf32, #tpu.memory_space<vmem>>[vector<16xi32>, vector<16xi32>], vector<16xf32>,
      %add3A_94 = arith.addi %get3A_46, %and3A_92 : vector<16xi32>
      %gather3A_95 = tpu.vector_load_idx %arg12[%add3A_25, %add3A_94] : memref<128x128xf32, #tpu.memory_space<vmem>>[vector<16xi32>, vector<16xi32>], vector<16xf32>,
      %add3A_96 = arith.addi %get3A_48, %and3A_92 : vector<16xi32>
      %gather3A_97 = tpu.vector_load_idx %arg12[%add3A_28, %add3A_96] : memref<128x128xf32, #tpu.memory_space<vmem>>[vector<16xi32>, vector<16xi32>], vector<16xf32>,
      %add3A_98 = arith.addi %get3A_50, %and3A_92 : vector<16xi32>
      %gather3A_99 = tpu.vector_load_idx %arg12[%add3A_31, %add3A_98] : memref<128x128xf32, #tpu.memory_space<vmem>>[vector<16xi32>, vector<16xi32>], vector<16xf32>,
      %add3A_100 = arith.addi %get3A_52, %and3A_92 : vector<16xi32>
      %gather3A_101 = tpu.vector_load_idx %arg12[%add3A_34, %add3A_100] : memref<128x128xf32, #tpu.memory_space<vmem>>[vector<16xi32>, vector<16xi32>], vector<16xf32>,
      %add3A_102 = arith.addi %get3A_54, %and3A_92 : vector<16xi32>
      %gather3A_103 = tpu.vector_load_idx %arg12[%add3A_37, %add3A_102] : memref<128x128xf32, #tpu.memory_space<vmem>>[vector<16xi32>, vector<16xi32>], vector<16xf32>,
      %add3A_104 = arith.addi %get3A_56, %and3A_92 : vector<16xi32>
      %gather3A_105 = tpu.vector_load_idx %arg12[%add3A_40, %add3A_104] : memref<128x128xf32, #tpu.memory_space<vmem>>[vector<16xi32>, vector<16xi32>], vector<16xf32>,
      %add3A_106 = arith.addi %get3A_58, %and3A_92 : vector<16xi32>
      %gather3A_107 = tpu.vector_load_idx %arg12[%add3A_43, %add3A_106] : memref<128x128xf32, #tpu.memory_space<vmem>>[vector<16xi32>, vector<16xi32>], vector<16xf32>,
      tpu.vector_store_idx %arg14[%and3A_92, %add3A_22], %gather3A : memref<64x128xf32, #tpu.memory_space<vmem>>[vector<16xi32>, vector<16xi32>], vector<16xf32>,
      tpu.vector_store_idx %arg14[%and3A_92, %add3A_25], %gather3A_95 : memref<64x128xf32, #tpu.memory_space<vmem>>[vector<16xi32>, vector<16xi32>], vector<16xf32>,
      tpu.vector_store_idx %arg14[%and3A_92, %add3A_28], %gather3A_97 : memref<64x128xf32, #tpu.memory_space<vmem>>[vector<16xi32>, vector<16xi32>], vector<16xf32>,
      tpu.vector_store_idx %arg14[%and3A_92, %add3A_31], %gather3A_99 : memref<64x128xf32, #tpu.memory_space<vmem>>[vector<16xi32>, vector<16xi32>], vector<16xf32>,
      tpu.vector_store_idx %arg14[%and3A_92, %add3A_34], %gather3A_101 : memref<64x128xf32, #tpu.memory_space<vmem>>[vector<16xi32>, vector<16xi32>], vector<16xf32>,
      tpu.vector_store_idx %arg14[%and3A_92, %add3A_37], %gather3A_103 : memref<64x128xf32, #tpu.memory_space<vmem>>[vector<16xi32>, vector<16xi32>], vector<16xf32>,
      tpu.vector_store_idx %arg14[%and3A_92, %add3A_40], %gather3A_105 : memref<64x128xf32, #tpu.memory_space<vmem>>[vector<16xi32>, vector<16xi32>], vector<16xf32>,
      tpu.vector_store_idx %arg14[%and3A_92, %add3A_43], %gather3A_107 : memref<64x128xf32, #tpu.memory_space<vmem>>[vector<16xi32>, vector<16xi32>], vector<16xf32>,
      %add3A_108 = arith.constant 32 : i32
      %add3A_109 = arith.addi %scan3A_86, %add3A_108 : i32
      %add3A_110 = vector.broadcast %add3A_109 : i32 to vector<16xi32>
      %add3A_111 = arith.addi %iota3A, %add3A_110 : vector<16xi32>
      %and3A_112 = arith.constant 63 : i32
      %and3A_113 = vector.broadcast %and3A_112 : i32 to vector<16xi32>
      %and3A_114 = arith.andi %add3A_111, %and3A_113 : vector<16xi32>
      %add3A_115 = arith.addi %get3A_44, %and3A_114 : vector<16xi32>
      %gather3A_116 = tpu.vector_load_idx %arg12[%add3A_22, %add3A_115] : memref<128x128xf32, #tpu.memory_space<vmem>>[vector<16xi32>, vector<16xi32>], vector<16xf32>,
      %add3A_117 = arith.addi %get3A_46, %and3A_114 : vector<16xi32>
      %gather3A_118 = tpu.vector_load_idx %arg12[%add3A_25, %add3A_117] : memref<128x128xf32, #tpu.memory_space<vmem>>[vector<16xi32>, vector<16xi32>], vector<16xf32>,
      %add3A_119 = arith.addi %get3A_48, %and3A_114 : vector<16xi32>
      %gather3A_120 = tpu.vector_load_idx %arg12[%add3A_28, %add3A_119] : memref<128x128xf32, #tpu.memory_space<vmem>>[vector<16xi32>, vector<16xi32>], vector<16xf32>,
      %add3A_121 = arith.addi %get3A_50, %and3A_114 : vector<16xi32>
      %gather3A_122 = tpu.vector_load_idx %arg12[%add3A_31, %add3A_121] : memref<128x128xf32, #tpu.memory_space<vmem>>[vector<16xi32>, vector<16xi32>], vector<16xf32>,
      %add3A_123 = arith.addi %get3A_52, %and3A_114 : vector<16xi32>
      %gather3A_124 = tpu.vector_load_idx %arg12[%add3A_34, %add3A_123] : memref<128x128xf32, #tpu.memory_space<vmem>>[vector<16xi32>, vector<16xi32>], vector<16xf32>,
      %add3A_125 = arith.addi %get3A_54, %and3A_114 : vector<16xi32>
      %gather3A_126 = tpu.vector_load_idx %arg12[%add3A_37, %add3A_125] : memref<128x128xf32, #tpu.memory_space<vmem>>[vector<16xi32>, vector<16xi32>], vector<16xf32>,
      %add3A_127 = arith.addi %get3A_56, %and3A_114 : vector<16xi32>
      %gather3A_128 = tpu.vector_load_idx %arg12[%add3A_40, %add3A_127] : memref<128x128xf32, #tpu.memory_space<vmem>>[vector<16xi32>, vector<16xi32>], vector<16xf32>,
      %add3A_129 = arith.addi %get3A_58, %and3A_114 : vector<16xi32>
      %gather3A_130 = tpu.vector_load_idx %arg12[%add3A_43, %add3A_129] : memref<128x128xf32, #tpu.memory_space<vmem>>[vector<16xi32>, vector<16xi32>], vector<16xf32>,
      tpu.vector_store_idx %arg14[%and3A_114, %add3A_22], %gather3A_116 : memref<64x128xf32, #tpu.memory_space<vmem>>[vector<16xi32>, vector<16xi32>], vector<16xf32>,
      tpu.vector_store_idx %arg14[%and3A_114, %add3A_25], %gather3A_118 : memref<64x128xf32, #tpu.memory_space<vmem>>[vector<16xi32>, vector<16xi32>], vector<16xf32>,
      tpu.vector_store_idx %arg14[%and3A_114, %add3A_28], %gather3A_120 : memref<64x128xf32, #tpu.memory_space<vmem>>[vector<16xi32>, vector<16xi32>], vector<16xf32>,
      tpu.vector_store_idx %arg14[%and3A_114, %add3A_31], %gather3A_122 : memref<64x128xf32, #tpu.memory_space<vmem>>[vector<16xi32>, vector<16xi32>], vector<16xf32>,
      tpu.vector_store_idx %arg14[%and3A_114, %add3A_34], %gather3A_124 : memref<64x128xf32, #tpu.memory_space<vmem>>[vector<16xi32>, vector<16xi32>], vector<16xf32>,
      tpu.vector_store_idx %arg14[%and3A_114, %add3A_37], %gather3A_126 : memref<64x128xf32, #tpu.memory_space<vmem>>[vector<16xi32>, vector<16xi32>], vector<16xf32>,
      tpu.vector_store_idx %arg14[%and3A_114, %add3A_40], %gather3A_128 : memref<64x128xf32, #tpu.memory_space<vmem>>[vector<16xi32>, vector<16xi32>], vector<16xf32>,
      tpu.vector_store_idx %arg14[%and3A_114, %add3A_43], %gather3A_130 : memref<64x128xf32, #tpu.memory_space<vmem>>[vector<16xi32>, vector<16xi32>], vector<16xf32>,
    }
    %scan3A_64 = arith.constant 32 : i32
    %dma_start3A_65 = arith.constant 199 : i32
    %dma_start3A_66 = arith.constant 0 : i32
    %dma_start3A_67 = tpu.memref_slice %arg4[%dma_start3A_65, %dma_start3A_66, %mul3A_2] : memref<200x64x4096xf32, #tpu.memory_space<hbm>> -> memref<1x64x128xf32, #tpu.memory_space<hbm>>
    %dma_start3A_68 = tpu.memref_squeeze %dma_start3A_67 : memref<1x64x128xf32, #tpu.memory_space<hbm>> -> memref<64x128xf32, #tpu.memory_space<hbm>>
    %dma_start3A_69 = arith.constant 0 : i32
    %dma_start3A_70 = tpu.memref_slice %arg4[%dma_start3A_65, %dma_start3A_69, %mul3A_2] : memref<200x64x4096xf32, #tpu.memory_space<hbm>> -> memref<1x64x128xf32, #tpu.memory_space<hbm>>
    %dma_start3A_71 = tpu.memref_squeeze %dma_start3A_70 : memref<1x64x128xf32, #tpu.memory_space<hbm>> -> memref<64x128xf32, #tpu.memory_space<hbm>>
    tpu.enqueue_dma source(%arg14 : memref<64x128xf32, #tpu.memory_space<vmem>>) target(%dma_start3A_71 : memref<64x128xf32, #tpu.memory_space<hbm>>) target_semaphore(%arg20 : memref<!tpu.dma_semaphore, #tpu.memory_space<semaphore_mem>>)
    %dma_wait3A_72 = arith.constant 198 : i32
    %dma_wait3A_73 = arith.constant 0 : i32
    %dma_wait3A_74 = tpu.memref_slice %arg4[%dma_wait3A_72, %dma_wait3A_73, %mul3A_2] : memref<200x64x4096xf32, #tpu.memory_space<hbm>> -> memref<1x64x128xf32, #tpu.memory_space<hbm>>
    %dma_wait3A_75 = tpu.memref_squeeze %dma_wait3A_74 : memref<1x64x128xf32, #tpu.memory_space<hbm>> -> memref<64x128xf32, #tpu.memory_space<hbm>>
    %dma_wait3A_76 = arith.constant 0 : i32
    %dma_wait3A_77 = tpu.memref_slice %arg4[%dma_wait3A_72, %dma_wait3A_76, %mul3A_2] : memref<200x64x4096xf32, #tpu.memory_space<hbm>> -> memref<1x64x128xf32, #tpu.memory_space<hbm>>
    %dma_wait3A_78 = tpu.memref_squeeze %dma_wait3A_77 : memref<1x64x128xf32, #tpu.memory_space<hbm>> -> memref<64x128xf32, #tpu.memory_space<hbm>>
    tpu.wait_dma2 semaphore(%arg19 : memref<!tpu.dma_semaphore, #tpu.memory_space<semaphore_mem>>) src(%arg13 : memref<64x128xf32, #tpu.memory_space<vmem>>) dst(%dma_wait3A_78 : memref<64x128xf32, #tpu.memory_space<hbm>>)
    %dma_wait3A_79 = arith.constant 199 : i32
    %dma_wait3A_80 = arith.constant 0 : i32
    %dma_wait3A_81 = tpu.memref_slice %arg4[%dma_wait3A_79, %dma_wait3A_80, %mul3A_2] : memref<200x64x4096xf32, #tpu.memory_space<hbm>> -> memref<1x64x128xf32, #tpu.memory_space<hbm>>
    %dma_wait3A_82 = tpu.memref_squeeze %dma_wait3A_81 : memref<1x64x128xf32, #tpu.memory_space<hbm>> -> memref<64x128xf32, #tpu.memory_space<hbm>>
    %dma_wait3A_83 = arith.constant 0 : i32
    %dma_wait3A_84 = tpu.memref_slice %arg4[%dma_wait3A_79, %dma_wait3A_83, %mul3A_2] : memref<200x64x4096xf32, #tpu.memory_space<hbm>> -> memref<1x64x128xf32, #tpu.memory_space<hbm>>
    %dma_wait3A_85 = tpu.memref_squeeze %dma_wait3A_84 : memref<1x64x128xf32, #tpu.memory_space<hbm>> -> memref<64x128xf32, #tpu.memory_space<hbm>>
    tpu.wait_dma2 semaphore(%arg20 : memref<!tpu.dma_semaphore, #tpu.memory_space<semaphore_mem>>) src(%arg14 : memref<64x128xf32, #tpu.memory_space<vmem>>) dst(%dma_wait3A_85 : memref<64x128xf32, #tpu.memory_space<hbm>>)
    return
  }
}

</mosaic_0001>

<sc_bundles>
// kernel: kernel.4.cloned.1.call-start
scs
__scs_entry_jumppad:
0x0: {  	(pc) =	sbr.rel $0x88, $3  }
0x1: {  	(tag) =	ssettag $0x0;
	lr =	simm.s32 $0x1  }
0x2: {  	[smem:$0x3F9F] =	sst lr;
	_ =	strace $0xD0000000  }
0x3: {  	_ = 	snop  }
0x4: {  	_ = 	snop  }
0x5: {  	_ = 	snop  }
0x6: {  	_ = 	snop  }
0x7: {  	_ = 	snop  }
__scs_overlays_trampoline_lowered:
0x8: {  	[smem:$0x3FAE] =	sst s0  }
0x9: {  	[smem:$0x3FAF] =	sst s1  }
0xa: {  	[smem:$0x3FB0] =	sst s2  }
0xb: {  	[smem:$0x3FB1] =	sst s3  }
0xc: {  	[smem:$0x3FB2] =	sst s4  }
0xd: {  	[smem:$0x3FB3] =	sst s5  }
0xe: {  	[smem:$0x3FB4] =	sst s6  }
0xf: {  	[smem:$0x3FB5] =	sst s7  }
0x10: {  	[smem:$0x3FB6] =	sst s8  }
0x11: {  	[smem:$0x3FB7] =	sst s9;
	s0 =	simm.s32 @!p0 $0x0  }
0x12: {  	s1 =	sld [smem:$0x3F9D];
	s0 =	simm.s32 @p0 $0x1  }
0x13: {  	[smem:$0x3FB8] =	sst s0;
	s0 =	simm.s32 @!p1 $0x0  }
0x14: {  	s2 =	sld [smem:$0x3F9C];
	s0 =	simm.s32 @p1 $0x1  }
0x15: {  	[smem:$0x3FB9] =	sst s0;
	s0 =	simm.s32 @!p2 $0x0  }
0x16: {  	s3 =	sld [smem:$0x3FDB];
	s0 =	simm.s32 @p2 $0x1  }
0x17: {  	s4 =	simm.s32 $0x1BF5;
	[smem:$0x3FBB] =	sst s0  }
0x18: {  	s0 =	sld [smem:$0x3F9E];
	_ =	swait.ge [sflag:s4], $0x0  }
0x19: {  	s7 =	sld [smem:$0x3F9F]  }
0x1a: {  	s8 =	sadd.s32 $0xFFFFE003, lr  }
0x1b: {  	s9 =	sadd.s32 $0xFFFFFEF7, lr;
	s5 =	simm.s32 $0xFFFFFFFF;
	p2 =	slt.u32 s8, $0xFFFFF086  }
0x1c: {  	p1 =	slt.u32 s9, $0xF7A;
	s5 =	simm.s32 @!p2 $0x0  }
0x1d: {  	s5 =	simm.s32 @p1 $0x1;
	p0 =	seq.s32 s7, s2  }
0x1e: {  	s7 =	smul.u32 @!p0 $0xF7A, s2;
	p2 =	seq.s32 @!p0 s5, $0x0  }
0x1f: {  	s9 =	smul.u32 $0xF7A, s1;
	s8 =	simm.s32 @!p0 $0x1BF5;
	p2 =	por !p2, p0  }
0x20: {  	[sflag:s8] =	ssyncset.s32 @!p0 $0xFFFFF086;
	s6 =	sadd.s32 @!p0 s3, s7;
	s7 =	simm.s32 @!p0 $0x108  }
0x21: {  	s3 =	sadd.s32 s3, s9;
	s6 =	sadd.s32 @!p0 $0x88, s6;
	s7 =	simm.s32 @p2 $0x1082  }
0x22: {  	[simem:s7], [sflag:s8] =	dma.local @!p0 [hbm:s6], $0xF7A  }
0x23: {  	s9 =	sor.u32 $0xD0000000, s2;
	s6 =	simm.s32 $0x108;
	_ =	swait.ge @!p0 [sflag:s8], $0x0  }
0x24: {  	s3 =	sadd.s32 $0x88, s3;
	s6 =	simm.s32 @!p1 $0x1082;
	[sflag:s4] =	ssyncset.s32 $0xFFFFF086  }
0x25: {  	[simem:s6], [sflag:s4] =	dma.local [hbm:s3], $0xF7A  }
0x26: {  	[smem:$0x3F9F] =	sst s1;
	(tag) =	ssettag s2;
	_ =	strace s9  }
0x27: {  	s1 =	sld [smem:$0x3FAF]  }
0x28: {  	s2 =	sld [smem:$0x3FB0]  }
0x29: {  	s4 =	sld [smem:$0x3FB2]  }
0x2a: {  	p0 =	seq.s32 s5, $0x0;
	s5 =	sld [smem:$0x3FB3]  }
0x2b: {  	s6 =	sld [smem:$0x3FB4]  }
0x2c: {  	s7 =	sld [smem:$0x3FB5]  }
0x2d: {  	s3 =	simm.s32 $0x108;
	s8 =	sld [smem:$0x3FB6]  }
0x2e: {  	s3 =	simm.s32 @!p0 $0x1082;
	s9 =	sld [smem:$0x3FB7]  }
0x2f: {  	lr =	sadd.s32 s0, s3;
	s0 =	sld [smem:$0x3FAE]  }
0x30: {  	s3 =	sld [smem:$0x3FB1]  }
0x31: {  	[smem:$0x3FBA] =	sst s10  }
0x32: {  	s10 =	sld [smem:$0x3FB8];
	_ =	sdelay $0x3  }
0x33: {  	p0 =	seq.s32 s10, $0x1;
	s10 =	sld [smem:$0x3FBA];
	_ =	sdelay $0x3  }
0x34: {  	[smem:$0x3FBA] =	sst s10  }
0x35: {  	s10 =	sld [smem:$0x3FB9];
	_ =	sdelay $0x3  }
0x36: {  	p1 =	seq.s32 s10, $0x1;
	s10 =	sld [smem:$0x3FBA];
	_ =	sdelay $0x3  }
0x37: {  	[smem:$0x3FBA] =	sst s10  }
0x38: {  	s10 =	sld [smem:$0x3FBB]  }
0x39: {  	_ = 	snop;
	(pc) =	sbr.ind lr, $3  }
0x3a: {  	_ = 	snop  }
0x3b: {  	_ = 	snop  }
0x3c: {  	p2 =	seq.s32 s10, $0x1;
	s10 =	sld [smem:$0x3FBA]  }
0x3d: {  	_ =	shalt  }
0x3e: {  	_ =	shalt  }
0x3f: {  	_ =	shalt  }
0x40: {  	_ =	shalt  }
0x41: {  	_ =	shalt  }
0x42: {  	_ =	shalt  }
0x43: {  	_ =	shalt  }
0x44: {  	_ =	shalt  }
0x45: {  	_ =	shalt  }
0x46: {  	_ =	shalt  }
0x47: {  	_ =	shalt  }
0x48: {  	_ =	shalt  }
0x49: {  	_ =	shalt  }
0x4a: {  	_ =	shalt  }
0x4b: {  	_ =	shalt  }
0x4c: {  	_ =	shalt  }
0x4d: {  	_ =	shalt  }
0x4e: {  	_ =	shalt  }
0x4f: {  	_ =	shalt  }
0x50: {  	_ =	shalt  }
0x51: {  	_ =	shalt  }
0x52: {  	_ =	shalt  }
0x53: {  	_ =	shalt  }
0x54: {  	_ =	shalt  }
0x55: {  	_ =	shalt  }
0x56: {  	_ =	shalt  }
0x57: {  	_ =	shalt  }
0x58: {  	_ =	shalt  }
0x59: {  	_ =	shalt  }
0x5a: {  	_ =	shalt  }
0x5b: {  	_ =	shalt  }
0x5c: {  	_ =	shalt  }
0x5d: {  	_ =	shalt  }
0x5e: {  	_ =	shalt  }
0x5f: {  	_ =	shalt  }
0x60: {  	_ =	shalt  }
0x61: {  	_ =	shalt  }
0x62: {  	_ =	shalt  }
0x63: {  	_ =	shalt  }
0x64: {  	_ =	shalt  }
0x65: {  	_ =	shalt  }
0x66: {  	_ =	shalt  }
0x67: {  	_ =	shalt  }
0x68: {  	_ =	shalt  }
0x69: {  	_ =	shalt  }
0x6a: {  	_ =	shalt  }
0x6b: {  	_ =	shalt  }
0x6c: {  	_ =	shalt  }
0x6d: {  	_ =	shalt  }
0x6e: {  	_ =	shalt  }
0x6f: {  	_ =	shalt  }
0x70: {  	_ =	shalt  }
0x71: {  	_ =	shalt  }
0x72: {  	_ =	shalt  }
0x73: {  	_ =	shalt  }
0x74: {  	_ =	shalt  }
0x75: {  	_ =	shalt  }
0x76: {  	_ =	shalt  }
0x77: {  	_ =	shalt  }
0x78: {  	_ =	shalt  }
0x79: {  	_ =	shalt  }
0x7a: {  	_ =	shalt  }
0x7b: {  	_ =	shalt  }
0x7c: {  	_ =	shalt  }
0x7d: {  	_ =	shalt  }
0x7e: {  	_ =	shalt  }
0x7f: {  	_ =	shalt  }
0x80: {  	_ =	shalt  }
0x81: {  	_ =	shalt  }
0x82: {  	_ =	shalt  }
0x83: {  	_ =	shalt  }
0x84: {  	_ =	shalt  }
0x85: {  	_ =	shalt  }
0x86: {  	_ =	shalt  }
0x87: {  	_ =	shalt  }
.Lfunc_end0:
.L_simem_size_0:
called_computation_lowered:
.L_overlay_start_0:
0x88: {  	s2 =	sld [smem:$0x3FD9]  }
0x89: {  	s3 =	sld [smem:$0x3FFE];
	_ =	sdelay $0x1  }
0x8a: {  	s1 =	srdreg.scid  }
0x8b: {  	s0 =	sand.u32 $0x1, s1  }
0x8c: {  	s17 =	sshll.u32 s0, $0xA;
	s2 =	sadd.s32 s3, s2  }
0x8d: {  	s2 =	sadd.s32 s2, s17  }
0x8e: {  	[smem:$0x3FC6] =	sst s2  }
0x8f: {  	_ = 	snop  }
0x90: {  	s2 =	sld [smem:$0x3FC8]  }
0x91: {  	s18 =	sld [smem:$0x3FD0];
	(tm) =	ssettm $0x1  }
0x92: {  	s4 =	sld [smem:$0x3FFB];
	_ =	sdelay $0x3  }
0x93: {  	_ =	strace s4  }
0x94: {  	s4 =	sld [smem:$0x3FFC];
	_ =	sdelay $0x3  }
0x95: {  	_ =	strace s4  }
0x96: {  	s4 =	sld [smem:$0x3FFD];
	_ =	sdelay $0x3  }
0x97: {  	_ =	strace s4  }
0x98: {  	_ =	strace $0x8FFFFFFF  }
0x99: {  	s19 =	sld [smem:$0x3FDB];
	_ =	sdelay $0x1  }
0x9a: {  	s5 =	simm.s32 $_scs_section_size  }
0x9b: {  	s6 =	simm.s32 $_size__tile_overlayer_lowered;
	s7 =	simm.s32 $_tile_overlayer_lowered  }
0x9c: {  	s22 =	simm.s32 $0x1BFF;
	s21 =	sshll.u32 s7, $0x1;
	s4 =	sadd.s32 s5, s19  }
0x9d: {  	s8 =	simm.s32 $0x0;
	s20 =	sshll.u32 s6, $0x1;
	s6 =	sadd.s32 s21, s4  }
0x9e: {  	[timem:s8], [sflag:s22] =	dma.local [hbm:s6], s20  }
0x9f: {  	_ =	swait.ge [sflag:s22], s20  }
0xa0: {  	s5 =	ssub.s32 $0x0, s20;
	[sflag:s22] =	ssyncset.done $0x0  }
0xa1: {  	[sflag:s22] =	ssyncadd.s32 s5;
	_ =	sdelay $0x1  }
0xa2: {  	s23 =	simm.s32 $0x1B8B  }
0xa3: {  	_ =	swait.ge [sflag:s23], $0x1  }
0xa4: {  	[sflag:s23] =	ssyncset.done $0x0  }
0xa5: {  	s25 =	simm.s32 $0x1B8E;
	s24 =	sld [smem:$0x3FFE];
	[sflag:s23] =	ssyncadd.s32 $0xFFFFFFFF  }
0xa6: {  	s26 =	simm.s32 $execute0_lowered;
	[smem:$0x3FD2] =	sst s25  }
0xa7: {  	s6 =	sshll.u32 s26, $0x1;
	_ =	strace $0x80000046;
	[dreg:$0x1] =	wrdreg $0xFFFFFFFF  }
0xa8: {  	s28 =	simm.s32 $_size_execute0_lowered;
	s4 =	sadd.s32 s4, s6;
	[dreg:$0x0] =	wrdreg $0x0  }
0xa9: {  	s6 =	sshll.u32 s28, $0x1;
	[dreg:$0x2] =	wrdreg s4  }
0xaa: {  	[dreg:$0x3] =	wrdreg s6  }
0xab: {  	[dreg:$0x4] =	wrdreg $0xC0  }
0xac: {  	_ =	task [dreg:s8], $0x5FFFF  }
0xad: {  	[dreg:$0x1] =	wrdreg $0xFFFFFFFF  }
0xae: {  	[dreg:$0x0] =	wrdreg $0x60  }
0xaf: {  	[dreg:$0x2] =	wrdreg s2  }
0xb0: {  	[dreg:$0x3] =	wrdreg s18  }
0xb1: {  	[dreg:$0x4] =	wrdreg s24  }
0xb2: {  	[dreg:$0x5] =	wrdreg $0x9  }
0xb3: {  	_ =	task.clear_ibuf [dreg:s8], $0x6FFFF;
	_ =	strace $0x90000046  }
0xb4: {  	s29 =	simm.s32 $0x9;
	_ =	strace $0x80000048  }
0xb5: {  	_ =	swait.ge [sflag:s29], $0x1  }
0xb6: {  	[sflag:s29] =	ssyncadd.s32 $0xFFFFFFFF  }
0xb7: {  	_ =	strace $0x90000048  }
0xb8: {  	_ =	sfence  }
0xb9: {  	s30 =	sld [smem:$0x0];
	_ =	sdelay $0x2  }
0xba: {  	s31 =	sshll.u32 s1, $0xD;
	s1 =	sshrl.u32 s1, $0x2  }
0xbb: {  	s3 =	sand.u32 $0x4000, s31;
	s1 =	sadd.s32 s1, s30  }
0xbc: {  	s0 =	sor.u32 s3, s0;
	s1 =	sshll.u32 s1, $0x11  }
0xbd: {  	s0 =	sor.u32 s1, s0  }
0xbe: {  	s0 =	sadd.s32 $0x8F2B, s0  }
0xbf: {  	[sflag:s0] =	ssyncadd.remote.s32 $0x1  }
0xc0: {  	_ =	sfence.sel $0xFFFF  }
0xc1: {  	[dreg:$0x0] =	wrdreg $0xFFFFFFFF;
	(pc) =	sbr.abs _section_cstart, $3  }
0xc2: {  	[dreg:$0x1] =	wrdreg $0xFFFFFFFF  }
0xc3: {  	_ =	task.clear_ibuf [dreg:s8], $0x2FFFF;
	_ =	strace $0x9FFFFFFF  }
0xc4: {  	(tm) =	ssettm $0x7FFFFFFF  }
0xc5: {  	_ =	shalt  }
tec
execute0_lowered:
.L_overlay_start_1:
0x0: {  	(tag) =	ssettag $0x1  }
0x1: {  	s1 =	srdreg.scid;
	s0 =	stileid.u32  }
0x2: {  	s2 =	rddreg [dreg:$0x0];
	s7 =	sand.u32 $0x1, s1;
	s28 =	sshll.u32 s0, $0x1  }
0x3: {  	s4 =	rddreg [dreg:$0x1];
	s18 =	sor.u32 s7, s28  }
0x4: {  	s9 =	rddreg [dreg:$0x2];
	s5 =	simm.s32 $0x0;
	s3 =	smul.u32 $0xF5, s18  }
0x5: {  	s16 =	simm.s32 $0x2000;
	s17 =	simm.s32 $0x6000;
	s1 =	rddreg [dreg:$0x3]  }
0x6: {  	[smem:$0x7FF] =	sst s5;
	s7 =	ssub.s32 $0x2, s7;
	s8 =	smin.u32 s3, $0x1D8F  }
0x7: {  	_ =	strace $0x80000047;
	s15 =	sshrl.u32 s7, $0x1;
	s10 =	sadd.s32 $0xF4, s8  }
0x8: {  	s31 =	smul.u32 $0x7A80, s18;
	p2 =	sne.s32 s18, $0x1F;
	s6 =	ssub.s32 s10, s3  }
0x9: {  	s18 =	simm.s32 $0x0;
	s11 =	sadd.s32 $0x2, s6;
	s12 =	sadd.s32 $0x1, s6  }
0xa: {  	s15 =	ssub.s32 s7, s15;
	s13 =	sand.u32 $0x8000, s11;
	s14 =	sand.u32 $0x8000, s12  }
0xb: {  	v0 =	vlaneseq.u32;
	s7 =	sadd.s32 $0xF5, s8;
	s13 =	sshrl.u32 s13, $0xF;
	s14 =	sshrl.u32 s14, $0xF  }
0xc: {  	v1 =	vmul.u32 $0x80, v0;
	v2 =	vor.u32 $0x10, v0;
	v3 =	vor.u32 $0x20, v0;
	s8 =	sadd.s32 s2, s31;
	s13 =	sadd.s32 s13, s11;
	s14 =	sadd.s32 s14, s12  }
0xd: {  	v4 =	vor.u32 $0x30, v0;
	v5 =	vmul.u32 $0x41, v0;
	v6 =	vmul.u32 $0x40, v0;
	s6 =	sadd.s32 $0xA00, s9;
	s29 =	sand.u32 $0xFFFE, s13;
	s30 =	sand.u32 $0xFFFE, s14  }
0xe: {  	v7 =	vor.u32 $0x40, v0;
	v8 =	vor.u32 $0x50, v0;
	v9 =	vor.u32 $0x60, v0;
	s9 =	sadd.s32 $0x7A1A00, s9;
	s11 =	ssub.s32 s11, s29;
	s12 =	ssub.s32 s12, s30  }
.Ltmp0:
0xf: {  	v10 =	vor.u32 $0x70, v0;
	v11 =	vor.u32 $0x400, v5;
	v12 =	vor.u32 $0x400, v6;
	s11 =	sshll.u32 s11, $0x10;
	s12 =	sshll.u32 s12, $0x10;
	(pc) =	sbr.rel .LBB2_1-.Ltmp0, $4  }
0x10: {  	v13 =	vor.u32 $0x800, v5;
	v14 =	vor.u32 $0x800, v6;
	v15 =	vor.u32 $0xC00, v5;
	s13 =	simm.s32 $0x1;
	s11 =	sshra.s32 s11, $0x10;
	s12 =	sshra.s32 s12, $0x10  }
0x11: {  	v16 =	vor.u32 $0xC00, v6;
	v17 =	vor.u32 $0x1000, v5;
	v18 =	vor.u32 $0x1000, v6;
	s14 =	simm.s32 $0x4000;
	s19 =	ssub.s32 s10, s11;
	s20 =	ssub.s32 s10, s12  }
0x12: {  	v19 =	vor.u32 $0x1400, v5;
	v20 =	vor.u32 $0x1400, v6;
	v21 =	vor.u32 $0x1800, v5;
	s10 =	smax.u32 s15, $0x1;
	s11 =	simm.s32 $0x400;
	s12 =	simm.s32 $0x7A1400  }
0x13: {  	v22 =	vor.u32 $0x1800, v6;
	v23 =	vor.u32 $0x1C00, v5;
	v24 =	vor.u32 $0x1C00, v6;
	s15 =	simm.s32 $0x2;
	p0 =	slt.u32 s19, s3;
	p1 =	slt.u32 s20, s3  }
.LBB2_11:
0x14: {  	s19 =	simm.s32 @!p0 $0x3  }
0x15: {  	_ =	swait.ge @!p0 [sflag:s19], $0x2000  }
0x16: {  	[sflag:s19] =	ssyncset.done @!p0 $0x0  }
0x17: {  	[sflag:s19] =	ssyncadd.s32 @!p0 $0xFFFFE000;
	s19 =	simm.s32 @!p1 $0x4  }
0x18: {  	_ =	swait.ge @!p1 [sflag:s19], $0x2000  }
0x19: {  	s20 =	simm.s32 @!p2 $0x4000;
	[sflag:s19] =	ssyncset.done @!p1 $0x0  }
0x1a: {  	s21 =	simm.s32 @!p2 $0x5;
	[sflag:s19] =	ssyncadd.s32 @!p1 $0xFFFFE000;
	s19 =	simm.s32 @!p2 $0x0  }
0x1b: {  	[tilespmem:s20], [sflag:$0x5] =	stream.linear.gather @!p2 [hbm4b:s4+s19], $0x1000, $0x38;
	[tilespmem:$0x8000] =	vst v63  }
0x1c: {  	s18 =	sadd.s32 $0x1, s18;
	_ =	swait.ge @!p2 [sflag:s21], $0x1000  }
0x1d: {  	p3 =	sne.s32 s18, s10;
	[sflag:s21] =	ssyncset.done @!p2 $0x0  }
.Ltmp1:
0x1e: {  	[sflag:s21] =	ssyncadd.s32 @!p2 $0xFFFFF000;
	(pc) =	sbr.rel @!p3 .LBB2_12-.Ltmp1, $4  }
0x1f: {  	[hbm4b:s9+s19] =	stream.linear.scatter @!p2 [tilespmem:s20], [sflag:$0x5], $0x1000, $0x38;
	[tilespmem:$0x8000] =	vst v63  }
0x20: {  	_ =	swait.ge @!p2 [sflag:s21], $0x1000  }
0x21: {  	[sflag:s21] =	ssyncset.done @!p2 $0x0  }
0x22: {  	[sflag:s21] =	ssyncadd.s32 @!p2 $0xFFFFF000  }
.LBB2_1:
.Ltmp2:
0x23: {  	(pc) =	sbr.rel .LBB2_2-.Ltmp2, $3  }
0x24: {  	_ =	sdelay $0x1  }
0x25: {  	[tilespmem:s5], [sflag:$0x1] =	stream.strided.gather [hbm4b:s8+s11], $0x2000, s12, s11, $0x38;
	[tilespmem:$0x8000] =	vst v63  }
0x26: {  	s19 =	simm.s32 $0x0  }
.LBB2_10:
0x27: {  	s19 =	sadd.s32 $0x1, s19  }
0x28: {  	p3 =	sne.s32 s19, $0x7B  }
.Ltmp3:
0x29: {  	_ = 	snop;
	(pc) =	sbr.rel @!p3 .LBB2_11-.Ltmp3, $1  }
0x2a: {  	_ =	sdelay $0x3  }
.LBB2_2:
0x2b: {  	s20 =	sshll.u32 s19, $0x1  }
0x2c: {  	s21 =	sadd.s32 s3, s20  }
0x2d: {  	p4 =	sge.u32 s21, s7  }
.Ltmp4:
0x2e: {  	_ = 	snop;
	(pc) =	sbr.rel @p4 .LBB2_6-.Ltmp4, $3  }
0x2f: {  	_ =	sdelay $0x1  }
0x30: {  	s20 =	sadd.s32 $0x1, s21  }
0x31: {  	p3 =	sge.u32 s20, s7  }
0x32: {  	s22 =	sshll.u32 @!p3 s20, $0x7  }
0x33: {  	s23 =	simm.s32 $0x0;
	s24 =	simm.s32 @!p3 $0x400;
	s22 =	sand.u32 @!p3 $0x1FFFFF80, s22  }
0x34: {  	s25 =	simm.s32 @!p3 $0x7A1400;
	s26 =	simm.s32 @!p3 $0x2000;
	v25 =	vmov s23;
	s22 =	sadd.s32 @!p3 s2, s22  }
0x35: {  	v25 =	vshll.u32 v25, $0x7;
	[tilespmem:s26], [sflag:$0x2] =	stream.strided.gather @!p3 [hbm4b:s22+s24], $0x2000, s25, s24, $0x38;
	[tilespmem:$0x8000] =	vst v63  }
0x36: {  	v25 =	vadd.s32 v1, v25;
	_ =	swait.ge [sflag:s13], $0x2000  }
0x37: {  	p4 =	seq.s32 s19, $0x0;
	v26 =	vor.u32 v2, v25;
	[sflag:s13] =	ssyncset.done $0x0  }
0x38: {  	s22 =	simm.s32 @!p4 $0x3;
	v27 =	vor.u32 v3, v25;
	[sflag:s13] =	ssyncadd.s32 $0xFFFFE000  }
0x39: {  	v28 =	vor.u32 v0, v25;
	_ =	swait.ge @!p4 [sflag:s22], $0x2000  }
0x3a: {  	v29 =	vor.u32 v9, v25;
	[sflag:s22] =	ssyncset.done @!p4 $0x0  }
0x3b: {  	v30 =	vor.u32 v7, v25;
	[sflag:s22] =	ssyncadd.s32 @!p4 $0xFFFFE000  }
0x3c: {  	v31 =	vor.u32 v4, v25;
	v26 =	vld.idx.msk [tilespmem:v26+s5+$0x0], $0xffff  }
0x3d: {  	v32 =	vor.u32 v10, v25;
	v27 =	vld.idx.msk [tilespmem:v27+s5+$0x0], $0xffff  }
0x3e: {  	v33 =	vadd.s32 s23, v5;
	v25 =	vor.u32 v8, v25;
	v28 =	vld.idx.msk [tilespmem:v28+s5+$0x0], $0xffff  }
0x3f: {  	v34 =	vadd.s32 s23, v11;
	v29 =	vld.idx.msk [tilespmem:v29+s5+$0x0], $0xffff  }
0x40: {  	v35 =	vadd.s32 s23, v13;
	v30 =	vld.idx.msk [tilespmem:v30+s5+$0x0], $0xffff  }
0x41: {  	v36 =	vadd.s32 s23, v15;
	v31 =	vld.idx.msk [tilespmem:v31+s5+$0x0], $0xffff  }
0x42: {  	s31 =	simm.s32 $0x20;
	v38 =	vadd.s32 s23, v17;
	v32 =	vld.idx.msk [tilespmem:v32+s5+$0x0], $0xffff  }
0x43: {  	v37 =	vld.idx.msk [tilespmem:v25+s5+$0x0], $0xffff;
	v25 =	vadd.s32 s31, v0;
	[tilespmem:v33+s14+$0x0] =	vst.idx.msk $0xffff, v28;
	v28 =	vadd.s32 s23, v19  }
0x44: {  	v25 =	vand.u32 $0x3F, v25;
	[tilespmem:v34+s14+$0x0] =	vst.idx.msk $0xffff, v26;
	v26 =	vadd.s32 s23, v21  }
0x45: {  	v60 =	vshll.u32 v25, $0x7;
	[tilespmem:v35+s14+$0x0] =	vst.idx.msk $0xffff, v27;
	v27 =	vadd.s32 s23, v23  }
0x46: {  	[tilespmem:v36+s14+$0x0] =	vst.idx.msk $0xffff, v31;
	v31 =	vor.u32 v2, v60  }
0x47: {  	v61 =	vor.u32 v0, v60;
	[tilespmem:v38+s14+$0x0] =	vst.idx.msk $0xffff, v30  }
0x48: {  	v62 =	vor.u32 v4, v60;
	[tilespmem:v28+s14+$0x0] =	vst.idx.msk $0xffff, v37  }
0x49: {  	v30 =	vor.u32 v9, v60;
	[tilespmem:v26+s14+$0x0] =	vst.idx.msk $0xffff, v29  }
0x4a: {  	v29 =	vor.u32 v3, v60;
	[tilespmem:v27+s14+$0x0] =	vst.idx.msk $0xffff, v32  }
0x4b: {  	v63 =	vor.u32 v7, v60;
	v28 =	vld.idx.msk [tilespmem:v31+s5+$0x0], $0xffff  }
0x4c: {  	v39 =	vor.u32 v8, v60;
	v33 =	vld.idx.msk [tilespmem:v61+s5+$0x0], $0xffff  }
0x4d: {  	v40 =	vor.u32 v10, v60;
	v31 =	vld.idx.msk [tilespmem:v62+s5+$0x0], $0xffff  }
0x4e: {  	s22 =	simm.s32 $0x1;
	v36 =	vor.u32 v6, v25;
	v27 =	vld.idx.msk [tilespmem:v30+s5+$0x0], $0xffff  }
0x4f: {  	v37 =	vor.u32 v12, v25;
	v30 =	vld.idx.msk [tilespmem:v29+s5+$0x0], $0xffff;
	v29 =	vmov s22  }
0x50: {  	v35 =	vor.u32 v14, v25;
	v38 =	vor.u32 v16, v25;
	v32 =	vld.idx.msk [tilespmem:v63+s5+$0x0], $0xffff;
	v29 =	vshll.u32 v29, $0x7  }
0x51: {  	s23 =	simm.s32 $0x2;
	v26 =	vor.u32 v20, v25;
	v34 =	vld.idx.msk [tilespmem:v39+s5+$0x0], $0xffff;
	v39 =	vor.u32 v18, v25;
	v29 =	vadd.s32 v1, v29  }
.LBB2_4:
0x52: {  	p4 =	sne.s32 s23, $0x1F;
	v41 =	vor.u32 v0, v29;
	v40 =	vld.idx.msk [tilespmem:v40+s5+$0x0], $0xffff;
	s24 =	smov.u32 s23;
	s23 =	sadd.s32 $0x1, s23  }
0x53: {  	v42 =	vor.u32 v2, v29;
	[tilespmem:v36+s14+$0x0] =	vst.idx.msk $0xffff, v33;
	v33 =	vor.u32 v22, v25  }
0x54: {  	v36 =	vor.u32 v3, v29;
	v25 =	vor.u32 v24, v25;
	[tilespmem:v37+s14+$0x0] =	vst.idx.msk $0xffff, v28  }
0x55: {  	v28 =	vor.u32 v4, v29;
	[tilespmem:v35+s14+$0x0] =	vst.idx.msk $0xffff, v30  }
0x56: {  	v30 =	vor.u32 v7, v29;
	v35 =	vor.u32 v10, v29;
	[tilespmem:v38+s14+$0x0] =	vst.idx.msk $0xffff, v31  }
0x57: {  	v31 =	vor.u32 v8, v29;
	v29 =	vor.u32 v9, v29;
	[tilespmem:v39+s14+$0x0] =	vst.idx.msk $0xffff, v32  }
0x58: {  	[tilespmem:v26+s14+$0x0] =	vst.idx.msk $0xffff, v34  }
0x59: {  	[tilespmem:v33+s14+$0x0] =	vst.idx.msk $0xffff, v27  }
0x5a: {  	[tilespmem:v25+s14+$0x0] =	vst.idx.msk $0xffff, v40  }
0x5b: {  	v25 =	vld.idx.msk [tilespmem:v42+s5+$0x0], $0xffff  }
0x5c: {  	v26 =	vld.idx.msk [tilespmem:v36+s5+$0x0], $0xffff  }
0x5d: {  	v27 =	vld.idx.msk [tilespmem:v41+s5+$0x0], $0xffff  }
0x5e: {  	v32 =	vadd.s32 s22, v5;
	v29 =	vld.idx.msk [tilespmem:v29+s5+$0x0], $0xffff  }
0x5f: {  	v33 =	vadd.s32 s22, v11;
	v30 =	vld.idx.msk [tilespmem:v30+s5+$0x0], $0xffff  }
0x60: {  	v34 =	vadd.s32 s22, v13;
	v28 =	vld.idx.msk [tilespmem:v28+s5+$0x0], $0xffff  }
0x61: {  	v36 =	vadd.s32 s22, v15;
	v35 =	vld.idx.msk [tilespmem:v35+s5+$0x0], $0xffff  }
0x62: {  	s25 =	sadd.s32 $0x20, s22;
	v37 =	vadd.s32 s22, v17;
	v31 =	vld.idx.msk [tilespmem:v31+s5+$0x0], $0xffff  }
0x63: {  	[tilespmem:v32+s14+$0x0] =	vst.idx.msk $0xffff, v27;
	v27 =	vadd.s32 s22, v19;
	v32 =	vadd.s32 s25, v0  }
0x64: {  	[tilespmem:v33+s14+$0x0] =	vst.idx.msk $0xffff, v25;
	v33 =	vadd.s32 s22, v21;
	v25 =	vand.u32 $0x3F, v32  }
0x65: {  	v32 =	vadd.s32 s22, v23;
	s22 =	smov.u32 s24;
	[tilespmem:v34+s14+$0x0] =	vst.idx.msk $0xffff, v26;
	v34 =	vshll.u32 v25, $0x7;
	v26 =	vor.u32 v20, v25  }
0x66: {  	[tilespmem:v36+s14+$0x0] =	vst.idx.msk $0xffff, v28;
	v28 =	vor.u32 v2, v34  }
0x67: {  	v36 =	vor.u32 v9, v34;
	[tilespmem:v37+s14+$0x0] =	vst.idx.msk $0xffff, v30;
	v30 =	vor.u32 v0, v34  }
0x68: {  	[tilespmem:v27+s14+$0x0] =	vst.idx.msk $0xffff, v31  }
0x69: {  	[tilespmem:v33+s14+$0x0] =	vst.idx.msk $0xffff, v29;
	v29 =	vor.u32 v3, v34  }
0x6a: {  	v31 =	vor.u32 v4, v34;
	[tilespmem:v32+s14+$0x0] =	vst.idx.msk $0xffff, v35  }
0x6b: {  	v32 =	vor.u32 v7, v34;
	v28 =	vld.idx.msk [tilespmem:v28+s5+$0x0], $0xffff  }
0x6c: {  	v39 =	vor.u32 v8, v34;
	v27 =	vld.idx.msk [tilespmem:v36+s5+$0x0], $0xffff  }
.Ltmp5:
0x6d: {  	v40 =	vor.u32 v10, v34;
	v36 =	vor.u32 v6, v25;
	v33 =	vld.idx.msk [tilespmem:v30+s5+$0x0], $0xffff;
	(pc) =	sbr.rel @p4 .LBB2_4-.Ltmp5, $4  }
0x6e: {  	v37 =	vor.u32 v12, v25;
	v30 =	vld.idx.msk [tilespmem:v29+s5+$0x0], $0xffff  }
0x6f: {  	v35 =	vor.u32 v14, v25;
	v29 =	vmov s22;
	v31 =	vld.idx.msk [tilespmem:v31+s5+$0x0], $0xffff  }
0x70: {  	v38 =	vor.u32 v16, v25;
	v29 =	vshll.u32 v29, $0x7;
	v32 =	vld.idx.msk [tilespmem:v32+s5+$0x0], $0xffff  }
0x71: {  	v29 =	vadd.s32 v1, v29;
	v34 =	vld.idx.msk [tilespmem:v39+s5+$0x0], $0xffff;
	v39 =	vor.u32 v18, v25  }
0x72: {  	_ =	sdelay $0x3  }
0x73: {  	v40 =	vld.idx.msk [tilespmem:v40+s5+$0x0], $0xffff;
	[tilespmem:v36+s14+$0x0] =	vst.idx.msk $0xffff, v33  }
0x74: {  	v36 =	vor.u32 v22, v25;
	[tilespmem:v37+s14+$0x0] =	vst.idx.msk $0xffff, v28  }
0x75: {  	v25 =	vor.u32 v24, v25;
	[tilespmem:v35+s14+$0x0] =	vst.idx.msk $0xffff, v30  }
0x76: {  	v37 =	vor.u32 v2, v29;
	[tilespmem:v38+s14+$0x0] =	vst.idx.msk $0xffff, v31  }
0x77: {  	v38 =	vor.u32 v3, v29;
	[tilespmem:v39+s14+$0x0] =	vst.idx.msk $0xffff, v32  }
0x78: {  	v39 =	vor.u32 v0, v29;
	[tilespmem:v26+s14+$0x0] =	vst.idx.msk $0xffff, v34  }
0x79: {  	v41 =	vor.u32 v8, v29;
	[tilespmem:v36+s14+$0x0] =	vst.idx.msk $0xffff, v27  }
0x7a: {  	v26 =	vor.u32 v9, v29;
	[tilespmem:v25+s14+$0x0] =	vst.idx.msk $0xffff, v40  }
0x7b: {  	v25 =	vor.u32 v4, v29;
	v28 =	vld.idx.msk [tilespmem:v37+s5+$0x0], $0xffff  }
0x7c: {  	v27 =	vor.u32 v7, v29;
	v30 =	vld.idx.msk [tilespmem:v38+s5+$0x0], $0xffff  }
0x7d: {  	v42 =	vadd.s32 s22, v5;
	v40 =	vor.u32 v10, v29;
	v31 =	vld.idx.msk [tilespmem:v39+s5+$0x0], $0xffff  }
0x7e: {  	v43 =	vadd.s32 s22, v11;
	v29 =	vld.idx.msk [tilespmem:v41+s5+$0x0], $0xffff  }
0x7f: {  	v44 =	vadd.s32 s22, v13;
	v26 =	vld.idx.msk [tilespmem:v26+s5+$0x0], $0xffff  }
0x80: {  	v45 =	vadd.s32 s22, v15;
	v25 =	vld.idx.msk [tilespmem:v25+s5+$0x0], $0xffff  }
0x81: {  	v46 =	vadd.s32 s22, v17;
	s23 =	sadd.s32 $0x20, s22;
	v27 =	vld.idx.msk [tilespmem:v27+s5+$0x0], $0xffff  }
0x82: {  	v47 =	vadd.s32 s22, v19;
	v48 =	vadd.s32 s23, v0;
	v32 =	vld.idx.msk [tilespmem:v40+s5+$0x0], $0xffff;
	[tilespmem:v42+s14+$0x0] =	vst.idx.msk $0xffff, v31  }
0x83: {  	v49 =	vadd.s32 s22, v21;
	v33 =	vand.u32 $0x3F, v48;
	[tilespmem:v43+s14+$0x0] =	vst.idx.msk $0xffff, v28  }
0x84: {  	v50 =	vadd.s32 s22, v23;
	v51 =	vshll.u32 v33, $0x7;
	[tilespmem:v44+s14+$0x0] =	vst.idx.msk $0xffff, v30  }
0x85: {  	[tilespmem:v45+s14+$0x0] =	vst.idx.msk $0xffff, v25;
	v25 =	vor.u32 v2, v51  }
0x86: {  	v52 =	vor.u32 v0, v51;
	[tilespmem:v46+s14+$0x0] =	vst.idx.msk $0xffff, v27  }
0x87: {  	v53 =	vor.u32 v4, v51;
	[tilespmem:v47+s14+$0x0] =	vst.idx.msk $0xffff, v29  }
0x88: {  	v54 =	vor.u32 v7, v51;
	[tilespmem:v49+s14+$0x0] =	vst.idx.msk $0xffff, v26  }
0x89: {  	v26 =	vor.u32 v3, v51;
	[tilespmem:v50+s14+$0x0] =	vst.idx.msk $0xffff, v32  }
0x8a: {  	v55 =	vor.u32 v8, v51;
	v25 =	vld.idx.msk [tilespmem:v25+s5+$0x0], $0xffff  }
0x8b: {  	v56 =	vor.u32 v10, v51;
	v31 =	vld.idx.msk [tilespmem:v52+s5+$0x0], $0xffff  }
0x8c: {  	v57 =	vor.u32 v6, v33;
	v27 =	vor.u32 v9, v51;
	v28 =	vld.idx.msk [tilespmem:v53+s5+$0x0], $0xffff  }
0x8d: {  	v58 =	vor.u32 v12, v33;
	v29 =	vld.idx.msk [tilespmem:v54+s5+$0x0], $0xffff  }
0x8e: {  	v59 =	vor.u32 v14, v33;
	v26 =	vld.idx.msk [tilespmem:v26+s5+$0x0], $0xffff  }
0x8f: {  	v60 =	vor.u32 v16, v33;
	v30 =	vld.idx.msk [tilespmem:v55+s5+$0x0], $0xffff  }
0x90: {  	v61 =	vor.u32 v18, v33;
	v32 =	vld.idx.msk [tilespmem:v56+s5+$0x0], $0xffff  }
0x91: {  	v62 =	vor.u32 v20, v33;
	v27 =	vld.idx.msk [tilespmem:v27+s5+$0x0], $0xffff;
	[tilespmem:v57+s14+$0x0] =	vst.idx.msk $0xffff, v31  }
0x92: {  	v63 =	vor.u32 v22, v33;
	[tilespmem:v58+s14+$0x0] =	vst.idx.msk $0xffff, v25  }
0x93: {  	v25 =	vor.u32 v24, v33;
	[tilespmem:v59+s14+$0x0] =	vst.idx.msk $0xffff, v26  }
0x94: {  	[tilespmem:v60+s14+$0x0] =	vst.idx.msk $0xffff, v28  }
0x95: {  	[tilespmem:v61+s14+$0x0] =	vst.idx.msk $0xffff, v29  }
0x96: {  	[tilespmem:v62+s14+$0x0] =	vst.idx.msk $0xffff, v30  }
0x97: {  	s31 =	sshll.u32 s21, $0xA;
	[tilespmem:v63+s14+$0x0] =	vst.idx.msk $0xffff, v27  }
0x98: {  	s22 =	sadd.s32 s6, s31;
	[tilespmem:v25+s14+$0x0] =	vst.idx.msk $0xffff, v32  }
0x99: {  	[hbm4b:s22+s5] =	stream.linear.scatter [tilespmem:s14], [sflag:$0x3], $0x2000, $0x38;
	[tilespmem:$0x8000] =	vst v63  }
.LBB2_6:
.Ltmp6:
0x9a: {  	(pc) =	sbr.rel @p3 .LBB2_10-.Ltmp6, $1  }
0x9b: {  	_ =	sdelay $0x3  }
0x9c: {  	s21 =	sadd.s32 $0x2, s21  }
0x9d: {  	p3 =	sge.u32 s21, s7  }
0x9e: {  	s21 =	sshll.u32 @!p3 s21, $0x7  }
0x9f: {  	s22 =	simm.s32 $0x0;
	s23 =	simm.s32 @!p3 $0x400;
	s21 =	sand.u32 @!p3 $0x1FFFFF80, s21  }
0xa0: {  	v25 =	vmov s22;
	s24 =	simm.s32 @!p3 $0x7A1400;
	s25 =	simm.s32 @!p3 $0x0;
	s21 =	sadd.s32 @!p3 s2, s21  }
0xa1: {  	v25 =	vshll.u32 v25, $0x7;
	[tilespmem:s25], [sflag:$0x1] =	stream.strided.gather @!p3 [hbm4b:s21+s23], $0x2000, s24, s23, $0x38;
	[tilespmem:$0x8000] =	vst v63  }
0xa2: {  	v25 =	vadd.s32 v1, v25;
	_ =	swait.ge [sflag:s15], $0x2000  }
0xa3: {  	v26 =	vor.u32 v2, v25;
	p3 =	seq.s32 s19, $0x0;
	[sflag:s15] =	ssyncset.done $0x0  }
0xa4: {  	v27 =	vor.u32 v3, v25;
	s21 =	simm.s32 @!p3 $0x4;
	[sflag:s15] =	ssyncadd.s32 $0xFFFFE000  }
0xa5: {  	v28 =	vor.u32 v0, v25;
	_ =	swait.ge @!p3 [sflag:s21], $0x2000  }
0xa6: {  	v29 =	vor.u32 v9, v25;
	[sflag:s21] =	ssyncset.done @!p3 $0x0  }
0xa7: {  	v30 =	vor.u32 v7, v25;
	[sflag:s21] =	ssyncadd.s32 @!p3 $0xFFFFE000  }
0xa8: {  	v31 =	vor.u32 v4, v25;
	v26 =	vld.idx.msk [tilespmem:v26+s16+$0x0], $0xffff  }
0xa9: {  	v32 =	vor.u32 v10, v25;
	v27 =	vld.idx.msk [tilespmem:v27+s16+$0x0], $0xffff  }
0xaa: {  	v33 =	vadd.s32 s22, v5;
	v25 =	vor.u32 v8, v25;
	v28 =	vld.idx.msk [tilespmem:v28+s16+$0x0], $0xffff  }
0xab: {  	v34 =	vadd.s32 s22, v11;
	v29 =	vld.idx.msk [tilespmem:v29+s16+$0x0], $0xffff  }
0xac: {  	v35 =	vadd.s32 s22, v13;
	v30 =	vld.idx.msk [tilespmem:v30+s16+$0x0], $0xffff  }
0xad: {  	v36 =	vadd.s32 s22, v15;
	v31 =	vld.idx.msk [tilespmem:v31+s16+$0x0], $0xffff  }
0xae: {  	s31 =	simm.s32 $0x20;
	v38 =	vadd.s32 s22, v17;
	v32 =	vld.idx.msk [tilespmem:v32+s16+$0x0], $0xffff  }
0xaf: {  	v37 =	vld.idx.msk [tilespmem:v25+s16+$0x0], $0xffff;
	v25 =	vadd.s32 s31, v0;
	[tilespmem:v33+s17+$0x0] =	vst.idx.msk $0xffff, v28;
	v28 =	vadd.s32 s22, v19  }
0xb0: {  	v25 =	vand.u32 $0x3F, v25;
	[tilespmem:v34+s17+$0x0] =	vst.idx.msk $0xffff, v26;
	v26 =	vadd.s32 s22, v21  }
0xb1: {  	v60 =	vshll.u32 v25, $0x7;
	[tilespmem:v35+s17+$0x0] =	vst.idx.msk $0xffff, v27;
	v27 =	vadd.s32 s22, v23  }
0xb2: {  	[tilespmem:v36+s17+$0x0] =	vst.idx.msk $0xffff, v31;
	v31 =	vor.u32 v2, v60  }
0xb3: {  	v61 =	vor.u32 v0, v60;
	[tilespmem:v38+s17+$0x0] =	vst.idx.msk $0xffff, v30  }
0xb4: {  	v62 =	vor.u32 v4, v60;
	[tilespmem:v28+s17+$0x0] =	vst.idx.msk $0xffff, v37  }
0xb5: {  	v30 =	vor.u32 v9, v60;
	[tilespmem:v26+s17+$0x0] =	vst.idx.msk $0xffff, v29  }
0xb6: {  	v29 =	vor.u32 v3, v60;
	[tilespmem:v27+s17+$0x0] =	vst.idx.msk $0xffff, v32  }
0xb7: {  	v63 =	vor.u32 v7, v60;
	v28 =	vld.idx.msk [tilespmem:v31+s16+$0x0], $0xffff  }
0xb8: {  	v39 =	vor.u32 v8, v60;
	v33 =	vld.idx.msk [tilespmem:v61+s16+$0x0], $0xffff  }
0xb9: {  	v40 =	vor.u32 v10, v60;
	v31 =	vld.idx.msk [tilespmem:v62+s16+$0x0], $0xffff  }
0xba: {  	s21 =	simm.s32 $0x1;
	v36 =	vor.u32 v6, v25;
	v27 =	vld.idx.msk [tilespmem:v30+s16+$0x0], $0xffff  }
0xbb: {  	v37 =	vor.u32 v12, v25;
	v30 =	vld.idx.msk [tilespmem:v29+s16+$0x0], $0xffff;
	v29 =	vmov s21  }
0xbc: {  	v35 =	vor.u32 v14, v25;
	v38 =	vor.u32 v16, v25;
	v32 =	vld.idx.msk [tilespmem:v63+s16+$0x0], $0xffff;
	v29 =	vshll.u32 v29, $0x7  }
0xbd: {  	s22 =	simm.s32 $0x2;
	v26 =	vor.u32 v20, v25;
	v34 =	vld.idx.msk [tilespmem:v39+s16+$0x0], $0xffff;
	v39 =	vor.u32 v18, v25;
	v29 =	vadd.s32 v1, v29  }
.LBB2_8:
0xbe: {  	p3 =	sne.s32 s22, $0x1F;
	v41 =	vor.u32 v0, v29;
	v40 =	vld.idx.msk [tilespmem:v40+s16+$0x0], $0xffff;
	s23 =	smov.u32 s22;
	s22 =	sadd.s32 $0x1, s22  }
0xbf: {  	v42 =	vor.u32 v2, v29;
	[tilespmem:v36+s17+$0x0] =	vst.idx.msk $0xffff, v33;
	v33 =	vor.u32 v22, v25  }
0xc0: {  	v36 =	vor.u32 v3, v29;
	v25 =	vor.u32 v24, v25;
	[tilespmem:v37+s17+$0x0] =	vst.idx.msk $0xffff, v28  }
0xc1: {  	v28 =	vor.u32 v4, v29;
	[tilespmem:v35+s17+$0x0] =	vst.idx.msk $0xffff, v30  }
0xc2: {  	v30 =	vor.u32 v7, v29;
	v35 =	vor.u32 v10, v29;
	[tilespmem:v38+s17+$0x0] =	vst.idx.msk $0xffff, v31  }
0xc3: {  	v31 =	vor.u32 v8, v29;
	v29 =	vor.u32 v9, v29;
	[tilespmem:v39+s17+$0x0] =	vst.idx.msk $0xffff, v32  }
0xc4: {  	[tilespmem:v26+s17+$0x0] =	vst.idx.msk $0xffff, v34  }
0xc5: {  	[tilespmem:v33+s17+$0x0] =	vst.idx.msk $0xffff, v27  }
0xc6: {  	[tilespmem:v25+s17+$0x0] =	vst.idx.msk $0xffff, v40  }
0xc7: {  	v25 =	vld.idx.msk [tilespmem:v42+s16+$0x0], $0xffff  }
0xc8: {  	v26 =	vld.idx.msk [tilespmem:v36+s16+$0x0], $0xffff  }
0xc9: {  	v27 =	vld.idx.msk [tilespmem:v41+s16+$0x0], $0xffff  }
0xca: {  	v32 =	vadd.s32 s21, v5;
	v29 =	vld.idx.msk [tilespmem:v29+s16+$0x0], $0xffff  }
0xcb: {  	v33 =	vadd.s32 s21, v11;
	v30 =	vld.idx.msk [tilespmem:v30+s16+$0x0], $0xffff  }
0xcc: {  	v34 =	vadd.s32 s21, v13;
	v28 =	vld.idx.msk [tilespmem:v28+s16+$0x0], $0xffff  }
0xcd: {  	v36 =	vadd.s32 s21, v15;
	v35 =	vld.idx.msk [tilespmem:v35+s16+$0x0], $0xffff  }
0xce: {  	s24 =	sadd.s32 $0x20, s21;
	v37 =	vadd.s32 s21, v17;
	v31 =	vld.idx.msk [tilespmem:v31+s16+$0x0], $0xffff  }
0xcf: {  	[tilespmem:v32+s17+$0x0] =	vst.idx.msk $0xffff, v27;
	v27 =	vadd.s32 s21, v19;
	v32 =	vadd.s32 s24, v0  }
0xd0: {  	[tilespmem:v33+s17+$0x0] =	vst.idx.msk $0xffff, v25;
	v33 =	vadd.s32 s21, v21;
	v25 =	vand.u32 $0x3F, v32  }
0xd1: {  	v32 =	vadd.s32 s21, v23;
	s21 =	smov.u32 s23;
	[tilespmem:v34+s17+$0x0] =	vst.idx.msk $0xffff, v26;
	v34 =	vshll.u32 v25, $0x7;
	v26 =	vor.u32 v20, v25  }
0xd2: {  	[tilespmem:v36+s17+$0x0] =	vst.idx.msk $0xffff, v28;
	v28 =	vor.u32 v2, v34  }
0xd3: {  	v36 =	vor.u32 v9, v34;
	[tilespmem:v37+s17+$0x0] =	vst.idx.msk $0xffff, v30;
	v30 =	vor.u32 v0, v34  }
0xd4: {  	[tilespmem:v27+s17+$0x0] =	vst.idx.msk $0xffff, v31  }
0xd5: {  	[tilespmem:v33+s17+$0x0] =	vst.idx.msk $0xffff, v29;
	v29 =	vor.u32 v3, v34  }
0xd6: {  	v31 =	vor.u32 v4, v34;
	[tilespmem:v32+s17+$0x0] =	vst.idx.msk $0xffff, v35  }
0xd7: {  	v32 =	vor.u32 v7, v34;
	v28 =	vld.idx.msk [tilespmem:v28+s16+$0x0], $0xffff  }
0xd8: {  	v39 =	vor.u32 v8, v34;
	v27 =	vld.idx.msk [tilespmem:v36+s16+$0x0], $0xffff  }
.Ltmp7:
0xd9: {  	v40 =	vor.u32 v10, v34;
	v36 =	vor.u32 v6, v25;
	v33 =	vld.idx.msk [tilespmem:v30+s16+$0x0], $0xffff;
	(pc) =	sbr.rel @p3 .LBB2_8-.Ltmp7, $4  }
0xda: {  	v37 =	vor.u32 v12, v25;
	v30 =	vld.idx.msk [tilespmem:v29+s16+$0x0], $0xffff  }
0xdb: {  	v35 =	vor.u32 v14, v25;
	v29 =	vmov s21;
	v31 =	vld.idx.msk [tilespmem:v31+s16+$0x0], $0xffff  }
0xdc: {  	v38 =	vor.u32 v16, v25;
	v29 =	vshll.u32 v29, $0x7;
	v32 =	vld.idx.msk [tilespmem:v32+s16+$0x0], $0xffff  }
0xdd: {  	v29 =	vadd.s32 v1, v29;
	v34 =	vld.idx.msk [tilespmem:v39+s16+$0x0], $0xffff;
	v39 =	vor.u32 v18, v25  }
0xde: {  	_ =	sdelay $0x3  }
0xdf: {  	v40 =	vld.idx.msk [tilespmem:v40+s16+$0x0], $0xffff;
	[tilespmem:v36+s17+$0x0] =	vst.idx.msk $0xffff, v33  }
0xe0: {  	v36 =	vor.u32 v22, v25;
	[tilespmem:v37+s17+$0x0] =	vst.idx.msk $0xffff, v28  }
0xe1: {  	v25 =	vor.u32 v24, v25;
	[tilespmem:v35+s17+$0x0] =	vst.idx.msk $0xffff, v30  }
0xe2: {  	v37 =	vor.u32 v2, v29;
	[tilespmem:v38+s17+$0x0] =	vst.idx.msk $0xffff, v31  }
0xe3: {  	v38 =	vor.u32 v3, v29;
	[tilespmem:v39+s17+$0x0] =	vst.idx.msk $0xffff, v32  }
0xe4: {  	v39 =	vor.u32 v0, v29;
	[tilespmem:v26+s17+$0x0] =	vst.idx.msk $0xffff, v34  }
0xe5: {  	v41 =	vor.u32 v8, v29;
	[tilespmem:v36+s17+$0x0] =	vst.idx.msk $0xffff, v27  }
0xe6: {  	v26 =	vor.u32 v9, v29;
	[tilespmem:v25+s17+$0x0] =	vst.idx.msk $0xffff, v40  }
0xe7: {  	v25 =	vor.u32 v4, v29;
	v28 =	vld.idx.msk [tilespmem:v37+s16+$0x0], $0xffff  }
0xe8: {  	v27 =	vor.u32 v7, v29;
	v30 =	vld.idx.msk [tilespmem:v38+s16+$0x0], $0xffff  }
0xe9: {  	v42 =	vadd.s32 s21, v5;
	v40 =	vor.u32 v10, v29;
	v31 =	vld.idx.msk [tilespmem:v39+s16+$0x0], $0xffff  }
0xea: {  	v43 =	vadd.s32 s21, v11;
	v29 =	vld.idx.msk [tilespmem:v41+s16+$0x0], $0xffff  }
0xeb: {  	v44 =	vadd.s32 s21, v13;
	v26 =	vld.idx.msk [tilespmem:v26+s16+$0x0], $0xffff  }
0xec: {  	v45 =	vadd.s32 s21, v15;
	v25 =	vld.idx.msk [tilespmem:v25+s16+$0x0], $0xffff  }
0xed: {  	v46 =	vadd.s32 s21, v17;
	s22 =	sadd.s32 $0x20, s21;
	v27 =	vld.idx.msk [tilespmem:v27+s16+$0x0], $0xffff  }
0xee: {  	v47 =	vadd.s32 s21, v19;
	v48 =	vadd.s32 s22, v0;
	v32 =	vld.idx.msk [tilespmem:v40+s16+$0x0], $0xffff;
	[tilespmem:v42+s17+$0x0] =	vst.idx.msk $0xffff, v31  }
0xef: {  	v49 =	vadd.s32 s21, v21;
	v33 =	vand.u32 $0x3F, v48;
	[tilespmem:v43+s17+$0x0] =	vst.idx.msk $0xffff, v28  }
0xf0: {  	v50 =	vadd.s32 s21, v23;
	v51 =	vshll.u32 v33, $0x7;
	[tilespmem:v44+s17+$0x0] =	vst.idx.msk $0xffff, v30  }
0xf1: {  	[tilespmem:v45+s17+$0x0] =	vst.idx.msk $0xffff, v25;
	v25 =	vor.u32 v2, v51  }
0xf2: {  	v52 =	vor.u32 v0, v51;
	[tilespmem:v46+s17+$0x0] =	vst.idx.msk $0xffff, v27  }
0xf3: {  	v53 =	vor.u32 v4, v51;
	[tilespmem:v47+s17+$0x0] =	vst.idx.msk $0xffff, v29  }
0xf4: {  	v54 =	vor.u32 v7, v51;
	[tilespmem:v49+s17+$0x0] =	vst.idx.msk $0xffff, v26  }
0xf5: {  	v26 =	vor.u32 v3, v51;
	[tilespmem:v50+s17+$0x0] =	vst.idx.msk $0xffff, v32  }
0xf6: {  	v55 =	vor.u32 v8, v51;
	v25 =	vld.idx.msk [tilespmem:v25+s16+$0x0], $0xffff  }
0xf7: {  	v56 =	vor.u32 v10, v51;
	v31 =	vld.idx.msk [tilespmem:v52+s16+$0x0], $0xffff  }
0xf8: {  	v57 =	vor.u32 v6, v33;
	v27 =	vor.u32 v9, v51;
	v28 =	vld.idx.msk [tilespmem:v53+s16+$0x0], $0xffff  }
0xf9: {  	v58 =	vor.u32 v12, v33;
	v29 =	vld.idx.msk [tilespmem:v54+s16+$0x0], $0xffff  }
0xfa: {  	v59 =	vor.u32 v14, v33;
	v26 =	vld.idx.msk [tilespmem:v26+s16+$0x0], $0xffff  }
0xfb: {  	v60 =	vor.u32 v16, v33;
	v30 =	vld.idx.msk [tilespmem:v55+s16+$0x0], $0xffff  }
0xfc: {  	v61 =	vor.u32 v18, v33;
	v32 =	vld.idx.msk [tilespmem:v56+s16+$0x0], $0xffff  }
0xfd: {  	v62 =	vor.u32 v20, v33;
	v27 =	vld.idx.msk [tilespmem:v27+s16+$0x0], $0xffff;
	[tilespmem:v57+s17+$0x0] =	vst.idx.msk $0xffff, v31  }
0xfe: {  	v63 =	vor.u32 v22, v33;
	[tilespmem:v58+s17+$0x0] =	vst.idx.msk $0xffff, v25  }
0xff: {  	v25 =	vor.u32 v24, v33;
	[tilespmem:v59+s17+$0x0] =	vst.idx.msk $0xffff, v26  }
0x100: {  	[tilespmem:v60+s17+$0x0] =	vst.idx.msk $0xffff, v28  }
.Ltmp8:
0x101: {  	[tilespmem:v61+s17+$0x0] =	vst.idx.msk $0xffff, v29;
	(pc) =	sbr.rel .LBB2_10-.Ltmp8, $4  }
0x102: {  	s20 =	sshll.u32 s20, $0xA;
	[tilespmem:v62+s17+$0x0] =	vst.idx.msk $0xffff, v30  }
0x103: {  	s20 =	sand.u32 $0x1FFFFC00, s20;
	[tilespmem:v63+s17+$0x0] =	vst.idx.msk $0xffff, v27  }
0x104: {  	s20 =	sadd.s32 s6, s20;
	[tilespmem:v25+s17+$0x0] =	vst.idx.msk $0xffff, v32  }
0x105: {  	[hbm4b:s20+s5] =	stream.linear.scatter [tilespmem:s17], [sflag:$0x4], $0x2000, $0x38;
	[tilespmem:$0x8000] =	vst v63  }
.LBB2_12:
0x106: {  	_ =	sfence.sel $0x180000  }
0x107: {  	[bflag:$0x0] =	sbarrier.arrive $0xFFFF  }
0x108: {  	p0 =	sne.s32 s0, $0x0;
	_ =	strace $0x90000047  }
0x109: {  	s0 =	sadd.s32 @!p0 $0x100000, s1;
	[bflag:$0x2] =	sbarrier.arrive $0xFFFF  }
0x10a: {  	[sflag:s0] =	ssyncadd.tile.s32 @!p0 $0x1;
	_ =	shalt  }
.Lfunc_end2:
_tile_overlayer_lowered:
.L_overlay_start_2:
0x10b: {  	(tag) =	ssettag $0x2  }
0x10c: {  	s0 =	rddreg [dreg:$0x0];
	s2 =	stileid.u32  }
0x10d: {  	s1 =	rddreg [dreg:$0x1];
	p0 =	sne.s32 s2, $0x0  }
0x10e: {  	s3 =	rddreg [dreg:$0x2];
	[bflag:$0x3] =	sbarrier.arrive $0xFFFF;
	s2 =	simm.s32 @!p0 $0x1C05  }
0x10f: {  	[timem:s3], [sflag:s2] =	dma.local @!p0 [hbm:s0], s1  }
0x110: {  	s0 =	simm.s32 @!p0 $0x5  }
0x111: {  	_ =	swait.ge @!p0 [sflag:s0], s1  }
0x112: {  	s1 =	ssub.s32 @!p0 $0x0, s1;
	[sflag:s0] =	ssyncset.done @!p0 $0x0  }
0x113: {  	[sflag:s0] =	ssyncadd.s32 @!p0 s1  }
0x114: {  	[bflag:$0x3] =	sbarrier.arrive $0xFFFF  }
0x115: {  	_ =	shalt  }

// kernel: kernel.7.cloned.1.call-start
scs
__scs_entry_jumppad:
0x0: {  	(pc) =	sbr.rel $0x88, $3  }
0x1: {  	(tag) =	ssettag $0x0;
	lr =	simm.s32 $0x1  }
0x2: {  	[smem:$0x3F9F] =	sst lr;
	_ =	strace $0xD0000000  }
0x3: {  	_ = 	snop  }
0x4: {  	_ = 	snop  }
0x5: {  	_ = 	snop  }
0x6: {  	_ = 	snop  }
0x7: {  	_ = 	snop  }
__scs_overlays_trampoline_lowered:
0x8: {  	[smem:$0x3FAE] =	sst s0  }
0x9: {  	[smem:$0x3FAF] =	sst s1  }
0xa: {  	[smem:$0x3FB0] =	sst s2  }
0xb: {  	[smem:$0x3FB1] =	sst s3  }
0xc: {  	[smem:$0x3FB2] =	sst s4  }
0xd: {  	[smem:$0x3FB3] =	sst s5  }
0xe: {  	[smem:$0x3FB4] =	sst s6  }
0xf: {  	[smem:$0x3FB5] =	sst s7  }
0x10: {  	[smem:$0x3FB6] =	sst s8  }
0x11: {  	[smem:$0x3FB7] =	sst s9;
	s0 =	simm.s32 @!p0 $0x0  }
0x12: {  	s1 =	sld [smem:$0x3F9D];
	s0 =	simm.s32 @p0 $0x1  }
0x13: {  	[smem:$0x3FB8] =	sst s0;
	s0 =	simm.s32 @!p1 $0x0  }
0x14: {  	s2 =	sld [smem:$0x3F9C];
	s0 =	simm.s32 @p1 $0x1  }
0x15: {  	[smem:$0x3FB9] =	sst s0;
	s0 =	simm.s32 @!p2 $0x0  }
0x16: {  	s3 =	sld [smem:$0x3FDB];
	s0 =	simm.s32 @p2 $0x1  }
0x17: {  	s4 =	simm.s32 $0x1BF5;
	[smem:$0x3FBB] =	sst s0  }
0x18: {  	s0 =	sld [smem:$0x3F9E];
	_ =	swait.ge [sflag:s4], $0x0  }
0x19: {  	s7 =	sld [smem:$0x3F9F]  }
0x1a: {  	s8 =	sadd.s32 $0xFFFFE003, lr  }
0x1b: {  	s9 =	sadd.s32 $0xFFFFFEF7, lr;
	s5 =	simm.s32 $0xFFFFFFFF;
	p2 =	slt.u32 s8, $0xFFFFF086  }
0x1c: {  	p1 =	slt.u32 s9, $0xF7A;
	s5 =	simm.s32 @!p2 $0x0  }
0x1d: {  	s5 =	simm.s32 @p1 $0x1;
	p0 =	seq.s32 s7, s2  }
0x1e: {  	s7 =	smul.u32 @!p0 $0xF7A, s2;
	p2 =	seq.s32 @!p0 s5, $0x0  }
0x1f: {  	s9 =	smul.u32 $0xF7A, s1;
	s8 =	simm.s32 @!p0 $0x1BF5;
	p2 =	por !p2, p0  }
0x20: {  	[sflag:s8] =	ssyncset.s32 @!p0 $0xFFFFF086;
	s6 =	sadd.s32 @!p0 s3, s7;
	s7 =	simm.s32 @!p0 $0x108  }
0x21: {  	s3 =	sadd.s32 s3, s9;
	s6 =	sadd.s32 @!p0 $0x88, s6;
	s7 =	simm.s32 @p2 $0x1082  }
0x22: {  	[simem:s7], [sflag:s8] =	dma.local @!p0 [hbm:s6], $0xF7A  }
0x23: {  	s9 =	sor.u32 $0xD0000000, s2;
	s6 =	simm.s32 $0x108;
	_ =	swait.ge @!p0 [sflag:s8], $0x0  }
0x24: {  	s3 =	sadd.s32 $0x88, s3;
	s6 =	simm.s32 @!p1 $0x1082;
	[sflag:s4] =	ssyncset.s32 $0xFFFFF086  }
0x25: {  	[simem:s6], [sflag:s4] =	dma.local [hbm:s3], $0xF7A  }
0x26: {  	[smem:$0x3F9F] =	sst s1;
	(tag) =	ssettag s2;
	_ =	strace s9  }
0x27: {  	s1 =	sld [smem:$0x3FAF]  }
0x28: {  	s2 =	sld [smem:$0x3FB0]  }
0x29: {  	s4 =	sld [smem:$0x3FB2]  }
0x2a: {  	p0 =	seq.s32 s5, $0x0;
	s5 =	sld [smem:$0x3FB3]  }
0x2b: {  	s6 =	sld [smem:$0x3FB4]  }
0x2c: {  	s7 =	sld [smem:$0x3FB5]  }
0x2d: {  	s3 =	simm.s32 $0x108;
	s8 =	sld [smem:$0x3FB6]  }
0x2e: {  	s3 =	simm.s32 @!p0 $0x1082;
	s9 =	sld [smem:$0x3FB7]  }
0x2f: {  	lr =	sadd.s32 s0, s3;
	s0 =	sld [smem:$0x3FAE]  }
0x30: {  	s3 =	sld [smem:$0x3FB1]  }
0x31: {  	[smem:$0x3FBA] =	sst s10  }
0x32: {  	s10 =	sld [smem:$0x3FB8];
	_ =	sdelay $0x3  }
0x33: {  	p0 =	seq.s32 s10, $0x1;
	s10 =	sld [smem:$0x3FBA];
	_ =	sdelay $0x3  }
0x34: {  	[smem:$0x3FBA] =	sst s10  }
0x35: {  	s10 =	sld [smem:$0x3FB9];
	_ =	sdelay $0x3  }
0x36: {  	p1 =	seq.s32 s10, $0x1;
	s10 =	sld [smem:$0x3FBA];
	_ =	sdelay $0x3  }
0x37: {  	[smem:$0x3FBA] =	sst s10  }
0x38: {  	s10 =	sld [smem:$0x3FBB]  }
0x39: {  	_ = 	snop;
	(pc) =	sbr.ind lr, $3  }
0x3a: {  	_ = 	snop  }
0x3b: {  	_ = 	snop  }
0x3c: {  	p2 =	seq.s32 s10, $0x1;
	s10 =	sld [smem:$0x3FBA]  }
0x3d: {  	_ =	shalt  }
0x3e: {  	_ =	shalt  }
0x3f: {  	_ =	shalt  }
0x40: {  	_ =	shalt  }
0x41: {  	_ =	shalt  }
0x42: {  	_ =	shalt  }
0x43: {  	_ =	shalt  }
0x44: {  	_ =	shalt  }
0x45: {  	_ =	shalt  }
0x46: {  	_ =	shalt  }
0x47: {  	_ =	shalt  }
0x48: {  	_ =	shalt  }
0x49: {  	_ =	shalt  }
0x4a: {  	_ =	shalt  }
0x4b: {  	_ =	shalt  }
0x4c: {  	_ =	shalt  }
0x4d: {  	_ =	shalt  }
0x4e: {  	_ =	shalt  }
0x4f: {  	_ =	shalt  }
0x50: {  	_ =	shalt  }
0x51: {  	_ =	shalt  }
0x52: {  	_ =	shalt  }
0x53: {  	_ =	shalt  }
0x54: {  	_ =	shalt  }
0x55: {  	_ =	shalt  }
0x56: {  	_ =	shalt  }
0x57: {  	_ =	shalt  }
0x58: {  	_ =	shalt  }
0x59: {  	_ =	shalt  }
0x5a: {  	_ =	shalt  }
0x5b: {  	_ =	shalt  }
0x5c: {  	_ =	shalt  }
0x5d: {  	_ =	shalt  }
0x5e: {  	_ =	shalt  }
0x5f: {  	_ =	shalt  }
0x60: {  	_ =	shalt  }
0x61: {  	_ =	shalt  }
0x62: {  	_ =	shalt  }
0x63: {  	_ =	shalt  }
0x64: {  	_ =	shalt  }
0x65: {  	_ =	shalt  }
0x66: {  	_ =	shalt  }
0x67: {  	_ =	shalt  }
0x68: {  	_ =	shalt  }
0x69: {  	_ =	shalt  }
0x6a: {  	_ =	shalt  }
0x6b: {  	_ =	shalt  }
0x6c: {  	_ =	shalt  }
0x6d: {  	_ =	shalt  }
0x6e: {  	_ =	shalt  }
0x6f: {  	_ =	shalt  }
0x70: {  	_ =	shalt  }
0x71: {  	_ =	shalt  }
0x72: {  	_ =	shalt  }
0x73: {  	_ =	shalt  }
0x74: {  	_ =	shalt  }
0x75: {  	_ =	shalt  }
0x76: {  	_ =	shalt  }
0x77: {  	_ =	shalt  }
0x78: {  	_ =	shalt  }
0x79: {  	_ =	shalt  }
0x7a: {  	_ =	shalt  }
0x7b: {  	_ =	shalt  }
0x7c: {  	_ =	shalt  }
0x7d: {  	_ =	shalt  }
0x7e: {  	_ =	shalt  }
0x7f: {  	_ =	shalt  }
0x80: {  	_ =	shalt  }
0x81: {  	_ =	shalt  }
0x82: {  	_ =	shalt  }
0x83: {  	_ =	shalt  }
0x84: {  	_ =	shalt  }
0x85: {  	_ =	shalt  }
0x86: {  	_ =	shalt  }
0x87: {  	_ =	shalt  }
.Lfunc_end0:
.L_simem_size_0:
called_computation.1_lowered:
.L_overlay_start_0:
0x88: {  	s2 =	sld [smem:$0x3FD9]  }
0x89: {  	s3 =	sld [smem:$0x3FFE];
	_ =	sdelay $0x1  }
0x8a: {  	s1 =	srdreg.scid  }
0x8b: {  	s0 =	sand.u32 $0x1, s1  }
0x8c: {  	s17 =	sshll.u32 s0, $0xA;
	s2 =	sadd.s32 s3, s2  }
0x8d: {  	s2 =	sadd.s32 s2, s17  }
0x8e: {  	[smem:$0x3FC6] =	sst s2  }
0x8f: {  	_ = 	snop  }
0x90: {  	s2 =	sld [smem:$0x3FD0];
	(tm) =	ssettm $0x1  }
0x91: {  	s18 =	sld [smem:$0x3FFB];
	_ =	sdelay $0x3  }
0x92: {  	_ =	strace s18  }
0x93: {  	s3 =	sld [smem:$0x3FFC];
	_ =	sdelay $0x3  }
0x94: {  	_ =	strace s3  }
0x95: {  	s3 =	sld [smem:$0x3FFD];
	_ =	sdelay $0x3  }
0x96: {  	_ =	strace s3  }
0x97: {  	_ =	strace $0x8FFFFFFF  }
0x98: {  	s19 =	sld [smem:$0x3FDB];
	_ =	sdelay $0x1  }
0x99: {  	s4 =	simm.s32 $_scs_section_size  }
0x9a: {  	s5 =	simm.s32 $_size__tile_overlayer_lowered;
	s6 =	simm.s32 $_tile_overlayer_lowered  }
0x9b: {  	s22 =	simm.s32 $0x1BFF;
	s21 =	sshll.u32 s6, $0x1;
	s3 =	sadd.s32 s4, s19  }
0x9c: {  	s7 =	simm.s32 $0x0;
	s20 =	sshll.u32 s5, $0x1;
	s5 =	sadd.s32 s21, s3  }
0x9d: {  	[timem:s7], [sflag:s22] =	dma.local [hbm:s5], s20  }
0x9e: {  	_ =	swait.ge [sflag:s22], s20  }
0x9f: {  	s4 =	ssub.s32 $0x0, s20;
	[sflag:s22] =	ssyncset.done $0x0  }
0xa0: {  	[sflag:s22] =	ssyncadd.s32 s4;
	_ =	sdelay $0x1  }
0xa1: {  	s23 =	simm.s32 $0x1B8B  }
0xa2: {  	_ =	swait.ge [sflag:s23], $0x1  }
0xa3: {  	[sflag:s23] =	ssyncset.done $0x0  }
0xa4: {  	s25 =	simm.s32 $0x1B8E;
	s24 =	sld [smem:$0x3FFE];
	[sflag:s23] =	ssyncadd.s32 $0xFFFFFFFF  }
0xa5: {  	s26 =	simm.s32 $execute0_lowered;
	[smem:$0x3FD2] =	sst s25  }
0xa6: {  	s5 =	sshll.u32 s26, $0x1;
	_ =	strace $0x80000049;
	[dreg:$0x1] =	wrdreg $0xFFFFFFFF  }
0xa7: {  	s28 =	simm.s32 $_size_execute0_lowered;
	s3 =	sadd.s32 s3, s5;
	[dreg:$0x0] =	wrdreg $0x0  }
0xa8: {  	s5 =	sshll.u32 s28, $0x1;
	[dreg:$0x2] =	wrdreg s3  }
0xa9: {  	[dreg:$0x3] =	wrdreg s5  }
0xaa: {  	[dreg:$0x4] =	wrdreg $0xC0  }
0xab: {  	_ =	task [dreg:s7], $0x5FFFF  }
0xac: {  	[dreg:$0x1] =	wrdreg $0xFFFFFFFF  }
0xad: {  	[dreg:$0x0] =	wrdreg $0x60  }
0xae: {  	[dreg:$0x2] =	wrdreg s24  }
0xaf: {  	[dreg:$0x3] =	wrdreg s2  }
0xb0: {  	[dreg:$0x4] =	wrdreg $0x9  }
0xb1: {  	_ =	task.clear_ibuf [dreg:s7], $0x5FFFF;
	_ =	strace $0x90000049  }
0xb2: {  	s29 =	simm.s32 $0x9;
	_ =	strace $0x8000004B  }
0xb3: {  	_ =	swait.ge [sflag:s29], $0x1  }
0xb4: {  	[sflag:s29] =	ssyncadd.s32 $0xFFFFFFFF  }
0xb5: {  	_ =	strace $0x9000004B  }
0xb6: {  	_ =	sfence  }
0xb7: {  	s30 =	sld [smem:$0x0];
	_ =	sdelay $0x2  }
0xb8: {  	s31 =	sshll.u32 s1, $0xD;
	s1 =	sshrl.u32 s1, $0x2  }
0xb9: {  	s3 =	sand.u32 $0x4000, s31;
	s1 =	sadd.s32 s1, s30  }
0xba: {  	s0 =	sor.u32 s3, s0;
	s1 =	sshll.u32 s1, $0x11  }
0xbb: {  	s0 =	sor.u32 s1, s0  }
0xbc: {  	s0 =	sadd.s32 $0x8F2B, s0  }
0xbd: {  	[sflag:s0] =	ssyncadd.remote.s32 $0x1  }
0xbe: {  	_ =	sfence.sel $0xFFFF  }
0xbf: {  	[dreg:$0x0] =	wrdreg $0xFFFFFFFF;
	(pc) =	sbr.abs _section_cstart, $3  }
0xc0: {  	[dreg:$0x1] =	wrdreg $0xFFFFFFFF  }
0xc1: {  	_ =	task.clear_ibuf [dreg:s7], $0x2FFFF;
	_ =	strace $0x9FFFFFFF  }
0xc2: {  	(tm) =	ssettm $0x7FFFFFFF  }
0xc3: {  	_ =	shalt  }
tec
execute0_lowered:
.L_overlay_start_1:
0x0: {  	(tag) =	ssettag $0x1  }
0x1: {  	s0 =	rddreg [dreg:$0x0]  }
0x2: {  	s9 =	rddreg [dreg:$0x1];
	s3 =	srdreg.scid;
	s2 =	simm.s32 $0x0  }
0x3: {  	s1 =	stileid.u32;
	s12 =	simm.s32 $0x1;
	s13 =	simm.s32 $0x80  }
0x4: {  	s14 =	simm.s32 $0x100;
	s15 =	simm.s32 $0x300;
	s16 =	simm.s32 $0x2  }
0x5: {  	s17 =	simm.s32 $0x180;
	s18 =	simm.s32 $0x4300;
	s19 =	simm.s32 $0x3  }
0x6: {  	s20 =	simm.s32 $0x8300;
	s21 =	simm.s32 $0x400;
	s22 =	simm.s32 $0x8000  }
0x7: {  	s23 =	simm.s32 $0x6;
	s24 =	simm.s32 $0x4;
	s25 =	simm.s32 $0xA300  }
0x8: {  	s26 =	simm.s32 $0x5;
	s28 =	simm.s32 $0x0;
	s3 =	sand.u32 $0x1, s3  }
0x9: {  	v0 =	vlaneseq.u32;
	[smem:$0x7FF] =	sst s2;
	s4 =	sshll.u32 s1, $0x8;
	s5 =	sshll.u32 s3, $0x7  }
0xa: {  	v1 =	vmul.u32 $0x80, v0;
	v9 =	vor.u32 $0x10, v0;
	v10 =	vor.u32 $0x20, v0;
	_ =	strace $0x8000004A;
	s6 =	ssub.s32 $0x2, s3;
	s3 =	sor.u32 s5, s4  }
0xb: {  	v11 =	vor.u32 $0x30, v0;
	v12 =	vor.u32 $0x40, v0;
	v13 =	vor.u32 $0x50, v0;
	s4 =	sadd.s32 $0x7A1C00, s0;
	s7 =	sshrl.u32 s6, $0x1;
	s5 =	sadd.s32 $0xA00, s0  }
0xc: {  	v14 =	vor.u32 $0x60, v0;
	v15 =	vor.u32 $0x70, v0;
	v2 =	vor.u32 $0x800, v1;
	s8 =	sshrl.u32 s3, $0x3;
	s11 =	ssub.s32 s6, s7;
	s7 =	sor.u32 $0x2000, s3  }
0xd: {  	v3 =	vor.u32 $0x1000, v1;
	v4 =	vor.u32 $0x1800, v1;
	v5 =	vor.u32 $0x2000, v1;
	s9 =	sadd.s32 s9, s3;
	s31 =	sadd.s32 s4, s8;
	s8 =	sadd.s32 $0x7A1E00, s0  }
0xe: {  	v6 =	vor.u32 $0x2800, v1;
	v7 =	vor.u32 $0x3000, v1;
	v8 =	vor.u32 $0x3800, v1;
	s10 =	sadd.s32 $0x638000, s9;
	s11 =	smax.u32 s11, $0x1;
	[dreg:$0x3] =	wrdreg s31  }
.LBB2_1:
0xf: {  	s0 =	rddreg [dreg:$0x3];
	s29 =	simm.s32 $0x0  }
0x10: {  	[tilespmem:s2], [sflag:$0x1] =	stream.linear.gather [hbm4b:s0+s2], $0x80, $0x38;
	[tilespmem:$0xC300] =	vst v63  }
.LBB2_2:
0x11: {  	_ =	swait.ge [sflag:s12], $0x80  }
0x12: {  	[sflag:s12] =	ssyncset.done $0x0  }
0x13: {  	[sflag:s12] =	ssyncadd.s32 $0xFFFFFF80  }
0x14: {  	v16 =	vld [tilespmem:$0x0];
	_ =	sdelay $0x1  }
0x15: {  	v17 =	vld [tilespmem:$0x10];
	_ =	sdelay $0x1  }
0x16: {  	v18 =	vld [tilespmem:$0x20]  }
0x17: {  	v19 =	vshrl.u32 v16, $0x1;
	v16 =	vshll.u32 v16, $0x6  }
0x18: {  	v60 =	vld [tilespmem:$0x30];
	[tilespmem:$0x100] =	vst v19;
	v16 =	vand.u32 $0x40, v16  }
0x19: {  	[tilespmem:$0x200] =	vst v16;
	v16 =	vshrl.u32 v17, $0x1;
	v17 =	vshll.u32 v17, $0x6  }
0x1a: {  	[tilespmem:$0x110] =	vst v16;
	v16 =	vand.u32 $0x40, v17;
	v17 =	vld [tilespmem:$0x40]  }
0x1b: {  	[tilespmem:$0x210] =	vst v16;
	v16 =	vshrl.u32 v18, $0x1;
	v18 =	vshll.u32 v18, $0x6  }
0x1c: {  	v61 =	vld [tilespmem:$0x50];
	[tilespmem:$0x120] =	vst v16;
	v16 =	vand.u32 $0x40, v18  }
0x1d: {  	v19 =	vshll.u32 v60, $0x6;
	[tilespmem:$0x220] =	vst v16;
	v16 =	vshrl.u32 v60, $0x1  }
0x1e: {  	v62 =	vld [tilespmem:$0x60];
	[tilespmem:$0x130] =	vst v16;
	v16 =	vand.u32 $0x40, v19  }
0x1f: {  	[tilespmem:$0x230] =	vst v16;
	v16 =	vshrl.u32 v17, $0x1;
	v17 =	vshll.u32 v17, $0x6  }
0x20: {  	[tilespmem:$0x140] =	vst v16;
	v16 =	vand.u32 $0x40, v17;
	v17 =	vld [tilespmem:$0x70]  }
0x21: {  	v18 =	vshll.u32 v61, $0x6;
	[tilespmem:$0x240] =	vst v16;
	v16 =	vshrl.u32 v61, $0x1  }
0x22: {  	[tilespmem:$0x150] =	vst v16;
	v16 =	vand.u32 $0x40, v18  }
0x23: {  	v63 =	vshll.u32 v62, $0x6;
	[tilespmem:$0x250] =	vst v16;
	v16 =	vshrl.u32 v62, $0x1  }
0x24: {  	[tilespmem:$0x160] =	vst v16;
	v16 =	vand.u32 $0x40, v63  }
0x25: {  	s30 =	sshll.u32 s29, $0xD;
	p0 =	seq.s32 s29, $0x0;
	[tilespmem:$0x260] =	vst v16;
	v16 =	vshrl.u32 v17, $0x1;
	v17 =	vshll.u32 v17, $0x6  }
.Ltmp0:
0x26: {  	s0 =	sor.u32 s3, s30;
	[tilespmem:$0x170] =	vst v16;
	v16 =	vand.u32 $0x40, v17;
	(pc) =	sbr.rel @p0 .LBB2_6-.Ltmp0, $4  }
0x27: {  	s0 =	sshrl.u32 s0, $0x3;
	[tilespmem:$0x270] =	vst v16  }
0x28: {  	[tilespmem:s15], [sflag:$0x3] =	stream.indirect.gather [hbm4b:s5+s13], $0x80, s14, s13, $0xb8;
	[tilespmem:$0xC300] =	vst v63  }
0x29: {  	s0 =	sadd.s32 s0, s8  }
0x2a: {  	[tilespmem:s13], [sflag:$0x2] =	stream.linear.gather [hbm4b:s0+s2], $0x80, $0x38;
	[tilespmem:$0xC300] =	vst v63  }
0x2b: {  	p0 =	seq.s32 s29, $0x1  }
0x2c: {  	s0 =	simm.s32 @!p0 $0x6  }
0x2d: {  	_ =	swait.ge @!p0 [sflag:s0], $0x2000  }
0x2e: {  	[sflag:s0] =	ssyncset.done @!p0 $0x0  }
0x2f: {  	[sflag:s0] =	ssyncadd.s32 @!p0 $0xFFFFE000  }
0x30: {  	_ =	swait.ge [sflag:s24], $0x4000  }
0x31: {  	[sflag:s24] =	ssyncset.done $0x0  }
0x32: {  	[sflag:s24] =	ssyncadd.s32 $0xFFFFC000  }
0x33: {  	v21 =	vld [tilespmem:$0x280]  }
0x34: {  	v20 =	vld [tilespmem:$0x290]  }
0x35: {  	v18 =	vld [tilespmem:$0x2A0]  }
0x36: {  	s1 =	simm.s32 $0x0;
	v17 =	vld [tilespmem:$0x2B0]  }
0x37: {  	v24 =	vadd.s32 s1, v0;
	v16 =	vld [tilespmem:$0x2D0]  }
0x38: {  	v22 =	vld [tilespmem:$0x2C0];
	v23 =	vadd.s32 v21, v24  }
0x39: {  	v19 =	vld [tilespmem:$0x2E0];
	v25 =	vadd.s32 v20, v24;
	v26 =	vadd.s32 v1, v23  }
0x3a: {  	v27 =	vadd.s32 v18, v24;
	v23 =	vld [tilespmem:$0x2F0];
	v25 =	vadd.s32 v2, v25  }
0x3b: {  	v28 =	vadd.s32 v17, v24;
	v27 =	vadd.s32 v3, v27  }
0x3c: {  	v29 =	vadd.s32 v16, v24;
	v28 =	vadd.s32 v4, v28  }
0x3d: {  	v30 =	vadd.s32 v22, v24;
	v29 =	vadd.s32 v6, v29  }
0x3e: {  	v31 =	vadd.s32 v19, v24;
	v30 =	vadd.s32 v5, v30;
	v26 =	vld.idx.msk [tilespmem:v26+s18+$0x0], $0xffff  }
0x3f: {  	v31 =	vadd.s32 v7, v31;
	v32 =	vadd.s32 v23, v24;
	v25 =	vld.idx.msk [tilespmem:v25+s18+$0x0], $0xffff;
	v24 =	vshll.u32 v24, $0x7  }
0x40: {  	v27 =	vld.idx.msk [tilespmem:v27+s18+$0x0], $0xffff;
	v32 =	vadd.s32 v8, v32;
	v33 =	vor.u32 v0, v24  }
0x41: {  	v28 =	vld.idx.msk [tilespmem:v28+s18+$0x0], $0xffff;
	v34 =	vor.u32 v9, v24  }
0x42: {  	v29 =	vld.idx.msk [tilespmem:v29+s18+$0x0], $0xffff;
	v35 =	vor.u32 v10, v24  }
0x43: {  	v30 =	vld.idx.msk [tilespmem:v30+s18+$0x0], $0xffff;
	v36 =	vor.u32 v11, v24  }
0x44: {  	s6 =	simm.s32 $0x20;
	v31 =	vld.idx.msk [tilespmem:v31+s18+$0x0], $0xffff;
	v37 =	vor.u32 v12, v24  }
0x45: {  	v62 =	vadd.s32 s6, v0;
	v32 =	vld.idx.msk [tilespmem:v32+s18+$0x0], $0xffff;
	[tilespmem:v33+s25+$0x0] =	vst.idx.msk $0xffff, v26;
	v26 =	vor.u32 v13, v24  }
0x46: {  	v33 =	vand.u32 $0x3F, v62;
	[tilespmem:v34+s25+$0x0] =	vst.idx.msk $0xffff, v25;
	v25 =	vor.u32 v14, v24  }
0x47: {  	v24 =	vor.u32 v15, v24;
	[tilespmem:v35+s25+$0x0] =	vst.idx.msk $0xffff, v27;
	v27 =	vadd.s32 v21, v33  }
0x48: {  	[tilespmem:v36+s25+$0x0] =	vst.idx.msk $0xffff, v28;
	v27 =	vadd.s32 v1, v27;
	v28 =	vadd.s32 v22, v33  }
0x49: {  	[tilespmem:v37+s25+$0x0] =	vst.idx.msk $0xffff, v30;
	v28 =	vadd.s32 v5, v28;
	v30 =	vadd.s32 v23, v33  }
0x4a: {  	[tilespmem:v26+s25+$0x0] =	vst.idx.msk $0xffff, v29;
	v26 =	vadd.s32 v20, v33;
	v30 =	vadd.s32 v8, v30  }
0x4b: {  	[tilespmem:v25+s25+$0x0] =	vst.idx.msk $0xffff, v31;
	v63 =	vadd.s32 v2, v26;
	v25 =	vadd.s32 v18, v33  }
0x4c: {  	[tilespmem:v24+s25+$0x0] =	vst.idx.msk $0xffff, v32;
	v24 =	vadd.s32 v3, v25;
	v25 =	vadd.s32 v17, v33  }
0x4d: {  	v31 =	vld.idx.msk [tilespmem:v27+s18+$0x0], $0xffff;
	v41 =	vadd.s32 v4, v25;
	v25 =	vadd.s32 v19, v33  }
0x4e: {  	s31 =	simm.s32 $0x1;
	v26 =	vadd.s32 v16, v33;
	v27 =	vshll.u32 v33, $0x7;
	v28 =	vld.idx.msk [tilespmem:v28+s18+$0x0], $0xffff;
	v36 =	vadd.s32 v7, v25  }
0x4f: {  	v35 =	vadd.s32 v6, v26;
	v33 =	vadd.s32 s31, v0;
	v29 =	vor.u32 v11, v27;
	v25 =	vld.idx.msk [tilespmem:v30+s18+$0x0], $0xffff  }
0x50: {  	v26 =	vor.u32 v15, v27;
	v38 =	vor.u32 v0, v27;
	v32 =	vor.u32 v13, v27;
	v34 =	vld.idx.msk [tilespmem:v63+s18+$0x0], $0xffff  }
0x51: {  	v40 =	vor.u32 v9, v27;
	v39 =	vor.u32 v10, v27;
	v43 =	vadd.s32 v21, v33;
	v37 =	vld.idx.msk [tilespmem:v24+s18+$0x0], $0xffff  }
0x52: {  	s0 =	simm.s32 $0x2;
	v42 =	vadd.s32 v20, v33;
	v30 =	vor.u32 v14, v27;
	v24 =	vshll.u32 v33, $0x7;
	v41 =	vld.idx.msk [tilespmem:v41+s18+$0x0], $0xffff  }
.LBB2_4:
0x53: {  	p0 =	sne.s32 s0, $0x1F;
	v43 =	vadd.s32 v1, v43;
	v44 =	vadd.s32 v18, v33;
	v45 =	vadd.s32 v16, v33;
	v36 =	vld.idx.msk [tilespmem:v36+s18+$0x0], $0xffff;
	s1 =	smov.u32 s0;
	s0 =	sadd.s32 $0x1, s0  }
0x54: {  	v42 =	vadd.s32 v2, v42;
	v27 =	vor.u32 v12, v27;
	v44 =	vadd.s32 v3, v44;
	v35 =	vld.idx.msk [tilespmem:v35+s18+$0x0], $0xffff  }
0x55: {  	v46 =	vadd.s32 v17, v33;
	v47 =	vadd.s32 v22, v33;
	[tilespmem:v38+s25+$0x0] =	vst.idx.msk $0xffff, v31  }
0x56: {  	v31 =	vadd.s32 v5, v47;
	v38 =	vadd.s32 v19, v33;
	[tilespmem:v40+s25+$0x0] =	vst.idx.msk $0xffff, v34  }
0x57: {  	v33 =	vadd.s32 v23, v33;
	v34 =	vadd.s32 v7, v38;
	[tilespmem:v39+s25+$0x0] =	vst.idx.msk $0xffff, v37  }
0x58: {  	v33 =	vadd.s32 v8, v33;
	v37 =	vadd.s32 v4, v46;
	[tilespmem:v29+s25+$0x0] =	vst.idx.msk $0xffff, v41  }
0x59: {  	v29 =	vadd.s32 v6, v45;
	[tilespmem:v27+s25+$0x0] =	vst.idx.msk $0xffff, v28  }
0x5a: {  	[tilespmem:v32+s25+$0x0] =	vst.idx.msk $0xffff, v35  }
0x5b: {  	[tilespmem:v30+s25+$0x0] =	vst.idx.msk $0xffff, v36  }
0x5c: {  	[tilespmem:v26+s25+$0x0] =	vst.idx.msk $0xffff, v25  }
0x5d: {  	v25 =	vld.idx.msk [tilespmem:v43+s18+$0x0], $0xffff  }
0x5e: {  	v26 =	vld.idx.msk [tilespmem:v42+s18+$0x0], $0xffff  }
0x5f: {  	v27 =	vld.idx.msk [tilespmem:v44+s18+$0x0], $0xffff  }
0x60: {  	v30 =	vor.u32 v0, v24;
	v28 =	vld.idx.msk [tilespmem:v37+s18+$0x0], $0xffff  }
0x61: {  	v32 =	vor.u32 v9, v24;
	v29 =	vld.idx.msk [tilespmem:v29+s18+$0x0], $0xffff  }
0x62: {  	v35 =	vor.u32 v10, v24;
	v31 =	vld.idx.msk [tilespmem:v31+s18+$0x0], $0xffff  }
0x63: {  	v36 =	vor.u32 v11, v24;
	v34 =	vld.idx.msk [tilespmem:v34+s18+$0x0], $0xffff  }
0x64: {  	s6 =	sadd.s32 $0x20, s31;
	s31 =	smov.u32 s1;
	v37 =	vor.u32 v12, v24;
	v33 =	vld.idx.msk [tilespmem:v33+s18+$0x0], $0xffff  }
0x65: {  	[tilespmem:v30+s25+$0x0] =	vst.idx.msk $0xffff, v25;
	v25 =	vor.u32 v13, v24;
	v30 =	vadd.s32 s6, v0  }
0x66: {  	[tilespmem:v32+s25+$0x0] =	vst.idx.msk $0xffff, v26;
	v26 =	vor.u32 v14, v24;
	v30 =	vand.u32 $0x3F, v30  }
0x67: {  	v24 =	vor.u32 v15, v24;
	[tilespmem:v35+s25+$0x0] =	vst.idx.msk $0xffff, v27;
	v32 =	vadd.s32 v21, v30;
	v27 =	vshll.u32 v30, $0x7  }
0x68: {  	[tilespmem:v36+s25+$0x0] =	vst.idx.msk $0xffff, v28;
	v28 =	vadd.s32 v1, v32;
	v32 =	vadd.s32 v22, v30  }
0x69: {  	[tilespmem:v37+s25+$0x0] =	vst.idx.msk $0xffff, v31;
	v32 =	vadd.s32 v5, v32;
	v31 =	vadd.s32 v23, v30  }
0x6a: {  	[tilespmem:v25+s25+$0x0] =	vst.idx.msk $0xffff, v29;
	v25 =	vadd.s32 v20, v30;
	v37 =	vadd.s32 v8, v31  }
0x6b: {  	[tilespmem:v26+s25+$0x0] =	vst.idx.msk $0xffff, v34;
	v34 =	vadd.s32 v2, v25;
	v25 =	vadd.s32 v18, v30  }
0x6c: {  	[tilespmem:v24+s25+$0x0] =	vst.idx.msk $0xffff, v33;
	v24 =	vadd.s32 v3, v25;
	v25 =	vadd.s32 v17, v30  }
0x6d: {  	v26 =	vadd.s32 v19, v30;
	v31 =	vld.idx.msk [tilespmem:v28+s18+$0x0], $0xffff;
	v41 =	vadd.s32 v4, v25;
	v25 =	vadd.s32 v16, v30  }
.Ltmp1:
0x6e: {  	v29 =	vor.u32 v11, v27;
	v36 =	vadd.s32 v7, v26;
	v28 =	vld.idx.msk [tilespmem:v32+s18+$0x0], $0xffff;
	(pc) =	sbr.rel @p0 .LBB2_4-.Ltmp1, $4  }
0x6f: {  	v26 =	vor.u32 v15, v27;
	v35 =	vadd.s32 v6, v25;
	v25 =	vld.idx.msk [tilespmem:v37+s18+$0x0], $0xffff  }
0x70: {  	v38 =	vor.u32 v0, v27;
	v30 =	vor.u32 v14, v27;
	v32 =	vor.u32 v13, v27;
	v34 =	vld.idx.msk [tilespmem:v34+s18+$0x0], $0xffff  }
0x71: {  	v40 =	vor.u32 v9, v27;
	v39 =	vor.u32 v10, v27;
	v33 =	vadd.s32 s31, v0;
	v37 =	vld.idx.msk [tilespmem:v24+s18+$0x0], $0xffff  }
0x72: {  	v43 =	vadd.s32 v21, v33;
	v42 =	vadd.s32 v20, v33;
	v24 =	vshll.u32 v33, $0x7;
	v41 =	vld.idx.msk [tilespmem:v41+s18+$0x0], $0xffff  }
0x73: {  	_ =	sdelay $0x3  }
0x74: {  	v36 =	vld.idx.msk [tilespmem:v36+s18+$0x0], $0xffff;
	v27 =	vor.u32 v12, v27  }
0x75: {  	v35 =	vld.idx.msk [tilespmem:v35+s18+$0x0], $0xffff;
	[tilespmem:v38+s25+$0x0] =	vst.idx.msk $0xffff, v31  }
0x76: {  	[tilespmem:v40+s25+$0x0] =	vst.idx.msk $0xffff, v34  }
0x77: {  	[tilespmem:v39+s25+$0x0] =	vst.idx.msk $0xffff, v37  }
0x78: {  	v59 =	vadd.s32 v1, v43;
	[tilespmem:v29+s25+$0x0] =	vst.idx.msk $0xffff, v41  }
0x79: {  	v60 =	vadd.s32 v18, v33;
	v61 =	vadd.s32 v2, v42;
	[tilespmem:v27+s25+$0x0] =	vst.idx.msk $0xffff, v28  }
0x7a: {  	v62 =	vadd.s32 v3, v60;
	v37 =	vadd.s32 v22, v33;
	[tilespmem:v32+s25+$0x0] =	vst.idx.msk $0xffff, v35  }
0x7b: {  	v63 =	vadd.s32 v17, v33;
	v38 =	vadd.s32 v5, v37;
	[tilespmem:v30+s25+$0x0] =	vst.idx.msk $0xffff, v36  }
0x7c: {  	v41 =	vadd.s32 v23, v33;
	v28 =	vadd.s32 v4, v63;
	[tilespmem:v26+s25+$0x0] =	vst.idx.msk $0xffff, v25  }
0x7d: {  	v31 =	vadd.s32 v8, v41;
	v35 =	vadd.s32 v16, v33;
	v40 =	vld.idx.msk [tilespmem:v59+s18+$0x0], $0xffff  }
0x7e: {  	v39 =	vadd.s32 v19, v33;
	v29 =	vadd.s32 v6, v35;
	v32 =	vld.idx.msk [tilespmem:v61+s18+$0x0], $0xffff  }
0x7f: {  	v42 =	vor.u32 v0, v24;
	v26 =	vadd.s32 v7, v39;
	v27 =	vld.idx.msk [tilespmem:v62+s18+$0x0], $0xffff  }
0x80: {  	v43 =	vor.u32 v9, v24;
	v25 =	vld.idx.msk [tilespmem:v38+s18+$0x0], $0xffff  }
0x81: {  	v44 =	vor.u32 v10, v24;
	v28 =	vld.idx.msk [tilespmem:v28+s18+$0x0], $0xffff  }
0x82: {  	v45 =	vor.u32 v11, v24;
	v31 =	vld.idx.msk [tilespmem:v31+s18+$0x0], $0xffff  }
0x83: {  	v46 =	vor.u32 v12, v24;
	s0 =	sadd.s32 $0x20, s31;
	v29 =	vld.idx.msk [tilespmem:v29+s18+$0x0], $0xffff  }
0x84: {  	v47 =	vor.u32 v13, v24;
	v48 =	vadd.s32 s0, v0;
	v26 =	vld.idx.msk [tilespmem:v26+s18+$0x0], $0xffff;
	[tilespmem:v42+s25+$0x0] =	vst.idx.msk $0xffff, v40  }
0x85: {  	v49 =	vor.u32 v14, v24;
	v33 =	vand.u32 $0x3F, v48;
	[tilespmem:v43+s25+$0x0] =	vst.idx.msk $0xffff, v32  }
0x86: {  	v50 =	vor.u32 v15, v24;
	v21 =	vadd.s32 v21, v33;
	[tilespmem:v44+s25+$0x0] =	vst.idx.msk $0xffff, v27  }
0x87: {  	v51 =	vadd.s32 v22, v33;
	v21 =	vadd.s32 v1, v21;
	[tilespmem:v45+s25+$0x0] =	vst.idx.msk $0xffff, v28  }
0x88: {  	v52 =	vadd.s32 v23, v33;
	v22 =	vadd.s32 v5, v51;
	[tilespmem:v46+s25+$0x0] =	vst.idx.msk $0xffff, v25  }
0x89: {  	v20 =	vadd.s32 v20, v33;
	v23 =	vadd.s32 v8, v52;
	[tilespmem:v47+s25+$0x0] =	vst.idx.msk $0xffff, v29  }
0x8a: {  	v53 =	vadd.s32 v18, v33;
	v20 =	vadd.s32 v2, v20;
	[tilespmem:v49+s25+$0x0] =	vst.idx.msk $0xffff, v26  }
0x8b: {  	v17 =	vadd.s32 v17, v33;
	v18 =	vadd.s32 v3, v53;
	[tilespmem:v50+s25+$0x0] =	vst.idx.msk $0xffff, v31  }
0x8c: {  	v54 =	vadd.s32 v19, v33;
	v17 =	vadd.s32 v4, v17;
	v21 =	vld.idx.msk [tilespmem:v21+s18+$0x0], $0xffff  }
0x8d: {  	v16 =	vadd.s32 v16, v33;
	v55 =	vshll.u32 v33, $0x7;
	v19 =	vadd.s32 v7, v54;
	v22 =	vld.idx.msk [tilespmem:v22+s18+$0x0], $0xffff  }
0x8e: {  	v16 =	vadd.s32 v6, v16;
	v56 =	vor.u32 v0, v55;
	v23 =	vld.idx.msk [tilespmem:v23+s18+$0x0], $0xffff  }
0x8f: {  	v57 =	vor.u32 v9, v55;
	v20 =	vld.idx.msk [tilespmem:v20+s18+$0x0], $0xffff  }
0x90: {  	v58 =	vor.u32 v10, v55;
	v18 =	vld.idx.msk [tilespmem:v18+s18+$0x0], $0xffff  }
0x91: {  	v59 =	vor.u32 v11, v55;
	v17 =	vld.idx.msk [tilespmem:v17+s18+$0x0], $0xffff  }
0x92: {  	v60 =	vor.u32 v12, v55;
	v19 =	vld.idx.msk [tilespmem:v19+s18+$0x0], $0xffff  }
0x93: {  	v61 =	vor.u32 v13, v55;
	v16 =	vld.idx.msk [tilespmem:v16+s18+$0x0], $0xffff;
	[tilespmem:v56+s25+$0x0] =	vst.idx.msk $0xffff, v21  }
0x94: {  	v62 =	vor.u32 v14, v55;
	[tilespmem:v57+s25+$0x0] =	vst.idx.msk $0xffff, v20  }
0x95: {  	v63 =	vor.u32 v15, v55;
	[tilespmem:v58+s25+$0x0] =	vst.idx.msk $0xffff, v18  }
0x96: {  	[tilespmem:v59+s25+$0x0] =	vst.idx.msk $0xffff, v17  }
0x97: {  	s31 =	sshll.u32 s29, $0x13;
	[tilespmem:v60+s25+$0x0] =	vst.idx.msk $0xffff, v22  }
0x98: {  	s0 =	sadd.s32 $0xFFFC0000, s31;
	[tilespmem:v61+s25+$0x0] =	vst.idx.msk $0xffff, v16  }
0x99: {  	s0 =	sshrl.u32 s0, $0x3;
	[tilespmem:v62+s25+$0x0] =	vst.idx.msk $0xffff, v19  }
0x9a: {  	s0 =	sadd.s32 s0, s9;
	[tilespmem:v63+s25+$0x0] =	vst.idx.msk $0xffff, v23  }
0x9b: {  	[hbm4b:s0+s21] =	stream.strided.scatter [tilespmem:s25], [sflag:$0x6], $0x2000, s22, s21, $0x38;
	[tilespmem:$0xC300] =	vst v63  }
.LBB2_6:
0x9c: {  	_ =	swait.ge [sflag:s16], $0x80  }
0x9d: {  	[sflag:s16] =	ssyncset.done $0x0  }
0x9e: {  	[sflag:s16] =	ssyncadd.s32 $0xFFFFFF80  }
0x9f: {  	v16 =	vld [tilespmem:$0x80];
	_ =	sdelay $0x1  }
0xa0: {  	v17 =	vld [tilespmem:$0x90];
	_ =	sdelay $0x1  }
0xa1: {  	v18 =	vld [tilespmem:$0xA0]  }
0xa2: {  	v19 =	vshrl.u32 v16, $0x1;
	v16 =	vshll.u32 v16, $0x6  }
0xa3: {  	[tilespmem:$0x180] =	vst v19;
	v16 =	vand.u32 $0x40, v16;
	v19 =	vld [tilespmem:$0xB0]  }
0xa4: {  	[tilespmem:$0x280] =	vst v16;
	v16 =	vshrl.u32 v17, $0x1;
	v17 =	vshll.u32 v17, $0x6  }
0xa5: {  	[tilespmem:$0x190] =	vst v16;
	v16 =	vand.u32 $0x40, v17;
	v17 =	vld [tilespmem:$0xC0]  }
0xa6: {  	[tilespmem:$0x290] =	vst v16;
	v16 =	vshrl.u32 v18, $0x1;
	v18 =	vshll.u32 v18, $0x6  }
0xa7: {  	[tilespmem:$0x1A0] =	vst v16;
	v16 =	vand.u32 $0x40, v18;
	v18 =	vld [tilespmem:$0xD0]  }
0xa8: {  	[tilespmem:$0x2A0] =	vst v16;
	v16 =	vshrl.u32 v19, $0x1;
	v19 =	vshll.u32 v19, $0x6  }
0xa9: {  	[tilespmem:$0x1B0] =	vst v16;
	v16 =	vand.u32 $0x40, v19;
	v19 =	vld [tilespmem:$0xE0]  }
0xaa: {  	[tilespmem:$0x2B0] =	vst v16;
	v16 =	vshrl.u32 v17, $0x1;
	v17 =	vshll.u32 v17, $0x6  }
0xab: {  	[tilespmem:$0x1C0] =	vst v16;
	v16 =	vand.u32 $0x40, v17;
	v17 =	vld [tilespmem:$0xF0]  }
0xac: {  	[tilespmem:$0x2C0] =	vst v16;
	v16 =	vshrl.u32 v18, $0x1;
	v18 =	vshll.u32 v18, $0x6  }
0xad: {  	[tilespmem:$0x1D0] =	vst v16;
	v16 =	vand.u32 $0x40, v18  }
0xae: {  	[tilespmem:$0x2D0] =	vst v16;
	v16 =	vshrl.u32 v19, $0x1;
	v18 =	vshll.u32 v19, $0x6  }
0xaf: {  	[tilespmem:$0x1E0] =	vst v16;
	v16 =	vand.u32 $0x40, v18  }
0xb0: {  	p0 =	seq.s32 s29, $0x63;
	[tilespmem:$0x2E0] =	vst v16;
	v16 =	vshrl.u32 v17, $0x1;
	v17 =	vshll.u32 v17, $0x6  }
0xb1: {  	s0 =	sadd.s32 @!p0 s7, s30;
	[tilespmem:$0x1F0] =	vst v16;
	v16 =	vand.u32 $0x40, v17  }
0xb2: {  	s0 =	sshrl.u32 @!p0 s0, $0x3;
	[tilespmem:$0x2F0] =	vst v16  }
0xb3: {  	[tilespmem:s18], [sflag:$0x4] =	stream.indirect.gather [hbm4b:s5+s13], $0x80, s17, s13, $0xb8;
	[tilespmem:$0xC300] =	vst v63  }
0xb4: {  	s1 =	simm.s32 @!p0 $0x0;
	p1 =	seq.s32 @!p0 s29, $0x0;
	s0 =	sadd.s32 @!p0 s4, s0  }
0xb5: {  	[tilespmem:s1], [sflag:$0x1] =	stream.linear.gather @!p0 [hbm4b:s0+s1], $0x80, $0x38;
	[tilespmem:$0xC300] =	vst v63  }
0xb6: {  	p0 =	por p0, !p1  }
0xb7: {  	_ =	swait.ge @p0 [sflag:s26], $0x2000  }
0xb8: {  	[sflag:s26] =	ssyncset.done @p0 $0x0  }
0xb9: {  	[sflag:s26] =	ssyncadd.s32 @p0 $0xFFFFE000  }
0xba: {  	_ =	swait.ge [sflag:s19], $0x4000  }
0xbb: {  	[sflag:s19] =	ssyncset.done $0x0  }
0xbc: {  	[sflag:s19] =	ssyncadd.s32 $0xFFFFC000  }
0xbd: {  	v21 =	vld [tilespmem:$0x200]  }
0xbe: {  	v20 =	vld [tilespmem:$0x210]  }
0xbf: {  	v18 =	vld [tilespmem:$0x220]  }
0xc0: {  	s6 =	simm.s32 $0x0;
	v17 =	vld [tilespmem:$0x230]  }
0xc1: {  	v24 =	vadd.s32 s6, v0;
	v16 =	vld [tilespmem:$0x250]  }
0xc2: {  	v22 =	vld [tilespmem:$0x240];
	v23 =	vadd.s32 v21, v24  }
0xc3: {  	v19 =	vld [tilespmem:$0x260];
	v25 =	vadd.s32 v20, v24;
	v26 =	vadd.s32 v1, v23  }
0xc4: {  	v27 =	vadd.s32 v18, v24;
	v23 =	vld [tilespmem:$0x270];
	v25 =	vadd.s32 v2, v25  }
0xc5: {  	v28 =	vadd.s32 v17, v24;
	v27 =	vadd.s32 v3, v27  }
0xc6: {  	v29 =	vadd.s32 v16, v24;
	v28 =	vadd.s32 v4, v28  }
0xc7: {  	v30 =	vadd.s32 v22, v24;
	v29 =	vadd.s32 v6, v29  }
0xc8: {  	v31 =	vadd.s32 v19, v24;
	v30 =	vadd.s32 v5, v30;
	v26 =	vld.idx.msk [tilespmem:v26+s15+$0x0], $0xffff  }
0xc9: {  	v31 =	vadd.s32 v7, v31;
	v32 =	vadd.s32 v23, v24;
	v25 =	vld.idx.msk [tilespmem:v25+s15+$0x0], $0xffff;
	v24 =	vshll.u32 v24, $0x7  }
0xca: {  	v27 =	vld.idx.msk [tilespmem:v27+s15+$0x0], $0xffff;
	v32 =	vadd.s32 v8, v32;
	v33 =	vor.u32 v0, v24  }
0xcb: {  	v28 =	vld.idx.msk [tilespmem:v28+s15+$0x0], $0xffff;
	v34 =	vor.u32 v9, v24  }
0xcc: {  	v29 =	vld.idx.msk [tilespmem:v29+s15+$0x0], $0xffff;
	v35 =	vor.u32 v10, v24  }
0xcd: {  	v30 =	vld.idx.msk [tilespmem:v30+s15+$0x0], $0xffff;
	v36 =	vor.u32 v11, v24  }
0xce: {  	s31 =	simm.s32 $0x20;
	v31 =	vld.idx.msk [tilespmem:v31+s15+$0x0], $0xffff;
	v37 =	vor.u32 v12, v24  }
0xcf: {  	v62 =	vadd.s32 s31, v0;
	v32 =	vld.idx.msk [tilespmem:v32+s15+$0x0], $0xffff;
	[tilespmem:v33+s20+$0x0] =	vst.idx.msk $0xffff, v26;
	v26 =	vor.u32 v13, v24  }
0xd0: {  	v33 =	vand.u32 $0x3F, v62;
	[tilespmem:v34+s20+$0x0] =	vst.idx.msk $0xffff, v25;
	v25 =	vor.u32 v14, v24  }
0xd1: {  	v24 =	vor.u32 v15, v24;
	[tilespmem:v35+s20+$0x0] =	vst.idx.msk $0xffff, v27;
	v27 =	vadd.s32 v21, v33  }
0xd2: {  	[tilespmem:v36+s20+$0x0] =	vst.idx.msk $0xffff, v28;
	v27 =	vadd.s32 v1, v27;
	v28 =	vadd.s32 v22, v33  }
0xd3: {  	[tilespmem:v37+s20+$0x0] =	vst.idx.msk $0xffff, v30;
	v28 =	vadd.s32 v5, v28;
	v30 =	vadd.s32 v23, v33  }
0xd4: {  	[tilespmem:v26+s20+$0x0] =	vst.idx.msk $0xffff, v29;
	v26 =	vadd.s32 v20, v33;
	v30 =	vadd.s32 v8, v30  }
0xd5: {  	[tilespmem:v25+s20+$0x0] =	vst.idx.msk $0xffff, v31;
	v63 =	vadd.s32 v2, v26;
	v25 =	vadd.s32 v18, v33  }
0xd6: {  	[tilespmem:v24+s20+$0x0] =	vst.idx.msk $0xffff, v32;
	v24 =	vadd.s32 v3, v25;
	v25 =	vadd.s32 v17, v33  }
0xd7: {  	v31 =	vld.idx.msk [tilespmem:v27+s15+$0x0], $0xffff;
	v41 =	vadd.s32 v4, v25;
	v25 =	vadd.s32 v19, v33  }
0xd8: {  	s30 =	simm.s32 $0x1;
	v26 =	vadd.s32 v16, v33;
	v27 =	vshll.u32 v33, $0x7;
	v28 =	vld.idx.msk [tilespmem:v28+s15+$0x0], $0xffff;
	v36 =	vadd.s32 v7, v25  }
0xd9: {  	v35 =	vadd.s32 v6, v26;
	v33 =	vadd.s32 s30, v0;
	v29 =	vor.u32 v11, v27;
	v25 =	vld.idx.msk [tilespmem:v30+s15+$0x0], $0xffff  }
0xda: {  	v26 =	vor.u32 v15, v27;
	v38 =	vor.u32 v0, v27;
	v32 =	vor.u32 v13, v27;
	v34 =	vld.idx.msk [tilespmem:v63+s15+$0x0], $0xffff  }
0xdb: {  	v40 =	vor.u32 v9, v27;
	v39 =	vor.u32 v10, v27;
	v43 =	vadd.s32 v21, v33;
	v37 =	vld.idx.msk [tilespmem:v24+s15+$0x0], $0xffff  }
0xdc: {  	s0 =	simm.s32 $0x2;
	v42 =	vadd.s32 v20, v33;
	v30 =	vor.u32 v14, v27;
	v24 =	vshll.u32 v33, $0x7;
	v41 =	vld.idx.msk [tilespmem:v41+s15+$0x0], $0xffff  }
.LBB2_7:
0xdd: {  	p0 =	sne.s32 s0, $0x1F;
	v43 =	vadd.s32 v1, v43;
	v44 =	vadd.s32 v18, v33;
	v45 =	vadd.s32 v16, v33;
	v36 =	vld.idx.msk [tilespmem:v36+s15+$0x0], $0xffff;
	s1 =	smov.u32 s0;
	s0 =	sadd.s32 $0x1, s0  }
0xde: {  	v42 =	vadd.s32 v2, v42;
	v27 =	vor.u32 v12, v27;
	v44 =	vadd.s32 v3, v44;
	v35 =	vld.idx.msk [tilespmem:v35+s15+$0x0], $0xffff  }
0xdf: {  	v46 =	vadd.s32 v17, v33;
	v47 =	vadd.s32 v22, v33;
	[tilespmem:v38+s20+$0x0] =	vst.idx.msk $0xffff, v31  }
0xe0: {  	v31 =	vadd.s32 v5, v47;
	v38 =	vadd.s32 v19, v33;
	[tilespmem:v40+s20+$0x0] =	vst.idx.msk $0xffff, v34  }
0xe1: {  	v33 =	vadd.s32 v23, v33;
	v34 =	vadd.s32 v7, v38;
	[tilespmem:v39+s20+$0x0] =	vst.idx.msk $0xffff, v37  }
0xe2: {  	v33 =	vadd.s32 v8, v33;
	v37 =	vadd.s32 v4, v46;
	[tilespmem:v29+s20+$0x0] =	vst.idx.msk $0xffff, v41  }
0xe3: {  	v29 =	vadd.s32 v6, v45;
	[tilespmem:v27+s20+$0x0] =	vst.idx.msk $0xffff, v28  }
0xe4: {  	[tilespmem:v32+s20+$0x0] =	vst.idx.msk $0xffff, v35  }
0xe5: {  	[tilespmem:v30+s20+$0x0] =	vst.idx.msk $0xffff, v36  }
0xe6: {  	[tilespmem:v26+s20+$0x0] =	vst.idx.msk $0xffff, v25  }
0xe7: {  	v25 =	vld.idx.msk [tilespmem:v43+s15+$0x0], $0xffff  }
0xe8: {  	v26 =	vld.idx.msk [tilespmem:v42+s15+$0x0], $0xffff  }
0xe9: {  	v27 =	vld.idx.msk [tilespmem:v44+s15+$0x0], $0xffff  }
0xea: {  	v30 =	vor.u32 v0, v24;
	v28 =	vld.idx.msk [tilespmem:v37+s15+$0x0], $0xffff  }
0xeb: {  	v32 =	vor.u32 v9, v24;
	v29 =	vld.idx.msk [tilespmem:v29+s15+$0x0], $0xffff  }
0xec: {  	v35 =	vor.u32 v10, v24;
	v31 =	vld.idx.msk [tilespmem:v31+s15+$0x0], $0xffff  }
0xed: {  	v36 =	vor.u32 v11, v24;
	v34 =	vld.idx.msk [tilespmem:v34+s15+$0x0], $0xffff  }
0xee: {  	s6 =	sadd.s32 $0x20, s30;
	s30 =	smov.u32 s1;
	v37 =	vor.u32 v12, v24;
	v33 =	vld.idx.msk [tilespmem:v33+s15+$0x0], $0xffff  }
0xef: {  	[tilespmem:v30+s20+$0x0] =	vst.idx.msk $0xffff, v25;
	v25 =	vor.u32 v13, v24;
	v30 =	vadd.s32 s6, v0  }
0xf0: {  	[tilespmem:v32+s20+$0x0] =	vst.idx.msk $0xffff, v26;
	v26 =	vor.u32 v14, v24;
	v30 =	vand.u32 $0x3F, v30  }
0xf1: {  	v24 =	vor.u32 v15, v24;
	[tilespmem:v35+s20+$0x0] =	vst.idx.msk $0xffff, v27;
	v32 =	vadd.s32 v21, v30;
	v27 =	vshll.u32 v30, $0x7  }
0xf2: {  	[tilespmem:v36+s20+$0x0] =	vst.idx.msk $0xffff, v28;
	v28 =	vadd.s32 v1, v32;
	v32 =	vadd.s32 v22, v30  }
0xf3: {  	[tilespmem:v37+s20+$0x0] =	vst.idx.msk $0xffff, v31;
	v32 =	vadd.s32 v5, v32;
	v31 =	vadd.s32 v23, v30  }
0xf4: {  	[tilespmem:v25+s20+$0x0] =	vst.idx.msk $0xffff, v29;
	v25 =	vadd.s32 v20, v30;
	v37 =	vadd.s32 v8, v31  }
0xf5: {  	[tilespmem:v26+s20+$0x0] =	vst.idx.msk $0xffff, v34;
	v34 =	vadd.s32 v2, v25;
	v25 =	vadd.s32 v18, v30  }
0xf6: {  	[tilespmem:v24+s20+$0x0] =	vst.idx.msk $0xffff, v33;
	v24 =	vadd.s32 v3, v25;
	v25 =	vadd.s32 v17, v30  }
0xf7: {  	v26 =	vadd.s32 v19, v30;
	v31 =	vld.idx.msk [tilespmem:v28+s15+$0x0], $0xffff;
	v41 =	vadd.s32 v4, v25;
	v25 =	vadd.s32 v16, v30  }
.Ltmp2:
0xf8: {  	v29 =	vor.u32 v11, v27;
	v36 =	vadd.s32 v7, v26;
	v28 =	vld.idx.msk [tilespmem:v32+s15+$0x0], $0xffff;
	(pc) =	sbr.rel @p0 .LBB2_7-.Ltmp2, $4  }
0xf9: {  	v26 =	vor.u32 v15, v27;
	v35 =	vadd.s32 v6, v25;
	v25 =	vld.idx.msk [tilespmem:v37+s15+$0x0], $0xffff  }
0xfa: {  	v38 =	vor.u32 v0, v27;
	v30 =	vor.u32 v14, v27;
	v32 =	vor.u32 v13, v27;
	v34 =	vld.idx.msk [tilespmem:v34+s15+$0x0], $0xffff  }
0xfb: {  	v40 =	vor.u32 v9, v27;
	v39 =	vor.u32 v10, v27;
	v33 =	vadd.s32 s30, v0;
	v37 =	vld.idx.msk [tilespmem:v24+s15+$0x0], $0xffff  }
0xfc: {  	v43 =	vadd.s32 v21, v33;
	v42 =	vadd.s32 v20, v33;
	v24 =	vshll.u32 v33, $0x7;
	v41 =	vld.idx.msk [tilespmem:v41+s15+$0x0], $0xffff  }
0xfd: {  	_ =	sdelay $0x3  }
0xfe: {  	v36 =	vld.idx.msk [tilespmem:v36+s15+$0x0], $0xffff;
	v27 =	vor.u32 v12, v27  }
0xff: {  	v35 =	vld.idx.msk [tilespmem:v35+s15+$0x0], $0xffff;
	[tilespmem:v38+s20+$0x0] =	vst.idx.msk $0xffff, v31  }
0x100: {  	[tilespmem:v40+s20+$0x0] =	vst.idx.msk $0xffff, v34  }
0x101: {  	[tilespmem:v39+s20+$0x0] =	vst.idx.msk $0xffff, v37  }
0x102: {  	v59 =	vadd.s32 v1, v43;
	[tilespmem:v29+s20+$0x0] =	vst.idx.msk $0xffff, v41  }
0x103: {  	v60 =	vadd.s32 v18, v33;
	v61 =	vadd.s32 v2, v42;
	[tilespmem:v27+s20+$0x0] =	vst.idx.msk $0xffff, v28  }
0x104: {  	v62 =	vadd.s32 v3, v60;
	v37 =	vadd.s32 v22, v33;
	[tilespmem:v32+s20+$0x0] =	vst.idx.msk $0xffff, v35  }
0x105: {  	v63 =	vadd.s32 v17, v33;
	v38 =	vadd.s32 v5, v37;
	[tilespmem:v30+s20+$0x0] =	vst.idx.msk $0xffff, v36  }
0x106: {  	v41 =	vadd.s32 v23, v33;
	v28 =	vadd.s32 v4, v63;
	[tilespmem:v26+s20+$0x0] =	vst.idx.msk $0xffff, v25  }
0x107: {  	v31 =	vadd.s32 v8, v41;
	v35 =	vadd.s32 v16, v33;
	v40 =	vld.idx.msk [tilespmem:v59+s15+$0x0], $0xffff  }
0x108: {  	v39 =	vadd.s32 v19, v33;
	v29 =	vadd.s32 v6, v35;
	v32 =	vld.idx.msk [tilespmem:v61+s15+$0x0], $0xffff  }
0x109: {  	v42 =	vor.u32 v0, v24;
	v26 =	vadd.s32 v7, v39;
	v27 =	vld.idx.msk [tilespmem:v62+s15+$0x0], $0xffff  }
0x10a: {  	v43 =	vor.u32 v9, v24;
	v25 =	vld.idx.msk [tilespmem:v38+s15+$0x0], $0xffff  }
0x10b: {  	v44 =	vor.u32 v10, v24;
	v28 =	vld.idx.msk [tilespmem:v28+s15+$0x0], $0xffff  }
0x10c: {  	v45 =	vor.u32 v11, v24;
	v31 =	vld.idx.msk [tilespmem:v31+s15+$0x0], $0xffff  }
0x10d: {  	v46 =	vor.u32 v12, v24;
	s0 =	sadd.s32 $0x20, s30;
	v29 =	vld.idx.msk [tilespmem:v29+s15+$0x0], $0xffff  }
0x10e: {  	v47 =	vor.u32 v13, v24;
	v48 =	vadd.s32 s0, v0;
	v26 =	vld.idx.msk [tilespmem:v26+s15+$0x0], $0xffff;
	[tilespmem:v42+s20+$0x0] =	vst.idx.msk $0xffff, v40  }
0x10f: {  	v49 =	vor.u32 v14, v24;
	v33 =	vand.u32 $0x3F, v48;
	[tilespmem:v43+s20+$0x0] =	vst.idx.msk $0xffff, v32  }
0x110: {  	v50 =	vor.u32 v15, v24;
	v21 =	vadd.s32 v21, v33;
	[tilespmem:v44+s20+$0x0] =	vst.idx.msk $0xffff, v27  }
0x111: {  	v51 =	vadd.s32 v22, v33;
	v21 =	vadd.s32 v1, v21;
	[tilespmem:v45+s20+$0x0] =	vst.idx.msk $0xffff, v28  }
0x112: {  	v52 =	vadd.s32 v23, v33;
	v22 =	vadd.s32 v5, v51;
	[tilespmem:v46+s20+$0x0] =	vst.idx.msk $0xffff, v25  }
0x113: {  	v20 =	vadd.s32 v20, v33;
	v23 =	vadd.s32 v8, v52;
	[tilespmem:v47+s20+$0x0] =	vst.idx.msk $0xffff, v29  }
0x114: {  	v53 =	vadd.s32 v18, v33;
	v20 =	vadd.s32 v2, v20;
	[tilespmem:v49+s20+$0x0] =	vst.idx.msk $0xffff, v26  }
0x115: {  	v17 =	vadd.s32 v17, v33;
	v18 =	vadd.s32 v3, v53;
	[tilespmem:v50+s20+$0x0] =	vst.idx.msk $0xffff, v31  }
0x116: {  	v54 =	vadd.s32 v19, v33;
	v17 =	vadd.s32 v4, v17;
	v21 =	vld.idx.msk [tilespmem:v21+s15+$0x0], $0xffff  }
0x117: {  	v16 =	vadd.s32 v16, v33;
	v55 =	vshll.u32 v33, $0x7;
	v19 =	vadd.s32 v7, v54;
	v22 =	vld.idx.msk [tilespmem:v22+s15+$0x0], $0xffff  }
0x118: {  	v16 =	vadd.s32 v6, v16;
	v56 =	vor.u32 v0, v55;
	v23 =	vld.idx.msk [tilespmem:v23+s15+$0x0], $0xffff  }
0x119: {  	v57 =	vor.u32 v9, v55;
	v20 =	vld.idx.msk [tilespmem:v20+s15+$0x0], $0xffff  }
0x11a: {  	v58 =	vor.u32 v10, v55;
	v18 =	vld.idx.msk [tilespmem:v18+s15+$0x0], $0xffff  }
0x11b: {  	v59 =	vor.u32 v11, v55;
	v17 =	vld.idx.msk [tilespmem:v17+s15+$0x0], $0xffff  }
0x11c: {  	v60 =	vor.u32 v12, v55;
	v19 =	vld.idx.msk [tilespmem:v19+s15+$0x0], $0xffff  }
0x11d: {  	v61 =	vor.u32 v13, v55;
	v16 =	vld.idx.msk [tilespmem:v16+s15+$0x0], $0xffff;
	[tilespmem:v56+s20+$0x0] =	vst.idx.msk $0xffff, v21  }
0x11e: {  	v62 =	vor.u32 v14, v55;
	[tilespmem:v57+s20+$0x0] =	vst.idx.msk $0xffff, v20  }
0x11f: {  	s31 =	sshll.u32 s29, $0x10;
	s29 =	sadd.s32 $0x1, s29;
	v63 =	vor.u32 v15, v55;
	[tilespmem:v58+s20+$0x0] =	vst.idx.msk $0xffff, v18  }
0x120: {  	p0 =	sne.s32 s29, $0x64;
	[tilespmem:v59+s20+$0x0] =	vst.idx.msk $0xffff, v17  }
.Ltmp3:
0x121: {  	[tilespmem:v60+s20+$0x0] =	vst.idx.msk $0xffff, v22;
	(pc) =	sbr.rel @p0 .LBB2_2-.Ltmp3, $4  }
0x122: {  	[tilespmem:v61+s20+$0x0] =	vst.idx.msk $0xffff, v16  }
0x123: {  	[tilespmem:v62+s20+$0x0] =	vst.idx.msk $0xffff, v19  }
0x124: {  	s0 =	sadd.s32 s31, s9;
	[tilespmem:v63+s20+$0x0] =	vst.idx.msk $0xffff, v23  }
0x125: {  	[hbm4b:s0+s21] =	stream.strided.scatter [tilespmem:s20], [sflag:$0x5], $0x2000, s22, s21, $0x38;
	[tilespmem:$0xC300] =	vst v63  }
0x126: {  	_ =	swait.ge [sflag:s23], $0x2000  }
0x127: {  	[sflag:s23] =	ssyncset.done $0x0  }
0x128: {  	[sflag:s23] =	ssyncadd.s32 $0xFFFFE000  }
0x129: {  	_ =	swait.ge [sflag:s24], $0x4000  }
0x12a: {  	[sflag:s24] =	ssyncset.done $0x0  }
0x12b: {  	[sflag:s24] =	ssyncadd.s32 $0xFFFFC000  }
0x12c: {  	v21 =	vld [tilespmem:$0x280]  }
0x12d: {  	v20 =	vld [tilespmem:$0x290]  }
0x12e: {  	v18 =	vld [tilespmem:$0x2A0]  }
0x12f: {  	s0 =	simm.s32 $0x0;
	v17 =	vld [tilespmem:$0x2B0]  }
0x130: {  	v24 =	vadd.s32 s0, v0;
	v16 =	vld [tilespmem:$0x2D0]  }
0x131: {  	v22 =	vld [tilespmem:$0x2C0];
	v23 =	vadd.s32 v21, v24  }
0x132: {  	v19 =	vld [tilespmem:$0x2E0];
	v25 =	vadd.s32 v20, v24;
	v26 =	vadd.s32 v1, v23  }
0x133: {  	v27 =	vadd.s32 v18, v24;
	v23 =	vld [tilespmem:$0x2F0];
	v25 =	vadd.s32 v2, v25  }
0x134: {  	v28 =	vadd.s32 v17, v24;
	v27 =	vadd.s32 v3, v27  }
0x135: {  	v29 =	vadd.s32 v16, v24;
	v28 =	vadd.s32 v4, v28  }
0x136: {  	v30 =	vadd.s32 v22, v24;
	v29 =	vadd.s32 v6, v29  }
0x137: {  	v31 =	vadd.s32 v19, v24;
	v30 =	vadd.s32 v5, v30;
	v26 =	vld.idx.msk [tilespmem:v26+s18+$0x0], $0xffff  }
0x138: {  	v31 =	vadd.s32 v7, v31;
	v32 =	vadd.s32 v23, v24;
	v25 =	vld.idx.msk [tilespmem:v25+s18+$0x0], $0xffff;
	v24 =	vshll.u32 v24, $0x7  }
0x139: {  	v27 =	vld.idx.msk [tilespmem:v27+s18+$0x0], $0xffff;
	v32 =	vadd.s32 v8, v32;
	v33 =	vor.u32 v0, v24  }
0x13a: {  	v28 =	vld.idx.msk [tilespmem:v28+s18+$0x0], $0xffff;
	v34 =	vor.u32 v9, v24  }
0x13b: {  	v29 =	vld.idx.msk [tilespmem:v29+s18+$0x0], $0xffff;
	v35 =	vor.u32 v10, v24  }
0x13c: {  	v30 =	vld.idx.msk [tilespmem:v30+s18+$0x0], $0xffff;
	v36 =	vor.u32 v11, v24  }
0x13d: {  	s31 =	simm.s32 $0x20;
	v31 =	vld.idx.msk [tilespmem:v31+s18+$0x0], $0xffff;
	v37 =	vor.u32 v12, v24  }
0x13e: {  	v62 =	vadd.s32 s31, v0;
	v32 =	vld.idx.msk [tilespmem:v32+s18+$0x0], $0xffff;
	[tilespmem:v33+s25+$0x0] =	vst.idx.msk $0xffff, v26;
	v26 =	vor.u32 v13, v24  }
0x13f: {  	v33 =	vand.u32 $0x3F, v62;
	[tilespmem:v34+s25+$0x0] =	vst.idx.msk $0xffff, v25;
	v25 =	vor.u32 v14, v24  }
0x140: {  	v24 =	vor.u32 v15, v24;
	[tilespmem:v35+s25+$0x0] =	vst.idx.msk $0xffff, v27;
	v27 =	vadd.s32 v21, v33  }
0x141: {  	[tilespmem:v36+s25+$0x0] =	vst.idx.msk $0xffff, v28;
	v27 =	vadd.s32 v1, v27;
	v28 =	vadd.s32 v22, v33  }
0x142: {  	[tilespmem:v37+s25+$0x0] =	vst.idx.msk $0xffff, v30;
	v28 =	vadd.s32 v5, v28;
	v30 =	vadd.s32 v23, v33  }
0x143: {  	[tilespmem:v26+s25+$0x0] =	vst.idx.msk $0xffff, v29;
	v26 =	vadd.s32 v20, v33;
	v30 =	vadd.s32 v8, v30  }
0x144: {  	[tilespmem:v25+s25+$0x0] =	vst.idx.msk $0xffff, v31;
	v63 =	vadd.s32 v2, v26;
	v25 =	vadd.s32 v18, v33  }
0x145: {  	[tilespmem:v24+s25+$0x0] =	vst.idx.msk $0xffff, v32;
	v24 =	vadd.s32 v3, v25;
	v25 =	vadd.s32 v17, v33  }
0x146: {  	v31 =	vld.idx.msk [tilespmem:v27+s18+$0x0], $0xffff;
	v41 =	vadd.s32 v4, v25;
	v25 =	vadd.s32 v19, v33  }
0x147: {  	s29 =	simm.s32 $0x1;
	v26 =	vadd.s32 v16, v33;
	v27 =	vshll.u32 v33, $0x7;
	v28 =	vld.idx.msk [tilespmem:v28+s18+$0x0], $0xffff;
	v36 =	vadd.s32 v7, v25  }
0x148: {  	v35 =	vadd.s32 v6, v26;
	v33 =	vadd.s32 s29, v0;
	v29 =	vor.u32 v11, v27;
	v25 =	vld.idx.msk [tilespmem:v30+s18+$0x0], $0xffff  }
0x149: {  	v26 =	vor.u32 v15, v27;
	v38 =	vor.u32 v0, v27;
	v32 =	vor.u32 v13, v27;
	v34 =	vld.idx.msk [tilespmem:v63+s18+$0x0], $0xffff  }
0x14a: {  	v40 =	vor.u32 v9, v27;
	v39 =	vor.u32 v10, v27;
	v43 =	vadd.s32 v21, v33;
	v37 =	vld.idx.msk [tilespmem:v24+s18+$0x0], $0xffff  }
0x14b: {  	s0 =	simm.s32 $0x2;
	v42 =	vadd.s32 v20, v33;
	v30 =	vor.u32 v14, v27;
	v24 =	vshll.u32 v33, $0x7;
	v41 =	vld.idx.msk [tilespmem:v41+s18+$0x0], $0xffff  }
.LBB2_10:
0x14c: {  	p0 =	sne.s32 s0, $0x1F;
	v43 =	vadd.s32 v1, v43;
	v44 =	vadd.s32 v18, v33;
	v45 =	vadd.s32 v16, v33;
	v36 =	vld.idx.msk [tilespmem:v36+s18+$0x0], $0xffff;
	s1 =	smov.u32 s0;
	s0 =	sadd.s32 $0x1, s0  }
0x14d: {  	v42 =	vadd.s32 v2, v42;
	v27 =	vor.u32 v12, v27;
	v44 =	vadd.s32 v3, v44;
	v35 =	vld.idx.msk [tilespmem:v35+s18+$0x0], $0xffff  }
0x14e: {  	v46 =	vadd.s32 v17, v33;
	v47 =	vadd.s32 v22, v33;
	[tilespmem:v38+s25+$0x0] =	vst.idx.msk $0xffff, v31  }
0x14f: {  	v31 =	vadd.s32 v5, v47;
	v38 =	vadd.s32 v19, v33;
	[tilespmem:v40+s25+$0x0] =	vst.idx.msk $0xffff, v34  }
0x150: {  	v33 =	vadd.s32 v23, v33;
	v34 =	vadd.s32 v7, v38;
	[tilespmem:v39+s25+$0x0] =	vst.idx.msk $0xffff, v37  }
0x151: {  	v33 =	vadd.s32 v8, v33;
	v37 =	vadd.s32 v4, v46;
	[tilespmem:v29+s25+$0x0] =	vst.idx.msk $0xffff, v41  }
0x152: {  	v29 =	vadd.s32 v6, v45;
	[tilespmem:v27+s25+$0x0] =	vst.idx.msk $0xffff, v28  }
0x153: {  	[tilespmem:v32+s25+$0x0] =	vst.idx.msk $0xffff, v35  }
0x154: {  	[tilespmem:v30+s25+$0x0] =	vst.idx.msk $0xffff, v36  }
0x155: {  	[tilespmem:v26+s25+$0x0] =	vst.idx.msk $0xffff, v25  }
0x156: {  	v25 =	vld.idx.msk [tilespmem:v43+s18+$0x0], $0xffff  }
0x157: {  	v26 =	vld.idx.msk [tilespmem:v42+s18+$0x0], $0xffff  }
0x158: {  	v27 =	vld.idx.msk [tilespmem:v44+s18+$0x0], $0xffff  }
0x159: {  	v30 =	vor.u32 v0, v24;
	v28 =	vld.idx.msk [tilespmem:v37+s18+$0x0], $0xffff  }
0x15a: {  	v32 =	vor.u32 v9, v24;
	v29 =	vld.idx.msk [tilespmem:v29+s18+$0x0], $0xffff  }
0x15b: {  	v35 =	vor.u32 v10, v24;
	v31 =	vld.idx.msk [tilespmem:v31+s18+$0x0], $0xffff  }
0x15c: {  	v36 =	vor.u32 v11, v24;
	v34 =	vld.idx.msk [tilespmem:v34+s18+$0x0], $0xffff  }
0x15d: {  	s6 =	sadd.s32 $0x20, s29;
	s29 =	smov.u32 s1;
	v37 =	vor.u32 v12, v24;
	v33 =	vld.idx.msk [tilespmem:v33+s18+$0x0], $0xffff  }
0x15e: {  	[tilespmem:v30+s25+$0x0] =	vst.idx.msk $0xffff, v25;
	v25 =	vor.u32 v13, v24;
	v30 =	vadd.s32 s6, v0  }
0x15f: {  	[tilespmem:v32+s25+$0x0] =	vst.idx.msk $0xffff, v26;
	v26 =	vor.u32 v14, v24;
	v30 =	vand.u32 $0x3F, v30  }
0x160: {  	v24 =	vor.u32 v15, v24;
	[tilespmem:v35+s25+$0x0] =	vst.idx.msk $0xffff, v27;
	v32 =	vadd.s32 v21, v30;
	v27 =	vshll.u32 v30, $0x7  }
0x161: {  	[tilespmem:v36+s25+$0x0] =	vst.idx.msk $0xffff, v28;
	v28 =	vadd.s32 v1, v32;
	v32 =	vadd.s32 v22, v30  }
0x162: {  	[tilespmem:v37+s25+$0x0] =	vst.idx.msk $0xffff, v31;
	v32 =	vadd.s32 v5, v32;
	v31 =	vadd.s32 v23, v30  }
0x163: {  	[tilespmem:v25+s25+$0x0] =	vst.idx.msk $0xffff, v29;
	v25 =	vadd.s32 v20, v30;
	v37 =	vadd.s32 v8, v31  }
0x164: {  	[tilespmem:v26+s25+$0x0] =	vst.idx.msk $0xffff, v34;
	v34 =	vadd.s32 v2, v25;
	v25 =	vadd.s32 v18, v30  }
0x165: {  	[tilespmem:v24+s25+$0x0] =	vst.idx.msk $0xffff, v33;
	v24 =	vadd.s32 v3, v25;
	v25 =	vadd.s32 v17, v30  }
0x166: {  	v26 =	vadd.s32 v19, v30;
	v31 =	vld.idx.msk [tilespmem:v28+s18+$0x0], $0xffff;
	v41 =	vadd.s32 v4, v25;
	v25 =	vadd.s32 v16, v30  }
.Ltmp4:
0x167: {  	v29 =	vor.u32 v11, v27;
	v36 =	vadd.s32 v7, v26;
	v28 =	vld.idx.msk [tilespmem:v32+s18+$0x0], $0xffff;
	(pc) =	sbr.rel @p0 .LBB2_10-.Ltmp4, $4  }
0x168: {  	v26 =	vor.u32 v15, v27;
	v35 =	vadd.s32 v6, v25;
	v25 =	vld.idx.msk [tilespmem:v37+s18+$0x0], $0xffff  }
0x169: {  	v38 =	vor.u32 v0, v27;
	v30 =	vor.u32 v14, v27;
	v32 =	vor.u32 v13, v27;
	v34 =	vld.idx.msk [tilespmem:v34+s18+$0x0], $0xffff  }
0x16a: {  	v40 =	vor.u32 v9, v27;
	v39 =	vor.u32 v10, v27;
	v33 =	vadd.s32 s29, v0;
	v37 =	vld.idx.msk [tilespmem:v24+s18+$0x0], $0xffff  }
0x16b: {  	v43 =	vadd.s32 v21, v33;
	v42 =	vadd.s32 v20, v33;
	v24 =	vshll.u32 v33, $0x7;
	v41 =	vld.idx.msk [tilespmem:v41+s18+$0x0], $0xffff  }
0x16c: {  	_ =	sdelay $0x3  }
0x16d: {  	v36 =	vld.idx.msk [tilespmem:v36+s18+$0x0], $0xffff;
	v27 =	vor.u32 v12, v27  }
0x16e: {  	v35 =	vld.idx.msk [tilespmem:v35+s18+$0x0], $0xffff;
	[tilespmem:v38+s25+$0x0] =	vst.idx.msk $0xffff, v31  }
0x16f: {  	[tilespmem:v40+s25+$0x0] =	vst.idx.msk $0xffff, v34  }
0x170: {  	[tilespmem:v39+s25+$0x0] =	vst.idx.msk $0xffff, v37  }
0x171: {  	v59 =	vadd.s32 v1, v43;
	[tilespmem:v29+s25+$0x0] =	vst.idx.msk $0xffff, v41  }
0x172: {  	v60 =	vadd.s32 v18, v33;
	v61 =	vadd.s32 v2, v42;
	[tilespmem:v27+s25+$0x0] =	vst.idx.msk $0xffff, v28  }
0x173: {  	v62 =	vadd.s32 v3, v60;
	v37 =	vadd.s32 v22, v33;
	[tilespmem:v32+s25+$0x0] =	vst.idx.msk $0xffff, v35  }
0x174: {  	v63 =	vadd.s32 v17, v33;
	v38 =	vadd.s32 v5, v37;
	[tilespmem:v30+s25+$0x0] =	vst.idx.msk $0xffff, v36  }
0x175: {  	v41 =	vadd.s32 v23, v33;
	v28 =	vadd.s32 v4, v63;
	[tilespmem:v26+s25+$0x0] =	vst.idx.msk $0xffff, v25  }
0x176: {  	v31 =	vadd.s32 v8, v41;
	v35 =	vadd.s32 v16, v33;
	v40 =	vld.idx.msk [tilespmem:v59+s18+$0x0], $0xffff  }
0x177: {  	v39 =	vadd.s32 v19, v33;
	v29 =	vadd.s32 v6, v35;
	v32 =	vld.idx.msk [tilespmem:v61+s18+$0x0], $0xffff  }
0x178: {  	v42 =	vor.u32 v0, v24;
	v26 =	vadd.s32 v7, v39;
	v27 =	vld.idx.msk [tilespmem:v62+s18+$0x0], $0xffff  }
0x179: {  	v43 =	vor.u32 v9, v24;
	v25 =	vld.idx.msk [tilespmem:v38+s18+$0x0], $0xffff  }
0x17a: {  	v44 =	vor.u32 v10, v24;
	v28 =	vld.idx.msk [tilespmem:v28+s18+$0x0], $0xffff  }
0x17b: {  	v45 =	vor.u32 v11, v24;
	v31 =	vld.idx.msk [tilespmem:v31+s18+$0x0], $0xffff  }
0x17c: {  	v46 =	vor.u32 v12, v24;
	s0 =	sadd.s32 $0x20, s29;
	v29 =	vld.idx.msk [tilespmem:v29+s18+$0x0], $0xffff  }
0x17d: {  	v47 =	vor.u32 v13, v24;
	v48 =	vadd.s32 s0, v0;
	v26 =	vld.idx.msk [tilespmem:v26+s18+$0x0], $0xffff;
	[tilespmem:v42+s25+$0x0] =	vst.idx.msk $0xffff, v40  }
0x17e: {  	v49 =	vor.u32 v14, v24;
	v33 =	vand.u32 $0x3F, v48;
	[tilespmem:v43+s25+$0x0] =	vst.idx.msk $0xffff, v32  }
0x17f: {  	v50 =	vor.u32 v15, v24;
	v21 =	vadd.s32 v21, v33;
	[tilespmem:v44+s25+$0x0] =	vst.idx.msk $0xffff, v27  }
0x180: {  	v51 =	vadd.s32 v22, v33;
	v21 =	vadd.s32 v1, v21;
	[tilespmem:v45+s25+$0x0] =	vst.idx.msk $0xffff, v28  }
0x181: {  	v52 =	vadd.s32 v23, v33;
	v22 =	vadd.s32 v5, v51;
	[tilespmem:v46+s25+$0x0] =	vst.idx.msk $0xffff, v25  }
0x182: {  	v20 =	vadd.s32 v20, v33;
	v23 =	vadd.s32 v8, v52;
	[tilespmem:v47+s25+$0x0] =	vst.idx.msk $0xffff, v29  }
0x183: {  	v53 =	vadd.s32 v18, v33;
	v20 =	vadd.s32 v2, v20;
	[tilespmem:v49+s25+$0x0] =	vst.idx.msk $0xffff, v26  }
0x184: {  	v17 =	vadd.s32 v17, v33;
	v18 =	vadd.s32 v3, v53;
	[tilespmem:v50+s25+$0x0] =	vst.idx.msk $0xffff, v31  }
0x185: {  	v54 =	vadd.s32 v19, v33;
	v17 =	vadd.s32 v4, v17;
	v21 =	vld.idx.msk [tilespmem:v21+s18+$0x0], $0xffff  }
0x186: {  	v16 =	vadd.s32 v16, v33;
	v55 =	vshll.u32 v33, $0x7;
	v19 =	vadd.s32 v7, v54;
	v22 =	vld.idx.msk [tilespmem:v22+s18+$0x0], $0xffff  }
0x187: {  	v16 =	vadd.s32 v6, v16;
	v56 =	vor.u32 v0, v55;
	v23 =	vld.idx.msk [tilespmem:v23+s18+$0x0], $0xffff  }
0x188: {  	v57 =	vor.u32 v9, v55;
	v20 =	vld.idx.msk [tilespmem:v20+s18+$0x0], $0xffff  }
0x189: {  	v58 =	vor.u32 v10, v55;
	v18 =	vld.idx.msk [tilespmem:v18+s18+$0x0], $0xffff  }
0x18a: {  	v59 =	vor.u32 v11, v55;
	v17 =	vld.idx.msk [tilespmem:v17+s18+$0x0], $0xffff  }
0x18b: {  	v60 =	vor.u32 v12, v55;
	v19 =	vld.idx.msk [tilespmem:v19+s18+$0x0], $0xffff  }
0x18c: {  	v61 =	vor.u32 v13, v55;
	v16 =	vld.idx.msk [tilespmem:v16+s18+$0x0], $0xffff;
	[tilespmem:v56+s25+$0x0] =	vst.idx.msk $0xffff, v21  }
0x18d: {  	v62 =	vor.u32 v14, v55;
	[tilespmem:v57+s25+$0x0] =	vst.idx.msk $0xffff, v20  }
0x18e: {  	v63 =	vor.u32 v15, v55;
	[tilespmem:v58+s25+$0x0] =	vst.idx.msk $0xffff, v18  }
0x18f: {  	[tilespmem:v59+s25+$0x0] =	vst.idx.msk $0xffff, v17  }
0x190: {  	[tilespmem:v60+s25+$0x0] =	vst.idx.msk $0xffff, v22  }
0x191: {  	[tilespmem:v61+s25+$0x0] =	vst.idx.msk $0xffff, v16  }
0x192: {  	[tilespmem:v62+s25+$0x0] =	vst.idx.msk $0xffff, v19  }
0x193: {  	s28 =	sadd.s32 $0x1, s28;
	[tilespmem:v63+s25+$0x0] =	vst.idx.msk $0xffff, v23  }
0x194: {  	[hbm4b:s10+s21] =	stream.strided.scatter [tilespmem:s25], [sflag:$0x6], $0x2000, s22, s21, $0x38;
	[tilespmem:$0xC300] =	vst v63  }
0x195: {  	p0 =	sne.s32 s28, s11;
	_ =	swait.ge [sflag:s26], $0x2000  }
.Ltmp5:
0x196: {  	[sflag:s26] =	ssyncset.done $0x0;
	(pc) =	sbr.rel @p0 .LBB2_1-.Ltmp5, $4  }
0x197: {  	[sflag:s26] =	ssyncadd.s32 $0xFFFFE000  }
0x198: {  	_ =	swait.ge [sflag:s23], $0x2000  }
0x199: {  	[sflag:s23] =	ssyncset.done $0x0  }
0x19a: {  	[sflag:s23] =	ssyncadd.s32 $0xFFFFE000  }
0x19b: {  	_ =	sfence.sel $0x180000  }
0x19c: {  	[bflag:$0x0] =	sbarrier.arrive $0xFFFF  }
0x19d: {  	_ =	strace $0x9000004A  }
0x19e: {  	s0 =	stileid.u32;
	[bflag:$0x2] =	sbarrier.arrive $0xFFFF  }
0x19f: {  	p0 =	sne.s32 s0, $0x0;
	s0 =	rddreg [dreg:$0x2]  }
0x1a0: {  	s0 =	sadd.s32 @!p0 $0x100000, s0  }
0x1a1: {  	[sflag:s0] =	ssyncadd.tile.s32 @!p0 $0x1;
	_ =	shalt  }
.Lfunc_end2:
_tile_overlayer_lowered:
.L_overlay_start_2:
0x1a2: {  	(tag) =	ssettag $0x2  }
0x1a3: {  	s0 =	rddreg [dreg:$0x0];
	s2 =	stileid.u32  }
0x1a4: {  	s1 =	rddreg [dreg:$0x1];
	p0 =	sne.s32 s2, $0x0  }
0x1a5: {  	s3 =	rddreg [dreg:$0x2];
	[bflag:$0x3] =	sbarrier.arrive $0xFFFF;
	s2 =	simm.s32 @!p0 $0x1C07  }
0x1a6: {  	[timem:s3], [sflag:s2] =	dma.local @!p0 [hbm:s0], s1  }
0x1a7: {  	s0 =	simm.s32 @!p0 $0x7  }
0x1a8: {  	_ =	swait.ge @!p0 [sflag:s0], s1  }
0x1a9: {  	s1 =	ssub.s32 @!p0 $0x0, s1;
	[sflag:s0] =	ssyncset.done @!p0 $0x0  }
0x1aa: {  	[sflag:s0] =	ssyncadd.s32 @!p0 s1  }
0x1ab: {  	[bflag:$0x3] =	sbarrier.arrive $0xFFFF  }
0x1ac: {  	_ =	shalt  }

</sc_bundles>
